<compile_context>
chip_gen: v7x
topology: tpu7x:2x2x1
jax: 0.10.2.dev20260603
libtpu: 0.0.44.dev20260713+nightly
codegen_flags: <defaults>
</compile_context>

<pallas_src>
import functools

import jax
import jax.numpy as jnp
from jax import lax
from jax.experimental import pallas as pl
from jax.experimental.pallas import tpu as pltpu
from jax.experimental.pallas import tpu_sc as plsc

_N_EMB = 32
_N_REGIONS = 4
_B, _T, _N = 512, 32, 256
_BT = _B * _T
_GRP = 16
_NBINS = _N_REGIONS * 64


def _sc_histogram(x2d, off):
    info = plsc.get_sparse_core_info()
    nw = info.num_cores * info.num_subcores
    tok_per_w = _BT // nw
    groups = tok_per_w // _GRP

    mesh = plsc.VectorSubcoreMesh(core_axis_name="c", subcore_axis_name="s")

    @functools.partial(
        pl.kernel,
        mesh=mesh,
        compiler_params=pltpu.CompilerParams(
            needs_layout_passes=False, use_tc_tiling_on_sc=True),
        out_type=jax.ShapeDtypeStruct((_T, _B, _NBINS), jnp.float32),
        scratch_types=[
            pltpu.VMEM((_GRP, _N), jnp.int32),
            pltpu.VMEM((_GRP, _N), jnp.int32),
            pltpu.VMEM((_GRP, _NBINS), jnp.float32),
            pltpu.VMEM((_GRP, _NBINS), jnp.float32),
            pltpu.VMEM((_N,), jnp.int32),
            pltpu.SemaphoreType.DMA,
            pltpu.SemaphoreType.DMA,
            pltpu.SemaphoreType.DMA,
            pltpu.SemaphoreType.DMA,
        ],
    )
    def k(x_hbm, off_hbm, counts_hbm, xblk0, xblk1, acc0, acc1, offv,
          sin0, sin1, sout0, sout1):
        wid = lax.axis_index("s") * info.num_cores + lax.axis_index("c")
        xblk = (xblk0, xblk1)
        acc = (acc0, acc1)
        sin = (sin0, sin1)
        sout = (sout0, sout1)
        pltpu.sync_copy(off_hbm, offv)
        ones = jnp.ones((16,), jnp.float32)
        zeros = jnp.zeros((16,), jnp.float32)
        zeros_i = jnp.zeros((16,), jnp.int32)
        offs = [offv[pl.ds(kk * 16, 16)] for kk in range(16)]

        def in_copy(g, b):
            tok0 = (wid * groups + g) * _GRP
            return pltpu.make_async_copy(
                x_hbm.at[pl.ds(tok0, _GRP), :], xblk[b], sin[b])

        def out_copy(g, b):
            tok0 = (wid * groups + g) * _GRP
            t0 = tok0 % _T
            b0 = tok0 // _T
            return pltpu.make_async_copy(
                acc[b], counts_hbm.at[pl.ds(t0, _GRP), b0, :], sout[b])

        def zero(q):
            def zbody(i, c):
                for kk in range(16):
                    acc[q][i, pl.ds(kk * 16, 16)] = zeros
                return c
            lax.fori_loop(0, _GRP, zbody, 0)

        def hist(b, q):
            @plsc.parallel_loop(0, _GRP, unroll=8)
            def hbody(tok):
                row = zeros_i + tok
                for kk in range(16):
                    xv = xblk[b][tok, pl.ds(kk * 16, 16)]
                    plsc.addupdate_scatter(
                        acc[q], [row, xv + offs[kk]], ones)

        in_copy(0, 0).start()
        in_copy(1, 1).start()
        zero(0)
        zero(1)

        def pair_body(gg, carry):
            for b in range(2):
                g = 2 * gg + b

                @pl.when(g >= 2)
                def _wait_prev_out():
                    out_copy(g - 2, b).wait()

                in_copy(g, b).wait()
                hist(b, b)
                out_copy(g, b).start()

                @pl.when(g + 2 < groups)
                def _prefetch():
                    in_copy(g + 2, b).start()
            return carry

        lax.fori_loop(0, groups // 2, pair_body, 0)
        out_copy(groups - 2, 0).wait()
        out_copy(groups - 1, 1).wait()

    return k(x2d, off)


def _tc_assemble(counts_t, w, eye, hemi_big):
    tchunk = 8
    tb = tchunk * _B
    n_out = 2 * _N_REGIONS * _N_EMB + 1

    def body(c_ref, w_ref, e_ref, h_ref, o_ref):
        c = c_ref[...]
        row = lax.broadcasted_iota(jnp.int32, (tb, 1), 0)
        keep = (row % 16 != 0).astype(jnp.float32)
        prev = jnp.concatenate(
            [jnp.zeros((1, _NBINS), jnp.float32), c[:-1]], axis=0)
        d = c - keep * prev
        r = lax.dot_general(
            d, w_ref[...], (((1,), (0,)), ((), ())),
            preferred_element_type=jnp.float32)
        rt = lax.dot_general(
            e_ref[...], r, (((1,), (1,)), ((), ())),
            preferred_element_type=jnp.float32)
        h = h_ref[...]
        for j in range(tchunk):
            o_ref[0:128, j, :] = rt[:, j * _B:(j + 1) * _B]
            o_ref[256:257, j, :] = h[0:1, j * _B:(j + 1) * _B]
        o_ref[128:256, :, :] = jnp.zeros((128, tchunk, _B), jnp.float32)

    out_t = pl.pallas_call(
        body,
        grid=(_T // tchunk,),
        in_specs=[
            pl.BlockSpec((tb, _NBINS), lambda i: (i, 0)),
            pl.BlockSpec((_NBINS, 128), lambda i: (0, 0)),
            pl.BlockSpec((128, 128), lambda i: (0, 0)),
            pl.BlockSpec((1, tb), lambda i: (0, i)),
        ],
        out_specs=pl.BlockSpec((n_out, tchunk, _B), lambda i: (0, i, 0)),
        out_shape=jax.ShapeDtypeStruct((n_out, _T, _B), jnp.float32),
    )(counts_t, w, eye, hemi_big)
    return jnp.transpose(out_t, (2, 1, 0))


def kernel(x, neuron_regions, is_left, table_0, table_1, table_2, table_3,
           hemi_table):
    nr = neuron_regions.astype(jnp.int32)
    x2d = x.reshape(_BT, _N).astype(jnp.int32)
    off = nr * 64

    counts_t = _sc_histogram(x2d, off).reshape(_BT, _NBINS)

    cnt = jnp.sum(
        (nr[:, None] == jnp.arange(_N_REGIONS, dtype=jnp.int32)[None, :])
        .astype(jnp.float32), axis=0)
    tables = jnp.stack([table_0, table_1, table_2, table_3])
    scaled = tables / cnt[:, None, None]
    w = (scaled[:, :, None, :]
         * jnp.eye(_N_REGIONS, dtype=jnp.float32)[:, None, :, None]
         ).reshape(_NBINS, _N_REGIONS * _N_EMB)
    hemi_vec = hemi_table[is_left[0]]
    hemi_big = jnp.repeat(hemi_vec, _B)[None, :]
    eye = jnp.eye(128, dtype=jnp.float32)

    return _tc_assemble(counts_t, w, eye, hemi_big)

# --- scband reference (transcript-rebuilt; emitter-appended) ---
"""Pipeline reference for scband-linear-stitcher-37881611551324 (READ-ONLY COPY).

The authoritative reference and input builder live on the scoring server;
editing this copy changes nothing except your own understanding.
"""

import jax, jax.numpy as jnp
import numpy as np

N_EMB = 32
N_REGIONS = 4
N_NEURONS_PER_REGION = 64
B, T, N = 512, 32, 256


def setup_inputs(seed: int = 0) -> dict:
    key = jax.random.key(seed)
    ks = jax.random.split(key, 8)
    x = jax.random.randint(ks[0], (B, T, N), 0, N_NEURONS_PER_REGION)
    neuron_regions = jnp.sort(jax.random.randint(ks[1], (N,), 0, N_REGIONS))
    is_left = jax.random.randint(ks[2], (1,), 0, 2)
    table_0 = jax.random.normal(ks[3], (N_NEURONS_PER_REGION, N_EMB), dtype=jnp.float32) * 0.02
    table_1 = jax.random.normal(ks[4], (N_NEURONS_PER_REGION, N_EMB), dtype=jnp.float32) * 0.02
    table_2 = jax.random.normal(ks[5], (N_NEURONS_PER_REGION, N_EMB), dtype=jnp.float32) * 0.02
    table_3 = jax.random.normal(ks[6], (N_NEURONS_PER_REGION, N_EMB), dtype=jnp.float32) * 0.02
    hemi_table = jax.random.normal(ks[7], (2, N_EMB), dtype=jnp.float32) * 0.02
    return {
        "x": x,
        "neuron_regions": neuron_regions,
        "is_left": is_left,
        "table_0": table_0,
        "table_1": table_1,
        "table_2": table_2,
        "table_3": table_3,
        "hemi_table": hemi_table,
    }


def reference(x, neuron_regions, is_left, table_0, table_1, table_2, table_3, hemi_table):
    # eid is fixed to 'sess0' (single-session harness); tables correspond to
    # session_area_linears['sess0_{a}'] for a in areaoi_ind = [0,1,2,3].
    b, t, n = x.shape
    xT = jnp.transpose(x, (0, 2, 1))  # [B, N, T]
    tables = [table_0, table_1, table_2, table_3]
    region_emb = jnp.zeros((b, N_REGIONS * N_EMB * 2, t), dtype=jnp.float32)
    for a in range(N_REGIONS):
        mask = (neuron_regions == a).astype(jnp.float32)  # [N], fixed shape
        emb = jnp.take(tables[a], xT, axis=0)  # [B, N, T, N_EMB] gather
        red = jnp.sum(emb * mask[None, :, None, None], axis=1) / jnp.sum(mask)  # [B, T, N_EMB] pool over neurons in region
        region_emb = region_emb.at[:, a * N_EMB:(a + 1) * N_EMB, :].set(
            jnp.transpose(red, (0, 2, 1)))
    hemi = jnp.take(hemi_table, is_left, axis=0)  # [1, N_EMB]
    hemi = jnp.broadcast_to(hemi[:, None, :], (b, 1, N_EMB))  # expand(B, 1, N_EMB)
    emb_x = jnp.concatenate([region_emb, hemi], axis=1)  # [B, 2*R*N_EMB + 1, T]
    return jnp.transpose(emb_x, (0, 2, 1))  # [B, T, 2*R*N_EMB + 1]


if False:  # reference __main__ guard neutralized (emitter)
    out = reference(**setup_inputs())
    print(out.shape)

if __name__ == "__main__":
    import jax
    _d = setup_inputs()
    print(jax.jit(kernel)(*tuple(_d.values())))

</pallas_src>

<mosaic_0001>
#map = affine_map<(d0, d1) -> (0, 0)>
#map1 = affine_map<(d0, d1) -> (0)>
#map2 = affine_map<(d0, d1) -> (0, 0, 0)>
module attributes {stable_mosaic.version = 14 : i64} {
  func.func @k(%arg0: i32, %arg1: i32, %arg2: memref<16384x256xi32, #tpu.memory_space<hbm>>, %arg3: memref<256xi32, #tpu.memory_space<hbm>>, %arg4: memref<32x512x256xf32, #tpu.memory_space<hbm>>, %arg5: memref<16x256xi32, #tpu.memory_space<vmem>>, %arg6: memref<16x256xi32, #tpu.memory_space<vmem>>, %arg7: memref<16x256xf32, #tpu.memory_space<vmem>>, %arg8: memref<16x256xf32, #tpu.memory_space<vmem>>, %arg9: memref<256xi32, #tpu.memory_space<vmem>>, %arg10: memref<!tpu.dma_semaphore, #tpu.memory_space<semaphore_mem>>, %arg11: memref<!tpu.dma_semaphore, #tpu.memory_space<semaphore_mem>>, %arg12: memref<!tpu.dma_semaphore, #tpu.memory_space<semaphore_mem>>, %arg13: memref<!tpu.dma_semaphore, #tpu.memory_space<semaphore_mem>>) attributes {dimension_semantics = [#tpu.dimension_semantics<core_parallel>, #tpu.dimension_semantics<subcore_parallel>], iteration_bounds = array<i64: 2, 16>, scalar_prefetch = 0 : i64, scratch_operands = 9 : i64, tpu.core_type = #tpu.core_type<sc_vector_subcore>, window_params = [{transform_indices = #map}, {transform_indices = #map1}, {transform_indices = #map2}]} {
    %mul3A = arith.constant 2 : i32
    %mul3A_0 = arith.muli %arg1, %mul3A : i32
    %add3A = arith.addi %mul3A_0, %arg0 : i32
    "tpu.region"() ({
      %run_scoped3A = tpu.sem_alloc : memref<!tpu.dma_semaphore, #tpu.memory_space<semaphore_mem>>
      tpu.enqueue_dma source(%arg3 : memref<256xi32, #tpu.memory_space<hbm>>) target(%arg9 : memref<256xi32, #tpu.memory_space<vmem>>) target_semaphore(%run_scoped3A : memref<!tpu.dma_semaphore, #tpu.memory_space<semaphore_mem>>)
      tpu.wait_dma2 semaphore(%run_scoped3A : memref<!tpu.dma_semaphore, #tpu.memory_space<semaphore_mem>>) src(%arg3 : memref<256xi32, #tpu.memory_space<hbm>>) dst(%arg9 : memref<256xi32, #tpu.memory_space<vmem>>)
      tpu.yield
    }) : () -> ()
    %broadcast_in_dim3A = arith.constant 1.000000e+00 : f32
    %broadcast_in_dim3A_1 = vector.broadcast %broadcast_in_dim3A : f32 to vector<16xf32>
    %broadcast_in_dim3A_2 = arith.constant 0.000000e+00 : f32
    %broadcast_in_dim3A_3 = vector.broadcast %broadcast_in_dim3A_2 : f32 to vector<16xf32>
    %broadcast_in_dim3A_4 = arith.constant 0 : i32
    %broadcast_in_dim3A_5 = vector.broadcast %broadcast_in_dim3A_4 : i32 to vector<16xi32>
    %get3A = arith.constant 0 : index
    %get3A_6 = tpu.vector_load %arg9[%get3A] {strides = array<i32>} : memref<256xi32, #tpu.memory_space<vmem>>, vector<16xi32>,
    %get3A_7 = arith.constant 16 : index
    %get3A_8 = tpu.vector_load %arg9[%get3A_7] {strides = array<i32>} : memref<256xi32, #tpu.memory_space<vmem>>, vector<16xi32>,
    %get3A_9 = arith.constant 32 : index
    %get3A_10 = tpu.vector_load %arg9[%get3A_9] {strides = array<i32>} : memref<256xi32, #tpu.memory_space<vmem>>, vector<16xi32>,
    %get3A_11 = arith.constant 48 : index
    %get3A_12 = tpu.vector_load %arg9[%get3A_11] {strides = array<i32>} : memref<256xi32, #tpu.memory_space<vmem>>, vector<16xi32>,
    %get3A_13 = arith.constant 64 : index
    %get3A_14 = tpu.vector_load %arg9[%get3A_13] {strides = array<i32>} : memref<256xi32, #tpu.memory_space<vmem>>, vector<16xi32>,
    %get3A_15 = arith.constant 80 : index
    %get3A_16 = tpu.vector_load %arg9[%get3A_15] {strides = array<i32>} : memref<256xi32, #tpu.memory_space<vmem>>, vector<16xi32>,
    %get3A_17 = arith.constant 96 : index
    %get3A_18 = tpu.vector_load %arg9[%get3A_17] {strides = array<i32>} : memref<256xi32, #tpu.memory_space<vmem>>, vector<16xi32>,
    %get3A_19 = arith.constant 112 : index
    %get3A_20 = tpu.vector_load %arg9[%get3A_19] {strides = array<i32>} : memref<256xi32, #tpu.memory_space<vmem>>, vector<16xi32>,
    %get3A_21 = arith.constant 128 : index
    %get3A_22 = tpu.vector_load %arg9[%get3A_21] {strides = array<i32>} : memref<256xi32, #tpu.memory_space<vmem>>, vector<16xi32>,
    %get3A_23 = arith.constant 144 : index
    %get3A_24 = tpu.vector_load %arg9[%get3A_23] {strides = array<i32>} : memref<256xi32, #tpu.memory_space<vmem>>, vector<16xi32>,
    %get3A_25 = arith.constant 160 : index
    %get3A_26 = tpu.vector_load %arg9[%get3A_25] {strides = array<i32>} : memref<256xi32, #tpu.memory_space<vmem>>, vector<16xi32>,
    %get3A_27 = arith.constant 176 : index
    %get3A_28 = tpu.vector_load %arg9[%get3A_27] {strides = array<i32>} : memref<256xi32, #tpu.memory_space<vmem>>, vector<16xi32>,
    %get3A_29 = arith.constant 192 : index
    %get3A_30 = tpu.vector_load %arg9[%get3A_29] {strides = array<i32>} : memref<256xi32, #tpu.memory_space<vmem>>, vector<16xi32>,
    %get3A_31 = arith.constant 208 : index
    %get3A_32 = tpu.vector_load %arg9[%get3A_31] {strides = array<i32>} : memref<256xi32, #tpu.memory_space<vmem>>, vector<16xi32>,
    %get3A_33 = arith.constant 224 : index
    %get3A_34 = tpu.vector_load %arg9[%get3A_33] {strides = array<i32>} : memref<256xi32, #tpu.memory_space<vmem>>, vector<16xi32>,
    %get3A_35 = arith.constant 240 : index
    %get3A_36 = tpu.vector_load %arg9[%get3A_35] {strides = array<i32>} : memref<256xi32, #tpu.memory_space<vmem>>, vector<16xi32>,
    %mul3A_37 = arith.constant 32 : i32
    %mul3A_38 = arith.muli %add3A, %mul3A_37 : i32
    %add3A_39 = arith.constant 0 : i32
    %add3A_40 = arith.addi %mul3A_38, %add3A_39 : i32
    %mul3A_41 = arith.constant 16 : i32
    %mul3A_42 = arith.muli %add3A_40, %mul3A_41 : i32
    %dma_start3A = arith.constant 0 : i32
    %dma_start3A_43 = tpu.memref_slice %arg2[%mul3A_42, %dma_start3A] : memref<16384x256xi32, #tpu.memory_space<hbm>> -> memref<16x256xi32, #tpu.memory_space<hbm>>
    %dma_start3A_44 = arith.constant 0 : i32
    %dma_start3A_45 = tpu.memref_slice %arg2[%mul3A_42, %dma_start3A_44] : memref<16384x256xi32, #tpu.memory_space<hbm>> -> memref<16x256xi32, #tpu.memory_space<hbm>>
    tpu.enqueue_dma source(%dma_start3A_45 : memref<16x256xi32, #tpu.memory_space<hbm>>) target(%arg5 : memref<16x256xi32, #tpu.memory_space<vmem>>) target_semaphore(%arg10 : memref<!tpu.dma_semaphore, #tpu.memory_space<semaphore_mem>>)
    %mul3A_46 = arith.constant 32 : i32
    %mul3A_47 = arith.muli %add3A, %mul3A_46 : i32
    %add3A_48 = arith.constant 1 : i32
    %add3A_49 = arith.addi %mul3A_47, %add3A_48 : i32
    %mul3A_50 = arith.constant 16 : i32
    %mul3A_51 = arith.muli %add3A_49, %mul3A_50 : i32
    %dma_start3A_52 = arith.constant 0 : i32
    %dma_start3A_53 = tpu.memref_slice %arg2[%mul3A_51, %dma_start3A_52] : memref<16384x256xi32, #tpu.memory_space<hbm>> -> memref<16x256xi32, #tpu.memory_space<hbm>>
    %dma_start3A_54 = arith.constant 0 : i32
    %dma_start3A_55 = tpu.memref_slice %arg2[%mul3A_51, %dma_start3A_54] : memref<16384x256xi32, #tpu.memory_space<hbm>> -> memref<16x256xi32, #tpu.memory_space<hbm>>
    tpu.enqueue_dma source(%dma_start3A_55 : memref<16x256xi32, #tpu.memory_space<hbm>>) target(%arg6 : memref<16x256xi32, #tpu.memory_space<vmem>>) target_semaphore(%arg11 : memref<!tpu.dma_semaphore, #tpu.memory_space<semaphore_mem>>)
    %scan3A = arith.constant 0 : i32
    %scan3A_56 = arith.constant 0 : i32
    %scan3A_57 = arith.constant 16 : i32
    %scan3A_58 = arith.addi %scan3A_56, %scan3A_57 : i32
    %scan3A_59 = arith.constant 1 : i32
    scf.for %scan3A_166 = %scan3A_56 to %scan3A_58 step %scan3A_59  : i32 {
      %swap3A = arith.index_cast %scan3A_166 : i32 to index
      %swap3A_167 = arith.constant 0 : index
      %swap3A_168 = tpu.vector_load %arg7[%swap3A, %swap3A_167] {strides = array<i32>} : memref<16x256xf32, #tpu.memory_space<vmem>>, vector<16xf32>,
      tpu.vector_store %arg7[%swap3A, %swap3A_167], %broadcast_in_dim3A_3 {strides = array<i32>} : memref<16x256xf32, #tpu.memory_space<vmem>>, vector<16xf32>,
      %swap3A_169 = arith.index_cast %scan3A_166 : i32 to index
      %swap3A_170 = arith.constant 16 : index
      %swap3A_171 = tpu.vector_load %arg7[%swap3A_169, %swap3A_170] {strides = array<i32>} : memref<16x256xf32, #tpu.memory_space<vmem>>, vector<16xf32>,
      tpu.vector_store %arg7[%swap3A_169, %swap3A_170], %broadcast_in_dim3A_3 {strides = array<i32>} : memref<16x256xf32, #tpu.memory_space<vmem>>, vector<16xf32>,
      %swap3A_172 = arith.index_cast %scan3A_166 : i32 to index
      %swap3A_173 = arith.constant 32 : index
      %swap3A_174 = tpu.vector_load %arg7[%swap3A_172, %swap3A_173] {strides = array<i32>} : memref<16x256xf32, #tpu.memory_space<vmem>>, vector<16xf32>,
      tpu.vector_store %arg7[%swap3A_172, %swap3A_173], %broadcast_in_dim3A_3 {strides = array<i32>} : memref<16x256xf32, #tpu.memory_space<vmem>>, vector<16xf32>,
      %swap3A_175 = arith.index_cast %scan3A_166 : i32 to index
      %swap3A_176 = arith.constant 48 : index
      %swap3A_177 = tpu.vector_load %arg7[%swap3A_175, %swap3A_176] {strides = array<i32>} : memref<16x256xf32, #tpu.memory_space<vmem>>, vector<16xf32>,
      tpu.vector_store %arg7[%swap3A_175, %swap3A_176], %broadcast_in_dim3A_3 {strides = array<i32>} : memref<16x256xf32, #tpu.memory_space<vmem>>, vector<16xf32>,
      %swap3A_178 = arith.index_cast %scan3A_166 : i32 to index
      %swap3A_179 = arith.constant 64 : index
      %swap3A_180 = tpu.vector_load %arg7[%swap3A_178, %swap3A_179] {strides = array<i32>} : memref<16x256xf32, #tpu.memory_space<vmem>>, vector<16xf32>,
      tpu.vector_store %arg7[%swap3A_178, %swap3A_179], %broadcast_in_dim3A_3 {strides = array<i32>} : memref<16x256xf32, #tpu.memory_space<vmem>>, vector<16xf32>,
      %swap3A_181 = arith.index_cast %scan3A_166 : i32 to index
      %swap3A_182 = arith.constant 80 : index
      %swap3A_183 = tpu.vector_load %arg7[%swap3A_181, %swap3A_182] {strides = array<i32>} : memref<16x256xf32, #tpu.memory_space<vmem>>, vector<16xf32>,
      tpu.vector_store %arg7[%swap3A_181, %swap3A_182], %broadcast_in_dim3A_3 {strides = array<i32>} : memref<16x256xf32, #tpu.memory_space<vmem>>, vector<16xf32>,
      %swap3A_184 = arith.index_cast %scan3A_166 : i32 to index
      %swap3A_185 = arith.constant 96 : index
      %swap3A_186 = tpu.vector_load %arg7[%swap3A_184, %swap3A_185] {strides = array<i32>} : memref<16x256xf32, #tpu.memory_space<vmem>>, vector<16xf32>,
      tpu.vector_store %arg7[%swap3A_184, %swap3A_185], %broadcast_in_dim3A_3 {strides = array<i32>} : memref<16x256xf32, #tpu.memory_space<vmem>>, vector<16xf32>,
      %swap3A_187 = arith.index_cast %scan3A_166 : i32 to index
      %swap3A_188 = arith.constant 112 : index
      %swap3A_189 = tpu.vector_load %arg7[%swap3A_187, %swap3A_188] {strides = array<i32>} : memref<16x256xf32, #tpu.memory_space<vmem>>, vector<16xf32>,
      tpu.vector_store %arg7[%swap3A_187, %swap3A_188], %broadcast_in_dim3A_3 {strides = array<i32>} : memref<16x256xf32, #tpu.memory_space<vmem>>, vector<16xf32>,
      %swap3A_190 = arith.index_cast %scan3A_166 : i32 to index
      %swap3A_191 = arith.constant 128 : index
      %swap3A_192 = tpu.vector_load %arg7[%swap3A_190, %swap3A_191] {strides = array<i32>} : memref<16x256xf32, #tpu.memory_space<vmem>>, vector<16xf32>,
      tpu.vector_store %arg7[%swap3A_190, %swap3A_191], %broadcast_in_dim3A_3 {strides = array<i32>} : memref<16x256xf32, #tpu.memory_space<vmem>>, vector<16xf32>,
      %swap3A_193 = arith.index_cast %scan3A_166 : i32 to index
      %swap3A_194 = arith.constant 144 : index
      %swap3A_195 = tpu.vector_load %arg7[%swap3A_193, %swap3A_194] {strides = array<i32>} : memref<16x256xf32, #tpu.memory_space<vmem>>, vector<16xf32>,
      tpu.vector_store %arg7[%swap3A_193, %swap3A_194], %broadcast_in_dim3A_3 {strides = array<i32>} : memref<16x256xf32, #tpu.memory_space<vmem>>, vector<16xf32>,
      %swap3A_196 = arith.index_cast %scan3A_166 : i32 to index
      %swap3A_197 = arith.constant 160 : index
      %swap3A_198 = tpu.vector_load %arg7[%swap3A_196, %swap3A_197] {strides = array<i32>} : memref<16x256xf32, #tpu.memory_space<vmem>>, vector<16xf32>,
      tpu.vector_store %arg7[%swap3A_196, %swap3A_197], %broadcast_in_dim3A_3 {strides = array<i32>} : memref<16x256xf32, #tpu.memory_space<vmem>>, vector<16xf32>,
      %swap3A_199 = arith.index_cast %scan3A_166 : i32 to index
      %swap3A_200 = arith.constant 176 : index
      %swap3A_201 = tpu.vector_load %arg7[%swap3A_199, %swap3A_200] {strides = array<i32>} : memref<16x256xf32, #tpu.memory_space<vmem>>, vector<16xf32>,
      tpu.vector_store %arg7[%swap3A_199, %swap3A_200], %broadcast_in_dim3A_3 {strides = array<i32>} : memref<16x256xf32, #tpu.memory_space<vmem>>, vector<16xf32>,
      %swap3A_202 = arith.index_cast %scan3A_166 : i32 to index
      %swap3A_203 = arith.constant 192 : index
      %swap3A_204 = tpu.vector_load %arg7[%swap3A_202, %swap3A_203] {strides = array<i32>} : memref<16x256xf32, #tpu.memory_space<vmem>>, vector<16xf32>,
      tpu.vector_store %arg7[%swap3A_202, %swap3A_203], %broadcast_in_dim3A_3 {strides = array<i32>} : memref<16x256xf32, #tpu.memory_space<vmem>>, vector<16xf32>,
      %swap3A_205 = arith.index_cast %scan3A_166 : i32 to index
      %swap3A_206 = arith.constant 208 : index
      %swap3A_207 = tpu.vector_load %arg7[%swap3A_205, %swap3A_206] {strides = array<i32>} : memref<16x256xf32, #tpu.memory_space<vmem>>, vector<16xf32>,
      tpu.vector_store %arg7[%swap3A_205, %swap3A_206], %broadcast_in_dim3A_3 {strides = array<i32>} : memref<16x256xf32, #tpu.memory_space<vmem>>, vector<16xf32>,
      %swap3A_208 = arith.index_cast %scan3A_166 : i32 to index
      %swap3A_209 = arith.constant 224 : index
      %swap3A_210 = tpu.vector_load %arg7[%swap3A_208, %swap3A_209] {strides = array<i32>} : memref<16x256xf32, #tpu.memory_space<vmem>>, vector<16xf32>,
      tpu.vector_store %arg7[%swap3A_208, %swap3A_209], %broadcast_in_dim3A_3 {strides = array<i32>} : memref<16x256xf32, #tpu.memory_space<vmem>>, vector<16xf32>,
      %swap3A_211 = arith.index_cast %scan3A_166 : i32 to index
      %swap3A_212 = arith.constant 240 : index
      %swap3A_213 = tpu.vector_load %arg7[%swap3A_211, %swap3A_212] {strides = array<i32>} : memref<16x256xf32, #tpu.memory_space<vmem>>, vector<16xf32>,
      tpu.vector_store %arg7[%swap3A_211, %swap3A_212], %broadcast_in_dim3A_3 {strides = array<i32>} : memref<16x256xf32, #tpu.memory_space<vmem>>, vector<16xf32>,
    }
    %scan3A_60 = arith.constant 16 : i32
    %scan3A_61 = arith.constant 0 : i32
    %scan3A_62 = arith.constant 0 : i32
    %scan3A_63 = arith.constant 16 : i32
    %scan3A_64 = arith.addi %scan3A_62, %scan3A_63 : i32
    %scan3A_65 = arith.constant 1 : i32
    scf.for %scan3A_166 = %scan3A_62 to %scan3A_64 step %scan3A_65  : i32 {
      %swap3A = arith.index_cast %scan3A_166 : i32 to index
      %swap3A_167 = arith.constant 0 : index
      %swap3A_168 = tpu.vector_load %arg8[%swap3A, %swap3A_167] {strides = array<i32>} : memref<16x256xf32, #tpu.memory_space<vmem>>, vector<16xf32>,
      tpu.vector_store %arg8[%swap3A, %swap3A_167], %broadcast_in_dim3A_3 {strides = array<i32>} : memref<16x256xf32, #tpu.memory_space<vmem>>, vector<16xf32>,
      %swap3A_169 = arith.index_cast %scan3A_166 : i32 to index
      %swap3A_170 = arith.constant 16 : index
      %swap3A_171 = tpu.vector_load %arg8[%swap3A_169, %swap3A_170] {strides = array<i32>} : memref<16x256xf32, #tpu.memory_space<vmem>>, vector<16xf32>,
      tpu.vector_store %arg8[%swap3A_169, %swap3A_170], %broadcast_in_dim3A_3 {strides = array<i32>} : memref<16x256xf32, #tpu.memory_space<vmem>>, vector<16xf32>,
      %swap3A_172 = arith.index_cast %scan3A_166 : i32 to index
      %swap3A_173 = arith.constant 32 : index
      %swap3A_174 = tpu.vector_load %arg8[%swap3A_172, %swap3A_173] {strides = array<i32>} : memref<16x256xf32, #tpu.memory_space<vmem>>, vector<16xf32>,
      tpu.vector_store %arg8[%swap3A_172, %swap3A_173], %broadcast_in_dim3A_3 {strides = array<i32>} : memref<16x256xf32, #tpu.memory_space<vmem>>, vector<16xf32>,
      %swap3A_175 = arith.index_cast %scan3A_166 : i32 to index
      %swap3A_176 = arith.constant 48 : index
      %swap3A_177 = tpu.vector_load %arg8[%swap3A_175, %swap3A_176] {strides = array<i32>} : memref<16x256xf32, #tpu.memory_space<vmem>>, vector<16xf32>,
      tpu.vector_store %arg8[%swap3A_175, %swap3A_176], %broadcast_in_dim3A_3 {strides = array<i32>} : memref<16x256xf32, #tpu.memory_space<vmem>>, vector<16xf32>,
      %swap3A_178 = arith.index_cast %scan3A_166 : i32 to index
      %swap3A_179 = arith.constant 64 : index
      %swap3A_180 = tpu.vector_load %arg8[%swap3A_178, %swap3A_179] {strides = array<i32>} : memref<16x256xf32, #tpu.memory_space<vmem>>, vector<16xf32>,
      tpu.vector_store %arg8[%swap3A_178, %swap3A_179], %broadcast_in_dim3A_3 {strides = array<i32>} : memref<16x256xf32, #tpu.memory_space<vmem>>, vector<16xf32>,
      %swap3A_181 = arith.index_cast %scan3A_166 : i32 to index
      %swap3A_182 = arith.constant 80 : index
      %swap3A_183 = tpu.vector_load %arg8[%swap3A_181, %swap3A_182] {strides = array<i32>} : memref<16x256xf32, #tpu.memory_space<vmem>>, vector<16xf32>,
      tpu.vector_store %arg8[%swap3A_181, %swap3A_182], %broadcast_in_dim3A_3 {strides = array<i32>} : memref<16x256xf32, #tpu.memory_space<vmem>>, vector<16xf32>,
      %swap3A_184 = arith.index_cast %scan3A_166 : i32 to index
      %swap3A_185 = arith.constant 96 : index
      %swap3A_186 = tpu.vector_load %arg8[%swap3A_184, %swap3A_185] {strides = array<i32>} : memref<16x256xf32, #tpu.memory_space<vmem>>, vector<16xf32>,
      tpu.vector_store %arg8[%swap3A_184, %swap3A_185], %broadcast_in_dim3A_3 {strides = array<i32>} : memref<16x256xf32, #tpu.memory_space<vmem>>, vector<16xf32>,
      %swap3A_187 = arith.index_cast %scan3A_166 : i32 to index
      %swap3A_188 = arith.constant 112 : index
      %swap3A_189 = tpu.vector_load %arg8[%swap3A_187, %swap3A_188] {strides = array<i32>} : memref<16x256xf32, #tpu.memory_space<vmem>>, vector<16xf32>,
      tpu.vector_store %arg8[%swap3A_187, %swap3A_188], %broadcast_in_dim3A_3 {strides = array<i32>} : memref<16x256xf32, #tpu.memory_space<vmem>>, vector<16xf32>,
      %swap3A_190 = arith.index_cast %scan3A_166 : i32 to index
      %swap3A_191 = arith.constant 128 : index
      %swap3A_192 = tpu.vector_load %arg8[%swap3A_190, %swap3A_191] {strides = array<i32>} : memref<16x256xf32, #tpu.memory_space<vmem>>, vector<16xf32>,
      tpu.vector_store %arg8[%swap3A_190, %swap3A_191], %broadcast_in_dim3A_3 {strides = array<i32>} : memref<16x256xf32, #tpu.memory_space<vmem>>, vector<16xf32>,
      %swap3A_193 = arith.index_cast %scan3A_166 : i32 to index
      %swap3A_194 = arith.constant 144 : index
      %swap3A_195 = tpu.vector_load %arg8[%swap3A_193, %swap3A_194] {strides = array<i32>} : memref<16x256xf32, #tpu.memory_space<vmem>>, vector<16xf32>,
      tpu.vector_store %arg8[%swap3A_193, %swap3A_194], %broadcast_in_dim3A_3 {strides = array<i32>} : memref<16x256xf32, #tpu.memory_space<vmem>>, vector<16xf32>,
      %swap3A_196 = arith.index_cast %scan3A_166 : i32 to index
      %swap3A_197 = arith.constant 160 : index
      %swap3A_198 = tpu.vector_load %arg8[%swap3A_196, %swap3A_197] {strides = array<i32>} : memref<16x256xf32, #tpu.memory_space<vmem>>, vector<16xf32>,
      tpu.vector_store %arg8[%swap3A_196, %swap3A_197], %broadcast_in_dim3A_3 {strides = array<i32>} : memref<16x256xf32, #tpu.memory_space<vmem>>, vector<16xf32>,
      %swap3A_199 = arith.index_cast %scan3A_166 : i32 to index
      %swap3A_200 = arith.constant 176 : index
      %swap3A_201 = tpu.vector_load %arg8[%swap3A_199, %swap3A_200] {strides = array<i32>} : memref<16x256xf32, #tpu.memory_space<vmem>>, vector<16xf32>,
      tpu.vector_store %arg8[%swap3A_199, %swap3A_200], %broadcast_in_dim3A_3 {strides = array<i32>} : memref<16x256xf32, #tpu.memory_space<vmem>>, vector<16xf32>,
      %swap3A_202 = arith.index_cast %scan3A_166 : i32 to index
      %swap3A_203 = arith.constant 192 : index
      %swap3A_204 = tpu.vector_load %arg8[%swap3A_202, %swap3A_203] {strides = array<i32>} : memref<16x256xf32, #tpu.memory_space<vmem>>, vector<16xf32>,
      tpu.vector_store %arg8[%swap3A_202, %swap3A_203], %broadcast_in_dim3A_3 {strides = array<i32>} : memref<16x256xf32, #tpu.memory_space<vmem>>, vector<16xf32>,
      %swap3A_205 = arith.index_cast %scan3A_166 : i32 to index
      %swap3A_206 = arith.constant 208 : index
      %swap3A_207 = tpu.vector_load %arg8[%swap3A_205, %swap3A_206] {strides = array<i32>} : memref<16x256xf32, #tpu.memory_space<vmem>>, vector<16xf32>,
      tpu.vector_store %arg8[%swap3A_205, %swap3A_206], %broadcast_in_dim3A_3 {strides = array<i32>} : memref<16x256xf32, #tpu.memory_space<vmem>>, vector<16xf32>,
      %swap3A_208 = arith.index_cast %scan3A_166 : i32 to index
      %swap3A_209 = arith.constant 224 : index
      %swap3A_210 = tpu.vector_load %arg8[%swap3A_208, %swap3A_209] {strides = array<i32>} : memref<16x256xf32, #tpu.memory_space<vmem>>, vector<16xf32>,
      tpu.vector_store %arg8[%swap3A_208, %swap3A_209], %broadcast_in_dim3A_3 {strides = array<i32>} : memref<16x256xf32, #tpu.memory_space<vmem>>, vector<16xf32>,
      %swap3A_211 = arith.index_cast %scan3A_166 : i32 to index
      %swap3A_212 = arith.constant 240 : index
      %swap3A_213 = tpu.vector_load %arg8[%swap3A_211, %swap3A_212] {strides = array<i32>} : memref<16x256xf32, #tpu.memory_space<vmem>>, vector<16xf32>,
      tpu.vector_store %arg8[%swap3A_211, %swap3A_212], %broadcast_in_dim3A_3 {strides = array<i32>} : memref<16x256xf32, #tpu.memory_space<vmem>>, vector<16xf32>,
    }
    %scan3A_66 = arith.constant 16 : i32
    %scan3A_67 = arith.constant 0 : i32
    %scan3A_68 = arith.constant 0 : i32
    %scan3A_69 = arith.constant 16 : i32
    %scan3A_70 = arith.addi %scan3A_68, %scan3A_69 : i32
    %scan3A_71 = arith.constant 1 : i32
    scf.for %scan3A_166 = %scan3A_68 to %scan3A_70 step %scan3A_71  : i32 {
      %mul3A_167 = arith.constant 2 : i32
      %mul3A_168 = arith.muli %mul3A_167, %scan3A_166 : i32
      %add3A_169 = arith.constant 0 : i32
      %add3A_170 = arith.addi %mul3A_168, %add3A_169 : i32
      %ge3A = arith.constant 2 : i32
      %ge3A_171 = arith.cmpi sge, %add3A_170, %ge3A : i32
      %convert_element_type3A = arith.extui %ge3A_171 : i1 to i32
      %cond3A = arith.constant 0 : i32
      %cond3A_172 = arith.cmpi ne, %convert_element_type3A, %cond3A : i32
      scf.if %cond3A_172 {
        %sub3A_321 = arith.constant 2 : i32
        %sub3A_322 = arith.subi %add3A_170, %sub3A_321 : i32
        %mul3A_323 = arith.constant 32 : i32
        %mul3A_324 = arith.muli %add3A, %mul3A_323 : i32
        %add3A_325 = arith.addi %mul3A_324, %sub3A_322 : i32
        %mul3A_326 = arith.constant 16 : i32
        %mul3A_327 = arith.muli %add3A_325, %mul3A_326 : i32
        %jit3A_328 = arith.constant 32 : i32
        %eq3A_329 = arith.constant 0 : i32
        %eq3A_330 = arith.cmpi eq, %jit3A_328, %eq3A_329 : i32
        %jit3A_331 = arith.constant 1 : i32
        %select_n3A_332 = arith.select %eq3A_330, %jit3A_331, %jit3A_328 : i32
        %rem3A_333 = arith.remsi %mul3A_327, %select_n3A_332 : i32
        %ne3A_334 = arith.constant 0 : i32
        %ne3A_335 = arith.cmpi ne, %rem3A_333, %ne3A_334 : i32
        %lt3A_336 = arith.constant 0 : i32
        %lt3A_337 = arith.cmpi slt, %rem3A_333, %lt3A_336 : i32
        %lt3A_338 = arith.constant 0 : i32
        %lt3A_339 = arith.cmpi slt, %select_n3A_332, %lt3A_338 : i32
        %ne3A_340 = arith.xori %lt3A_337, %lt3A_339 : i1
        %and3A_341 = arith.andi %ne3A_340, %ne3A_335 : i1
        %add3A_342 = arith.addi %rem3A_333, %select_n3A_332 : i32
        %select_n3A_343 = arith.select %and3A_341, %add3A_342, %rem3A_333 : i32
        %jit3A_344 = arith.constant 32 : i32
        %div3A_345 = arith.divsi %mul3A_327, %jit3A_344 : i32
        %sign3A_346 = arith.constant 0 : i32
        %sign3A_347 = arith.cmpi sgt, %mul3A_327, %sign3A_346 : i32
        %sign3A_348 = arith.extui %sign3A_347 : i1 to i32
        %sign3A_349 = arith.constant 0 : i32
        %sign3A_350 = arith.cmpi slt, %mul3A_327, %sign3A_349 : i32
        %sign3A_351 = arith.extui %sign3A_350 : i1 to i32
        %sign3A_352 = arith.subi %sign3A_348, %sign3A_351 : i32
        %sign3A_353 = arith.constant 0 : i32
        %sign3A_354 = arith.cmpi sgt, %jit3A_344, %sign3A_353 : i32
        %sign3A_355 = arith.extui %sign3A_354 : i1 to i32
        %sign3A_356 = arith.constant 0 : i32
        %sign3A_357 = arith.cmpi slt, %jit3A_344, %sign3A_356 : i32
        %sign3A_358 = arith.extui %sign3A_357 : i1 to i32
        %sign3A_359 = arith.subi %sign3A_355, %sign3A_358 : i32
        %ne3A_360 = arith.cmpi ne, %sign3A_352, %sign3A_359 : i32
        %rem3A_361 = arith.remsi %mul3A_327, %jit3A_344 : i32
        %ne3A_362 = arith.constant 0 : i32
        %ne3A_363 = arith.cmpi ne, %rem3A_361, %ne3A_362 : i32
        %and3A_364 = arith.andi %ne3A_360, %ne3A_363 : i1
        %sub3A_365 = arith.constant 1 : i32
        %sub3A_366 = arith.subi %div3A_345, %sub3A_365 : i32
        %select_n3A_367 = arith.select %and3A_364, %sub3A_366, %div3A_345 : i32
        %dma_wait3A_368 = arith.constant 0 : i32
        %dma_wait3A_369 = tpu.memref_slice %arg4[%select_n3A_343, %select_n3A_367, %dma_wait3A_368] : memref<32x512x256xf32, #tpu.memory_space<hbm>> -> memref<16x1x256xf32, #tpu.memory_space<hbm>>
        %dma_wait3A_370 = tpu.memref_squeeze %dma_wait3A_369 : memref<16x1x256xf32, #tpu.memory_space<hbm>> -> memref<16x256xf32, #tpu.memory_space<hbm>>
        %dma_wait3A_371 = arith.constant 0 : i32
        %dma_wait3A_372 = tpu.memref_slice %arg4[%select_n3A_343, %select_n3A_367, %dma_wait3A_371] : memref<32x512x256xf32, #tpu.memory_space<hbm>> -> memref<16x1x256xf32, #tpu.memory_space<hbm>>
        %dma_wait3A_373 = tpu.memref_squeeze %dma_wait3A_372 : memref<16x1x256xf32, #tpu.memory_space<hbm>> -> memref<16x256xf32, #tpu.memory_space<hbm>>
        tpu.wait_dma2 semaphore(%arg12 : memref<!tpu.dma_semaphore, #tpu.memory_space<semaphore_mem>>) src(%arg7 : memref<16x256xf32, #tpu.memory_space<vmem>>) dst(%dma_wait3A_373 : memref<16x256xf32, #tpu.memory_space<hbm>>)
      } else {
      }
      %mul3A_173 = arith.constant 32 : i32
      %mul3A_174 = arith.muli %add3A, %mul3A_173 : i32
      %add3A_175 = arith.addi %mul3A_174, %add3A_170 : i32
      %mul3A_176 = arith.constant 16 : i32
      %mul3A_177 = arith.muli %add3A_175, %mul3A_176 : i32
      %dma_wait3A_178 = arith.constant 0 : i32
      %dma_wait3A_179 = tpu.memref_slice %arg2[%mul3A_177, %dma_wait3A_178] : memref<16384x256xi32, #tpu.memory_space<hbm>> -> memref<16x256xi32, #tpu.memory_space<hbm>>
      %dma_wait3A_180 = arith.constant 0 : i32
      %dma_wait3A_181 = tpu.memref_slice %arg2[%mul3A_177, %dma_wait3A_180] : memref<16384x256xi32, #tpu.memory_space<hbm>> -> memref<16x256xi32, #tpu.memory_space<hbm>>
      tpu.wait_dma2 semaphore(%arg10 : memref<!tpu.dma_semaphore, #tpu.memory_space<semaphore_mem>>) src(%dma_wait3A_181 : memref<16x256xi32, #tpu.memory_space<hbm>>) dst(%arg5 : memref<16x256xi32, #tpu.memory_space<vmem>>)
      %parallel_loop3A = arith.constant 0 : i32
      %parallel_loop3A_182 = arith.constant 16 : i32
      %parallel_loop3A_183 = arith.constant 1 : i32
      scf.for %parallel_loop3A_321 = %parallel_loop3A to %parallel_loop3A_182 step %parallel_loop3A_183  : i32 {
        %parallel_loop3A_322 = vector.broadcast %parallel_loop3A_321 : i32 to vector<16xi32>
        %parallel_loop3A_323 = arith.addi %broadcast_in_dim3A_5, %parallel_loop3A_322 : vector<16xi32>
        %parallel_loop3A_324 = arith.index_cast %parallel_loop3A_321 : i32 to index
        %parallel_loop3A_325 = arith.constant 0 : index
        %parallel_loop3A_326 = tpu.vector_load %arg5[%parallel_loop3A_324, %parallel_loop3A_325] {strides = array<i32>} : memref<16x256xi32, #tpu.memory_space<vmem>>, vector<16xi32>,
        %parallel_loop3A_327 = arith.addi %parallel_loop3A_326, %get3A_6 : vector<16xi32>
        tpu.vector_store_idx %arg7[%parallel_loop3A_323, %parallel_loop3A_327], %broadcast_in_dim3A_1 {add = true} : memref<16x256xf32, #tpu.memory_space<vmem>>[vector<16xi32>, vector<16xi32>], vector<16xf32>,
        %parallel_loop3A_328 = arith.index_cast %parallel_loop3A_321 : i32 to index
        %parallel_loop3A_329 = arith.constant 16 : index
        %parallel_loop3A_330 = tpu.vector_load %arg5[%parallel_loop3A_328, %parallel_loop3A_329] {strides = array<i32>} : memref<16x256xi32, #tpu.memory_space<vmem>>, vector<16xi32>,
        %parallel_loop3A_331 = arith.addi %parallel_loop3A_330, %get3A_8 : vector<16xi32>
        tpu.vector_store_idx %arg7[%parallel_loop3A_323, %parallel_loop3A_331], %broadcast_in_dim3A_1 {add = true} : memref<16x256xf32, #tpu.memory_space<vmem>>[vector<16xi32>, vector<16xi32>], vector<16xf32>,
        %parallel_loop3A_332 = arith.index_cast %parallel_loop3A_321 : i32 to index
        %parallel_loop3A_333 = arith.constant 32 : index
        %parallel_loop3A_334 = tpu.vector_load %arg5[%parallel_loop3A_332, %parallel_loop3A_333] {strides = array<i32>} : memref<16x256xi32, #tpu.memory_space<vmem>>, vector<16xi32>,
        %parallel_loop3A_335 = arith.addi %parallel_loop3A_334, %get3A_10 : vector<16xi32>
        tpu.vector_store_idx %arg7[%parallel_loop3A_323, %parallel_loop3A_335], %broadcast_in_dim3A_1 {add = true} : memref<16x256xf32, #tpu.memory_space<vmem>>[vector<16xi32>, vector<16xi32>], vector<16xf32>,
        %parallel_loop3A_336 = arith.index_cast %parallel_loop3A_321 : i32 to index
        %parallel_loop3A_337 = arith.constant 48 : index
        %parallel_loop3A_338 = tpu.vector_load %arg5[%parallel_loop3A_336, %parallel_loop3A_337] {strides = array<i32>} : memref<16x256xi32, #tpu.memory_space<vmem>>, vector<16xi32>,
        %parallel_loop3A_339 = arith.addi %parallel_loop3A_338, %get3A_12 : vector<16xi32>
        tpu.vector_store_idx %arg7[%parallel_loop3A_323, %parallel_loop3A_339], %broadcast_in_dim3A_1 {add = true} : memref<16x256xf32, #tpu.memory_space<vmem>>[vector<16xi32>, vector<16xi32>], vector<16xf32>,
        %parallel_loop3A_340 = arith.index_cast %parallel_loop3A_321 : i32 to index
        %parallel_loop3A_341 = arith.constant 64 : index
        %parallel_loop3A_342 = tpu.vector_load %arg5[%parallel_loop3A_340, %parallel_loop3A_341] {strides = array<i32>} : memref<16x256xi32, #tpu.memory_space<vmem>>, vector<16xi32>,
        %parallel_loop3A_343 = arith.addi %parallel_loop3A_342, %get3A_14 : vector<16xi32>
        tpu.vector_store_idx %arg7[%parallel_loop3A_323, %parallel_loop3A_343], %broadcast_in_dim3A_1 {add = true} : memref<16x256xf32, #tpu.memory_space<vmem>>[vector<16xi32>, vector<16xi32>], vector<16xf32>,
        %parallel_loop3A_344 = arith.index_cast %parallel_loop3A_321 : i32 to index
        %parallel_loop3A_345 = arith.constant 80 : index
        %parallel_loop3A_346 = tpu.vector_load %arg5[%parallel_loop3A_344, %parallel_loop3A_345] {strides = array<i32>} : memref<16x256xi32, #tpu.memory_space<vmem>>, vector<16xi32>,
        %parallel_loop3A_347 = arith.addi %parallel_loop3A_346, %get3A_16 : vector<16xi32>
        tpu.vector_store_idx %arg7[%parallel_loop3A_323, %parallel_loop3A_347], %broadcast_in_dim3A_1 {add = true} : memref<16x256xf32, #tpu.memory_space<vmem>>[vector<16xi32>, vector<16xi32>], vector<16xf32>,
        %parallel_loop3A_348 = arith.index_cast %parallel_loop3A_321 : i32 to index
        %parallel_loop3A_349 = arith.constant 96 : index
        %parallel_loop3A_350 = tpu.vector_load %arg5[%parallel_loop3A_348, %parallel_loop3A_349] {strides = array<i32>} : memref<16x256xi32, #tpu.memory_space<vmem>>, vector<16xi32>,
        %parallel_loop3A_351 = arith.addi %parallel_loop3A_350, %get3A_18 : vector<16xi32>
        tpu.vector_store_idx %arg7[%parallel_loop3A_323, %parallel_loop3A_351], %broadcast_in_dim3A_1 {add = true} : memref<16x256xf32, #tpu.memory_space<vmem>>[vector<16xi32>, vector<16xi32>], vector<16xf32>,
        %parallel_loop3A_352 = arith.index_cast %parallel_loop3A_321 : i32 to index
        %parallel_loop3A_353 = arith.constant 112 : index
        %parallel_loop3A_354 = tpu.vector_load %arg5[%parallel_loop3A_352, %parallel_loop3A_353] {strides = array<i32>} : memref<16x256xi32, #tpu.memory_space<vmem>>, vector<16xi32>,
        %parallel_loop3A_355 = arith.addi %parallel_loop3A_354, %get3A_20 : vector<16xi32>
        tpu.vector_store_idx %arg7[%parallel_loop3A_323, %parallel_loop3A_355], %broadcast_in_dim3A_1 {add = true} : memref<16x256xf32, #tpu.memory_space<vmem>>[vector<16xi32>, vector<16xi32>], vector<16xf32>,
        %parallel_loop3A_356 = arith.index_cast %parallel_loop3A_321 : i32 to index
        %parallel_loop3A_357 = arith.constant 128 : index
        %parallel_loop3A_358 = tpu.vector_load %arg5[%parallel_loop3A_356, %parallel_loop3A_357] {strides = array<i32>} : memref<16x256xi32, #tpu.memory_space<vmem>>, vector<16xi32>,
        %parallel_loop3A_359 = arith.addi %parallel_loop3A_358, %get3A_22 : vector<16xi32>
        tpu.vector_store_idx %arg7[%parallel_loop3A_323, %parallel_loop3A_359], %broadcast_in_dim3A_1 {add = true} : memref<16x256xf32, #tpu.memory_space<vmem>>[vector<16xi32>, vector<16xi32>], vector<16xf32>,
        %parallel_loop3A_360 = arith.index_cast %parallel_loop3A_321 : i32 to index
        %parallel_loop3A_361 = arith.constant 144 : index
        %parallel_loop3A_362 = tpu.vector_load %arg5[%parallel_loop3A_360, %parallel_loop3A_361] {strides = array<i32>} : memref<16x256xi32, #tpu.memory_space<vmem>>, vector<16xi32>,
        %parallel_loop3A_363 = arith.addi %parallel_loop3A_362, %get3A_24 : vector<16xi32>
        tpu.vector_store_idx %arg7[%parallel_loop3A_323, %parallel_loop3A_363], %broadcast_in_dim3A_1 {add = true} : memref<16x256xf32, #tpu.memory_space<vmem>>[vector<16xi32>, vector<16xi32>], vector<16xf32>,
        %parallel_loop3A_364 = arith.index_cast %parallel_loop3A_321 : i32 to index
        %parallel_loop3A_365 = arith.constant 160 : index
        %parallel_loop3A_366 = tpu.vector_load %arg5[%parallel_loop3A_364, %parallel_loop3A_365] {strides = array<i32>} : memref<16x256xi32, #tpu.memory_space<vmem>>, vector<16xi32>,
        %parallel_loop3A_367 = arith.addi %parallel_loop3A_366, %get3A_26 : vector<16xi32>
        tpu.vector_store_idx %arg7[%parallel_loop3A_323, %parallel_loop3A_367], %broadcast_in_dim3A_1 {add = true} : memref<16x256xf32, #tpu.memory_space<vmem>>[vector<16xi32>, vector<16xi32>], vector<16xf32>,
        %parallel_loop3A_368 = arith.index_cast %parallel_loop3A_321 : i32 to index
        %parallel_loop3A_369 = arith.constant 176 : index
        %parallel_loop3A_370 = tpu.vector_load %arg5[%parallel_loop3A_368, %parallel_loop3A_369] {strides = array<i32>} : memref<16x256xi32, #tpu.memory_space<vmem>>, vector<16xi32>,
        %parallel_loop3A_371 = arith.addi %parallel_loop3A_370, %get3A_28 : vector<16xi32>
        tpu.vector_store_idx %arg7[%parallel_loop3A_323, %parallel_loop3A_371], %broadcast_in_dim3A_1 {add = true} : memref<16x256xf32, #tpu.memory_space<vmem>>[vector<16xi32>, vector<16xi32>], vector<16xf32>,
        %parallel_loop3A_372 = arith.index_cast %parallel_loop3A_321 : i32 to index
        %parallel_loop3A_373 = arith.constant 192 : index
        %parallel_loop3A_374 = tpu.vector_load %arg5[%parallel_loop3A_372, %parallel_loop3A_373] {strides = array<i32>} : memref<16x256xi32, #tpu.memory_space<vmem>>, vector<16xi32>,
        %parallel_loop3A_375 = arith.addi %parallel_loop3A_374, %get3A_30 : vector<16xi32>
        tpu.vector_store_idx %arg7[%parallel_loop3A_323, %parallel_loop3A_375], %broadcast_in_dim3A_1 {add = true} : memref<16x256xf32, #tpu.memory_space<vmem>>[vector<16xi32>, vector<16xi32>], vector<16xf32>,
        %parallel_loop3A_376 = arith.index_cast %parallel_loop3A_321 : i32 to index
        %parallel_loop3A_377 = arith.constant 208 : index
        %parallel_loop3A_378 = tpu.vector_load %arg5[%parallel_loop3A_376, %parallel_loop3A_377] {strides = array<i32>} : memref<16x256xi32, #tpu.memory_space<vmem>>, vector<16xi32>,
        %parallel_loop3A_379 = arith.addi %parallel_loop3A_378, %get3A_32 : vector<16xi32>
        tpu.vector_store_idx %arg7[%parallel_loop3A_323, %parallel_loop3A_379], %broadcast_in_dim3A_1 {add = true} : memref<16x256xf32, #tpu.memory_space<vmem>>[vector<16xi32>, vector<16xi32>], vector<16xf32>,
        %parallel_loop3A_380 = arith.index_cast %parallel_loop3A_321 : i32 to index
        %parallel_loop3A_381 = arith.constant 224 : index
        %parallel_loop3A_382 = tpu.vector_load %arg5[%parallel_loop3A_380, %parallel_loop3A_381] {strides = array<i32>} : memref<16x256xi32, #tpu.memory_space<vmem>>, vector<16xi32>,
        %parallel_loop3A_383 = arith.addi %parallel_loop3A_382, %get3A_34 : vector<16xi32>
        tpu.vector_store_idx %arg7[%parallel_loop3A_323, %parallel_loop3A_383], %broadcast_in_dim3A_1 {add = true} : memref<16x256xf32, #tpu.memory_space<vmem>>[vector<16xi32>, vector<16xi32>], vector<16xf32>,
        %parallel_loop3A_384 = arith.index_cast %parallel_loop3A_321 : i32 to index
        %parallel_loop3A_385 = arith.constant 240 : index
        %parallel_loop3A_386 = tpu.vector_load %arg5[%parallel_loop3A_384, %parallel_loop3A_385] {strides = array<i32>} : memref<16x256xi32, #tpu.memory_space<vmem>>, vector<16xi32>,
        %parallel_loop3A_387 = arith.addi %parallel_loop3A_386, %get3A_36 : vector<16xi32>
        tpu.vector_store_idx %arg7[%parallel_loop3A_323, %parallel_loop3A_387], %broadcast_in_dim3A_1 {add = true} : memref<16x256xf32, #tpu.memory_space<vmem>>[vector<16xi32>, vector<16xi32>], vector<16xf32>,
      } {sc.loop_unroll_factor = 8 : i64, sc.parallel_access}
      %mul3A_184 = arith.constant 32 : i32
      %mul3A_185 = arith.muli %add3A, %mul3A_184 : i32
      %add3A_186 = arith.addi %mul3A_185, %add3A_170 : i32
      %mul3A_187 = arith.constant 16 : i32
      %mul3A_188 = arith.muli %add3A_186, %mul3A_187 : i32
      %jit3A_189 = arith.constant 32 : i32
      %eq3A_190 = arith.constant 0 : i32
      %eq3A_191 = arith.cmpi eq, %jit3A_189, %eq3A_190 : i32
      %jit3A_192 = arith.constant 1 : i32
      %select_n3A_193 = arith.select %eq3A_191, %jit3A_192, %jit3A_189 : i32
      %rem3A_194 = arith.remsi %mul3A_188, %select_n3A_193 : i32
      %ne3A_195 = arith.constant 0 : i32
      %ne3A_196 = arith.cmpi ne, %rem3A_194, %ne3A_195 : i32
      %lt3A_197 = arith.constant 0 : i32
      %lt3A_198 = arith.cmpi slt, %rem3A_194, %lt3A_197 : i32
      %lt3A_199 = arith.constant 0 : i32
      %lt3A_200 = arith.cmpi slt, %select_n3A_193, %lt3A_199 : i32
      %ne3A_201 = arith.xori %lt3A_198, %lt3A_200 : i1
      %and3A_202 = arith.andi %ne3A_201, %ne3A_196 : i1
      %add3A_203 = arith.addi %rem3A_194, %select_n3A_193 : i32
      %select_n3A_204 = arith.select %and3A_202, %add3A_203, %rem3A_194 : i32
      %jit3A_205 = arith.constant 32 : i32
      %div3A_206 = arith.divsi %mul3A_188, %jit3A_205 : i32
      %sign3A_207 = arith.constant 0 : i32
      %sign3A_208 = arith.cmpi sgt, %mul3A_188, %sign3A_207 : i32
      %sign3A_209 = arith.extui %sign3A_208 : i1 to i32
      %sign3A_210 = arith.constant 0 : i32
      %sign3A_211 = arith.cmpi slt, %mul3A_188, %sign3A_210 : i32
      %sign3A_212 = arith.extui %sign3A_211 : i1 to i32
      %sign3A_213 = arith.subi %sign3A_209, %sign3A_212 : i32
      %sign3A_214 = arith.constant 0 : i32
      %sign3A_215 = arith.cmpi sgt, %jit3A_205, %sign3A_214 : i32
      %sign3A_216 = arith.extui %sign3A_215 : i1 to i32
      %sign3A_217 = arith.constant 0 : i32
      %sign3A_218 = arith.cmpi slt, %jit3A_205, %sign3A_217 : i32
      %sign3A_219 = arith.extui %sign3A_218 : i1 to i32
      %sign3A_220 = arith.subi %sign3A_216, %sign3A_219 : i32
      %ne3A_221 = arith.cmpi ne, %sign3A_213, %sign3A_220 : i32
      %rem3A_222 = arith.remsi %mul3A_188, %jit3A_205 : i32
      %ne3A_223 = arith.constant 0 : i32
      %ne3A_224 = arith.cmpi ne, %rem3A_222, %ne3A_223 : i32
      %and3A_225 = arith.andi %ne3A_221, %ne3A_224 : i1
      %sub3A_226 = arith.constant 1 : i32
      %sub3A_227 = arith.subi %div3A_206, %sub3A_226 : i32
      %select_n3A_228 = arith.select %and3A_225, %sub3A_227, %div3A_206 : i32
      %dma_start3A_229 = arith.constant 0 : i32
      %dma_start3A_230 = tpu.memref_slice %arg4[%select_n3A_204, %select_n3A_228, %dma_start3A_229] : memref<32x512x256xf32, #tpu.memory_space<hbm>> -> memref<16x1x256xf32, #tpu.memory_space<hbm>>
      %dma_start3A_231 = tpu.memref_squeeze %dma_start3A_230 : memref<16x1x256xf32, #tpu.memory_space<hbm>> -> memref<16x256xf32, #tpu.memory_space<hbm>>
      %dma_start3A_232 = arith.constant 0 : i32
      %dma_start3A_233 = tpu.memref_slice %arg4[%select_n3A_204, %select_n3A_228, %dma_start3A_232] : memref<32x512x256xf32, #tpu.memory_space<hbm>> -> memref<16x1x256xf32, #tpu.memory_space<hbm>>
      %dma_start3A_234 = tpu.memref_squeeze %dma_start3A_233 : memref<16x1x256xf32, #tpu.memory_space<hbm>> -> memref<16x256xf32, #tpu.memory_space<hbm>>
      tpu.enqueue_dma source(%arg7 : memref<16x256xf32, #tpu.memory_space<vmem>>) target(%dma_start3A_234 : memref<16x256xf32, #tpu.memory_space<hbm>>) target_semaphore(%arg12 : memref<!tpu.dma_semaphore, #tpu.memory_space<semaphore_mem>>)
      %add3A_235 = arith.constant 2 : i32
      %add3A_236 = arith.addi %add3A_170, %add3A_235 : i32
      %lt3A_237 = arith.constant 32 : i32
      %lt3A_238 = arith.cmpi slt, %add3A_236, %lt3A_237 : i32
      %convert_element_type3A_239 = arith.extui %lt3A_238 : i1 to i32
      %cond3A_240 = arith.constant 0 : i32
      %cond3A_241 = arith.cmpi ne, %convert_element_type3A_239, %cond3A_240 : i32
      scf.if %cond3A_241 {
        %add3A_321 = arith.constant 2 : i32
        %add3A_322 = arith.addi %add3A_170, %add3A_321 : i32
        %mul3A_323 = arith.constant 32 : i32
        %mul3A_324 = arith.muli %add3A, %mul3A_323 : i32
        %add3A_325 = arith.addi %mul3A_324, %add3A_322 : i32
        %mul3A_326 = arith.constant 16 : i32
        %mul3A_327 = arith.muli %add3A_325, %mul3A_326 : i32
        %dma_start3A_328 = arith.constant 0 : i32
        %dma_start3A_329 = tpu.memref_slice %arg2[%mul3A_327, %dma_start3A_328] : memref<16384x256xi32, #tpu.memory_space<hbm>> -> memref<16x256xi32, #tpu.memory_space<hbm>>
        %dma_start3A_330 = arith.constant 0 : i32
        %dma_start3A_331 = tpu.memref_slice %arg2[%mul3A_327, %dma_start3A_330] : memref<16384x256xi32, #tpu.memory_space<hbm>> -> memref<16x256xi32, #tpu.memory_space<hbm>>
        tpu.enqueue_dma source(%dma_start3A_331 : memref<16x256xi32, #tpu.memory_space<hbm>>) target(%arg5 : memref<16x256xi32, #tpu.memory_space<vmem>>) target_semaphore(%arg10 : memref<!tpu.dma_semaphore, #tpu.memory_space<semaphore_mem>>)
      } else {
      }
      %mul3A_242 = arith.constant 2 : i32
      %mul3A_243 = arith.muli %mul3A_242, %scan3A_166 : i32
      %add3A_244 = arith.constant 1 : i32
      %add3A_245 = arith.addi %mul3A_243, %add3A_244 : i32
      %ge3A_246 = arith.constant 2 : i32
      %ge3A_247 = arith.cmpi sge, %add3A_245, %ge3A_246 : i32
      %convert_element_type3A_248 = arith.extui %ge3A_247 : i1 to i32
      %cond3A_249 = arith.constant 0 : i32
      %cond3A_250 = arith.cmpi ne, %convert_element_type3A_248, %cond3A_249 : i32
      scf.if %cond3A_250 {
        %sub3A_321 = arith.constant 2 : i32
        %sub3A_322 = arith.subi %add3A_245, %sub3A_321 : i32
        %mul3A_323 = arith.constant 32 : i32
        %mul3A_324 = arith.muli %add3A, %mul3A_323 : i32
        %add3A_325 = arith.addi %mul3A_324, %sub3A_322 : i32
        %mul3A_326 = arith.constant 16 : i32
        %mul3A_327 = arith.muli %add3A_325, %mul3A_326 : i32
        %jit3A_328 = arith.constant 32 : i32
        %eq3A_329 = arith.constant 0 : i32
        %eq3A_330 = arith.cmpi eq, %jit3A_328, %eq3A_329 : i32
        %jit3A_331 = arith.constant 1 : i32
        %select_n3A_332 = arith.select %eq3A_330, %jit3A_331, %jit3A_328 : i32
        %rem3A_333 = arith.remsi %mul3A_327, %select_n3A_332 : i32
        %ne3A_334 = arith.constant 0 : i32
        %ne3A_335 = arith.cmpi ne, %rem3A_333, %ne3A_334 : i32
        %lt3A_336 = arith.constant 0 : i32
        %lt3A_337 = arith.cmpi slt, %rem3A_333, %lt3A_336 : i32
        %lt3A_338 = arith.constant 0 : i32
        %lt3A_339 = arith.cmpi slt, %select_n3A_332, %lt3A_338 : i32
        %ne3A_340 = arith.xori %lt3A_337, %lt3A_339 : i1
        %and3A_341 = arith.andi %ne3A_340, %ne3A_335 : i1
        %add3A_342 = arith.addi %rem3A_333, %select_n3A_332 : i32
        %select_n3A_343 = arith.select %and3A_341, %add3A_342, %rem3A_333 : i32
        %jit3A_344 = arith.constant 32 : i32
        %div3A_345 = arith.divsi %mul3A_327, %jit3A_344 : i32
        %sign3A_346 = arith.constant 0 : i32
        %sign3A_347 = arith.cmpi sgt, %mul3A_327, %sign3A_346 : i32
        %sign3A_348 = arith.extui %sign3A_347 : i1 to i32
        %sign3A_349 = arith.constant 0 : i32
        %sign3A_350 = arith.cmpi slt, %mul3A_327, %sign3A_349 : i32
        %sign3A_351 = arith.extui %sign3A_350 : i1 to i32
        %sign3A_352 = arith.subi %sign3A_348, %sign3A_351 : i32
        %sign3A_353 = arith.constant 0 : i32
        %sign3A_354 = arith.cmpi sgt, %jit3A_344, %sign3A_353 : i32
        %sign3A_355 = arith.extui %sign3A_354 : i1 to i32
        %sign3A_356 = arith.constant 0 : i32
        %sign3A_357 = arith.cmpi slt, %jit3A_344, %sign3A_356 : i32
        %sign3A_358 = arith.extui %sign3A_357 : i1 to i32
        %sign3A_359 = arith.subi %sign3A_355, %sign3A_358 : i32
        %ne3A_360 = arith.cmpi ne, %sign3A_352, %sign3A_359 : i32
        %rem3A_361 = arith.remsi %mul3A_327, %jit3A_344 : i32
        %ne3A_362 = arith.constant 0 : i32
        %ne3A_363 = arith.cmpi ne, %rem3A_361, %ne3A_362 : i32
        %and3A_364 = arith.andi %ne3A_360, %ne3A_363 : i1
        %sub3A_365 = arith.constant 1 : i32
        %sub3A_366 = arith.subi %div3A_345, %sub3A_365 : i32
        %select_n3A_367 = arith.select %and3A_364, %sub3A_366, %div3A_345 : i32
        %dma_wait3A_368 = arith.constant 0 : i32
        %dma_wait3A_369 = tpu.memref_slice %arg4[%select_n3A_343, %select_n3A_367, %dma_wait3A_368] : memref<32x512x256xf32, #tpu.memory_space<hbm>> -> memref<16x1x256xf32, #tpu.memory_space<hbm>>
        %dma_wait3A_370 = tpu.memref_squeeze %dma_wait3A_369 : memref<16x1x256xf32, #tpu.memory_space<hbm>> -> memref<16x256xf32, #tpu.memory_space<hbm>>
        %dma_wait3A_371 = arith.constant 0 : i32
        %dma_wait3A_372 = tpu.memref_slice %arg4[%select_n3A_343, %select_n3A_367, %dma_wait3A_371] : memref<32x512x256xf32, #tpu.memory_space<hbm>> -> memref<16x1x256xf32, #tpu.memory_space<hbm>>
        %dma_wait3A_373 = tpu.memref_squeeze %dma_wait3A_372 : memref<16x1x256xf32, #tpu.memory_space<hbm>> -> memref<16x256xf32, #tpu.memory_space<hbm>>
        tpu.wait_dma2 semaphore(%arg13 : memref<!tpu.dma_semaphore, #tpu.memory_space<semaphore_mem>>) src(%arg8 : memref<16x256xf32, #tpu.memory_space<vmem>>) dst(%dma_wait3A_373 : memref<16x256xf32, #tpu.memory_space<hbm>>)
      } else {
      }
      %mul3A_251 = arith.constant 32 : i32
      %mul3A_252 = arith.muli %add3A, %mul3A_251 : i32
      %add3A_253 = arith.addi %mul3A_252, %add3A_245 : i32
      %mul3A_254 = arith.constant 16 : i32
      %mul3A_255 = arith.muli %add3A_253, %mul3A_254 : i32
      %dma_wait3A_256 = arith.constant 0 : i32
      %dma_wait3A_257 = tpu.memref_slice %arg2[%mul3A_255, %dma_wait3A_256] : memref<16384x256xi32, #tpu.memory_space<hbm>> -> memref<16x256xi32, #tpu.memory_space<hbm>>
      %dma_wait3A_258 = arith.constant 0 : i32
      %dma_wait3A_259 = tpu.memref_slice %arg2[%mul3A_255, %dma_wait3A_258] : memref<16384x256xi32, #tpu.memory_space<hbm>> -> memref<16x256xi32, #tpu.memory_space<hbm>>
      tpu.wait_dma2 semaphore(%arg11 : memref<!tpu.dma_semaphore, #tpu.memory_space<semaphore_mem>>) src(%dma_wait3A_259 : memref<16x256xi32, #tpu.memory_space<hbm>>) dst(%arg6 : memref<16x256xi32, #tpu.memory_space<vmem>>)
      %parallel_loop3A_260 = arith.constant 0 : i32
      %parallel_loop3A_261 = arith.constant 16 : i32
      %parallel_loop3A_262 = arith.constant 1 : i32
      scf.for %parallel_loop3A_321 = %parallel_loop3A_260 to %parallel_loop3A_261 step %parallel_loop3A_262  : i32 {
        %parallel_loop3A_322 = vector.broadcast %parallel_loop3A_321 : i32 to vector<16xi32>
        %parallel_loop3A_323 = arith.addi %broadcast_in_dim3A_5, %parallel_loop3A_322 : vector<16xi32>
        %parallel_loop3A_324 = arith.index_cast %parallel_loop3A_321 : i32 to index
        %parallel_loop3A_325 = arith.constant 0 : index
        %parallel_loop3A_326 = tpu.vector_load %arg6[%parallel_loop3A_324, %parallel_loop3A_325] {strides = array<i32>} : memref<16x256xi32, #tpu.memory_space<vmem>>, vector<16xi32>,
        %parallel_loop3A_327 = arith.addi %parallel_loop3A_326, %get3A_6 : vector<16xi32>
        tpu.vector_store_idx %arg8[%parallel_loop3A_323, %parallel_loop3A_327], %broadcast_in_dim3A_1 {add = true} : memref<16x256xf32, #tpu.memory_space<vmem>>[vector<16xi32>, vector<16xi32>], vector<16xf32>,
        %parallel_loop3A_328 = arith.index_cast %parallel_loop3A_321 : i32 to index
        %parallel_loop3A_329 = arith.constant 16 : index
        %parallel_loop3A_330 = tpu.vector_load %arg6[%parallel_loop3A_328, %parallel_loop3A_329] {strides = array<i32>} : memref<16x256xi32, #tpu.memory_space<vmem>>, vector<16xi32>,
        %parallel_loop3A_331 = arith.addi %parallel_loop3A_330, %get3A_8 : vector<16xi32>
        tpu.vector_store_idx %arg8[%parallel_loop3A_323, %parallel_loop3A_331], %broadcast_in_dim3A_1 {add = true} : memref<16x256xf32, #tpu.memory_space<vmem>>[vector<16xi32>, vector<16xi32>], vector<16xf32>,
        %parallel_loop3A_332 = arith.index_cast %parallel_loop3A_321 : i32 to index
        %parallel_loop3A_333 = arith.constant 32 : index
        %parallel_loop3A_334 = tpu.vector_load %arg6[%parallel_loop3A_332, %parallel_loop3A_333] {strides = array<i32>} : memref<16x256xi32, #tpu.memory_space<vmem>>, vector<16xi32>,
        %parallel_loop3A_335 = arith.addi %parallel_loop3A_334, %get3A_10 : vector<16xi32>
        tpu.vector_store_idx %arg8[%parallel_loop3A_323, %parallel_loop3A_335], %broadcast_in_dim3A_1 {add = true} : memref<16x256xf32, #tpu.memory_space<vmem>>[vector<16xi32>, vector<16xi32>], vector<16xf32>,
        %parallel_loop3A_336 = arith.index_cast %parallel_loop3A_321 : i32 to index
        %parallel_loop3A_337 = arith.constant 48 : index
        %parallel_loop3A_338 = tpu.vector_load %arg6[%parallel_loop3A_336, %parallel_loop3A_337] {strides = array<i32>} : memref<16x256xi32, #tpu.memory_space<vmem>>, vector<16xi32>,
        %parallel_loop3A_339 = arith.addi %parallel_loop3A_338, %get3A_12 : vector<16xi32>
        tpu.vector_store_idx %arg8[%parallel_loop3A_323, %parallel_loop3A_339], %broadcast_in_dim3A_1 {add = true} : memref<16x256xf32, #tpu.memory_space<vmem>>[vector<16xi32>, vector<16xi32>], vector<16xf32>,
        %parallel_loop3A_340 = arith.index_cast %parallel_loop3A_321 : i32 to index
        %parallel_loop3A_341 = arith.constant 64 : index
        %parallel_loop3A_342 = tpu.vector_load %arg6[%parallel_loop3A_340, %parallel_loop3A_341] {strides = array<i32>} : memref<16x256xi32, #tpu.memory_space<vmem>>, vector<16xi32>,
        %parallel_loop3A_343 = arith.addi %parallel_loop3A_342, %get3A_14 : vector<16xi32>
        tpu.vector_store_idx %arg8[%parallel_loop3A_323, %parallel_loop3A_343], %broadcast_in_dim3A_1 {add = true} : memref<16x256xf32, #tpu.memory_space<vmem>>[vector<16xi32>, vector<16xi32>], vector<16xf32>,
        %parallel_loop3A_344 = arith.index_cast %parallel_loop3A_321 : i32 to index
        %parallel_loop3A_345 = arith.constant 80 : index
        %parallel_loop3A_346 = tpu.vector_load %arg6[%parallel_loop3A_344, %parallel_loop3A_345] {strides = array<i32>} : memref<16x256xi32, #tpu.memory_space<vmem>>, vector<16xi32>,
        %parallel_loop3A_347 = arith.addi %parallel_loop3A_346, %get3A_16 : vector<16xi32>
        tpu.vector_store_idx %arg8[%parallel_loop3A_323, %parallel_loop3A_347], %broadcast_in_dim3A_1 {add = true} : memref<16x256xf32, #tpu.memory_space<vmem>>[vector<16xi32>, vector<16xi32>], vector<16xf32>,
        %parallel_loop3A_348 = arith.index_cast %parallel_loop3A_321 : i32 to index
        %parallel_loop3A_349 = arith.constant 96 : index
        %parallel_loop3A_350 = tpu.vector_load %arg6[%parallel_loop3A_348, %parallel_loop3A_349] {strides = array<i32>} : memref<16x256xi32, #tpu.memory_space<vmem>>, vector<16xi32>,
        %parallel_loop3A_351 = arith.addi %parallel_loop3A_350, %get3A_18 : vector<16xi32>
        tpu.vector_store_idx %arg8[%parallel_loop3A_323, %parallel_loop3A_351], %broadcast_in_dim3A_1 {add = true} : memref<16x256xf32, #tpu.memory_space<vmem>>[vector<16xi32>, vector<16xi32>], vector<16xf32>,
        %parallel_loop3A_352 = arith.index_cast %parallel_loop3A_321 : i32 to index
        %parallel_loop3A_353 = arith.constant 112 : index
        %parallel_loop3A_354 = tpu.vector_load %arg6[%parallel_loop3A_352, %parallel_loop3A_353] {strides = array<i32>} : memref<16x256xi32, #tpu.memory_space<vmem>>, vector<16xi32>,
        %parallel_loop3A_355 = arith.addi %parallel_loop3A_354, %get3A_20 : vector<16xi32>
        tpu.vector_store_idx %arg8[%parallel_loop3A_323, %parallel_loop3A_355], %broadcast_in_dim3A_1 {add = true} : memref<16x256xf32, #tpu.memory_space<vmem>>[vector<16xi32>, vector<16xi32>], vector<16xf32>,
        %parallel_loop3A_356 = arith.index_cast %parallel_loop3A_321 : i32 to index
        %parallel_loop3A_357 = arith.constant 128 : index
        %parallel_loop3A_358 = tpu.vector_load %arg6[%parallel_loop3A_356, %parallel_loop3A_357] {strides = array<i32>} : memref<16x256xi32, #tpu.memory_space<vmem>>, vector<16xi32>,
        %parallel_loop3A_359 = arith.addi %parallel_loop3A_358, %get3A_22 : vector<16xi32>
        tpu.vector_store_idx %arg8[%parallel_loop3A_323, %parallel_loop3A_359], %broadcast_in_dim3A_1 {add = true} : memref<16x256xf32, #tpu.memory_space<vmem>>[vector<16xi32>, vector<16xi32>], vector<16xf32>,
        %parallel_loop3A_360 = arith.index_cast %parallel_loop3A_321 : i32 to index
        %parallel_loop3A_361 = arith.constant 144 : index
        %parallel_loop3A_362 = tpu.vector_load %arg6[%parallel_loop3A_360, %parallel_loop3A_361] {strides = array<i32>} : memref<16x256xi32, #tpu.memory_space<vmem>>, vector<16xi32>,
        %parallel_loop3A_363 = arith.addi %parallel_loop3A_362, %get3A_24 : vector<16xi32>
        tpu.vector_store_idx %arg8[%parallel_loop3A_323, %parallel_loop3A_363], %broadcast_in_dim3A_1 {add = true} : memref<16x256xf32, #tpu.memory_space<vmem>>[vector<16xi32>, vector<16xi32>], vector<16xf32>,
        %parallel_loop3A_364 = arith.index_cast %parallel_loop3A_321 : i32 to index
        %parallel_loop3A_365 = arith.constant 160 : index
        %parallel_loop3A_366 = tpu.vector_load %arg6[%parallel_loop3A_364, %parallel_loop3A_365] {strides = array<i32>} : memref<16x256xi32, #tpu.memory_space<vmem>>, vector<16xi32>,
        %parallel_loop3A_367 = arith.addi %parallel_loop3A_366, %get3A_26 : vector<16xi32>
        tpu.vector_store_idx %arg8[%parallel_loop3A_323, %parallel_loop3A_367], %broadcast_in_dim3A_1 {add = true} : memref<16x256xf32, #tpu.memory_space<vmem>>[vector<16xi32>, vector<16xi32>], vector<16xf32>,
        %parallel_loop3A_368 = arith.index_cast %parallel_loop3A_321 : i32 to index
        %parallel_loop3A_369 = arith.constant 176 : index
        %parallel_loop3A_370 = tpu.vector_load %arg6[%parallel_loop3A_368, %parallel_loop3A_369] {strides = array<i32>} : memref<16x256xi32, #tpu.memory_space<vmem>>, vector<16xi32>,
        %parallel_loop3A_371 = arith.addi %parallel_loop3A_370, %get3A_28 : vector<16xi32>
        tpu.vector_store_idx %arg8[%parallel_loop3A_323, %parallel_loop3A_371], %broadcast_in_dim3A_1 {add = true} : memref<16x256xf32, #tpu.memory_space<vmem>>[vector<16xi32>, vector<16xi32>], vector<16xf32>,
        %parallel_loop3A_372 = arith.index_cast %parallel_loop3A_321 : i32 to index
        %parallel_loop3A_373 = arith.constant 192 : index
        %parallel_loop3A_374 = tpu.vector_load %arg6[%parallel_loop3A_372, %parallel_loop3A_373] {strides = array<i32>} : memref<16x256xi32, #tpu.memory_space<vmem>>, vector<16xi32>,
        %parallel_loop3A_375 = arith.addi %parallel_loop3A_374, %get3A_30 : vector<16xi32>
        tpu.vector_store_idx %arg8[%parallel_loop3A_323, %parallel_loop3A_375], %broadcast_in_dim3A_1 {add = true} : memref<16x256xf32, #tpu.memory_space<vmem>>[vector<16xi32>, vector<16xi32>], vector<16xf32>,
        %parallel_loop3A_376 = arith.index_cast %parallel_loop3A_321 : i32 to index
        %parallel_loop3A_377 = arith.constant 208 : index
        %parallel_loop3A_378 = tpu.vector_load %arg6[%parallel_loop3A_376, %parallel_loop3A_377] {strides = array<i32>} : memref<16x256xi32, #tpu.memory_space<vmem>>, vector<16xi32>,
        %parallel_loop3A_379 = arith.addi %parallel_loop3A_378, %get3A_32 : vector<16xi32>
        tpu.vector_store_idx %arg8[%parallel_loop3A_323, %parallel_loop3A_379], %broadcast_in_dim3A_1 {add = true} : memref<16x256xf32, #tpu.memory_space<vmem>>[vector<16xi32>, vector<16xi32>], vector<16xf32>,
        %parallel_loop3A_380 = arith.index_cast %parallel_loop3A_321 : i32 to index
        %parallel_loop3A_381 = arith.constant 224 : index
        %parallel_loop3A_382 = tpu.vector_load %arg6[%parallel_loop3A_380, %parallel_loop3A_381] {strides = array<i32>} : memref<16x256xi32, #tpu.memory_space<vmem>>, vector<16xi32>,
        %parallel_loop3A_383 = arith.addi %parallel_loop3A_382, %get3A_34 : vector<16xi32>
        tpu.vector_store_idx %arg8[%parallel_loop3A_323, %parallel_loop3A_383], %broadcast_in_dim3A_1 {add = true} : memref<16x256xf32, #tpu.memory_space<vmem>>[vector<16xi32>, vector<16xi32>], vector<16xf32>,
        %parallel_loop3A_384 = arith.index_cast %parallel_loop3A_321 : i32 to index
        %parallel_loop3A_385 = arith.constant 240 : index
        %parallel_loop3A_386 = tpu.vector_load %arg6[%parallel_loop3A_384, %parallel_loop3A_385] {strides = array<i32>} : memref<16x256xi32, #tpu.memory_space<vmem>>, vector<16xi32>,
        %parallel_loop3A_387 = arith.addi %parallel_loop3A_386, %get3A_36 : vector<16xi32>
        tpu.vector_store_idx %arg8[%parallel_loop3A_323, %parallel_loop3A_387], %broadcast_in_dim3A_1 {add = true} : memref<16x256xf32, #tpu.memory_space<vmem>>[vector<16xi32>, vector<16xi32>], vector<16xf32>,
      } {sc.loop_unroll_factor = 8 : i64, sc.parallel_access}
      %mul3A_263 = arith.constant 32 : i32
      %mul3A_264 = arith.muli %add3A, %mul3A_263 : i32
      %add3A_265 = arith.addi %mul3A_264, %add3A_245 : i32
      %mul3A_266 = arith.constant 16 : i32
      %mul3A_267 = arith.muli %add3A_265, %mul3A_266 : i32
      %jit3A_268 = arith.constant 32 : i32
      %eq3A_269 = arith.constant 0 : i32
      %eq3A_270 = arith.cmpi eq, %jit3A_268, %eq3A_269 : i32
      %jit3A_271 = arith.constant 1 : i32
      %select_n3A_272 = arith.select %eq3A_270, %jit3A_271, %jit3A_268 : i32
      %rem3A_273 = arith.remsi %mul3A_267, %select_n3A_272 : i32
      %ne3A_274 = arith.constant 0 : i32
      %ne3A_275 = arith.cmpi ne, %rem3A_273, %ne3A_274 : i32
      %lt3A_276 = arith.constant 0 : i32
      %lt3A_277 = arith.cmpi slt, %rem3A_273, %lt3A_276 : i32
      %lt3A_278 = arith.constant 0 : i32
      %lt3A_279 = arith.cmpi slt, %select_n3A_272, %lt3A_278 : i32
      %ne3A_280 = arith.xori %lt3A_277, %lt3A_279 : i1
      %and3A_281 = arith.andi %ne3A_280, %ne3A_275 : i1
      %add3A_282 = arith.addi %rem3A_273, %select_n3A_272 : i32
      %select_n3A_283 = arith.select %and3A_281, %add3A_282, %rem3A_273 : i32
      %jit3A_284 = arith.constant 32 : i32
      %div3A_285 = arith.divsi %mul3A_267, %jit3A_284 : i32
      %sign3A_286 = arith.constant 0 : i32
      %sign3A_287 = arith.cmpi sgt, %mul3A_267, %sign3A_286 : i32
      %sign3A_288 = arith.extui %sign3A_287 : i1 to i32
      %sign3A_289 = arith.constant 0 : i32
      %sign3A_290 = arith.cmpi slt, %mul3A_267, %sign3A_289 : i32
      %sign3A_291 = arith.extui %sign3A_290 : i1 to i32
      %sign3A_292 = arith.subi %sign3A_288, %sign3A_291 : i32
      %sign3A_293 = arith.constant 0 : i32
      %sign3A_294 = arith.cmpi sgt, %jit3A_284, %sign3A_293 : i32
      %sign3A_295 = arith.extui %sign3A_294 : i1 to i32
      %sign3A_296 = arith.constant 0 : i32
      %sign3A_297 = arith.cmpi slt, %jit3A_284, %sign3A_296 : i32
      %sign3A_298 = arith.extui %sign3A_297 : i1 to i32
      %sign3A_299 = arith.subi %sign3A_295, %sign3A_298 : i32
      %ne3A_300 = arith.cmpi ne, %sign3A_292, %sign3A_299 : i32
      %rem3A_301 = arith.remsi %mul3A_267, %jit3A_284 : i32
      %ne3A_302 = arith.constant 0 : i32
      %ne3A_303 = arith.cmpi ne, %rem3A_301, %ne3A_302 : i32
      %and3A_304 = arith.andi %ne3A_300, %ne3A_303 : i1
      %sub3A_305 = arith.constant 1 : i32
      %sub3A_306 = arith.subi %div3A_285, %sub3A_305 : i32
      %select_n3A_307 = arith.select %and3A_304, %sub3A_306, %div3A_285 : i32
      %dma_start3A_308 = arith.constant 0 : i32
      %dma_start3A_309 = tpu.memref_slice %arg4[%select_n3A_283, %select_n3A_307, %dma_start3A_308] : memref<32x512x256xf32, #tpu.memory_space<hbm>> -> memref<16x1x256xf32, #tpu.memory_space<hbm>>
      %dma_start3A_310 = tpu.memref_squeeze %dma_start3A_309 : memref<16x1x256xf32, #tpu.memory_space<hbm>> -> memref<16x256xf32, #tpu.memory_space<hbm>>
      %dma_start3A_311 = arith.constant 0 : i32
      %dma_start3A_312 = tpu.memref_slice %arg4[%select_n3A_283, %select_n3A_307, %dma_start3A_311] : memref<32x512x256xf32, #tpu.memory_space<hbm>> -> memref<16x1x256xf32, #tpu.memory_space<hbm>>
      %dma_start3A_313 = tpu.memref_squeeze %dma_start3A_312 : memref<16x1x256xf32, #tpu.memory_space<hbm>> -> memref<16x256xf32, #tpu.memory_space<hbm>>
      tpu.enqueue_dma source(%arg8 : memref<16x256xf32, #tpu.memory_space<vmem>>) target(%dma_start3A_313 : memref<16x256xf32, #tpu.memory_space<hbm>>) target_semaphore(%arg13 : memref<!tpu.dma_semaphore, #tpu.memory_space<semaphore_mem>>)
      %add3A_314 = arith.constant 2 : i32
      %add3A_315 = arith.addi %add3A_245, %add3A_314 : i32
      %lt3A_316 = arith.constant 32 : i32
      %lt3A_317 = arith.cmpi slt, %add3A_315, %lt3A_316 : i32
      %convert_element_type3A_318 = arith.extui %lt3A_317 : i1 to i32
      %cond3A_319 = arith.constant 0 : i32
      %cond3A_320 = arith.cmpi ne, %convert_element_type3A_318, %cond3A_319 : i32
      scf.if %cond3A_320 {
        %add3A_321 = arith.constant 2 : i32
        %add3A_322 = arith.addi %add3A_245, %add3A_321 : i32
        %mul3A_323 = arith.constant 32 : i32
        %mul3A_324 = arith.muli %add3A, %mul3A_323 : i32
        %add3A_325 = arith.addi %mul3A_324, %add3A_322 : i32
        %mul3A_326 = arith.constant 16 : i32
        %mul3A_327 = arith.muli %add3A_325, %mul3A_326 : i32
        %dma_start3A_328 = arith.constant 0 : i32
        %dma_start3A_329 = tpu.memref_slice %arg2[%mul3A_327, %dma_start3A_328] : memref<16384x256xi32, #tpu.memory_space<hbm>> -> memref<16x256xi32, #tpu.memory_space<hbm>>
        %dma_start3A_330 = arith.constant 0 : i32
        %dma_start3A_331 = tpu.memref_slice %arg2[%mul3A_327, %dma_start3A_330] : memref<16384x256xi32, #tpu.memory_space<hbm>> -> memref<16x256xi32, #tpu.memory_space<hbm>>
        tpu.enqueue_dma source(%dma_start3A_331 : memref<16x256xi32, #tpu.memory_space<hbm>>) target(%arg6 : memref<16x256xi32, #tpu.memory_space<vmem>>) target_semaphore(%arg11 : memref<!tpu.dma_semaphore, #tpu.memory_space<semaphore_mem>>)
      } else {
      }
    }
    %scan3A_72 = arith.constant 16 : i32
    %mul3A_73 = arith.constant 32 : i32
    %mul3A_74 = arith.muli %add3A, %mul3A_73 : i32
    %add3A_75 = arith.constant 30 : i32
    %add3A_76 = arith.addi %mul3A_74, %add3A_75 : i32
    %mul3A_77 = arith.constant 16 : i32
    %mul3A_78 = arith.muli %add3A_76, %mul3A_77 : i32
    %jit3A = arith.constant 32 : i32
    %eq3A = arith.constant 0 : i32
    %eq3A_79 = arith.cmpi eq, %jit3A, %eq3A : i32
    %jit3A_80 = arith.constant 1 : i32
    %select_n3A = arith.select %eq3A_79, %jit3A_80, %jit3A : i32
    %rem3A = arith.remsi %mul3A_78, %select_n3A : i32
    %ne3A = arith.constant 0 : i32
    %ne3A_81 = arith.cmpi ne, %rem3A, %ne3A : i32
    %lt3A = arith.constant 0 : i32
    %lt3A_82 = arith.cmpi slt, %rem3A, %lt3A : i32
    %lt3A_83 = arith.constant 0 : i32
    %lt3A_84 = arith.cmpi slt, %select_n3A, %lt3A_83 : i32
    %ne3A_85 = arith.xori %lt3A_82, %lt3A_84 : i1
    %and3A = arith.andi %ne3A_85, %ne3A_81 : i1
    %add3A_86 = arith.addi %rem3A, %select_n3A : i32
    %select_n3A_87 = arith.select %and3A, %add3A_86, %rem3A : i32
    %jit3A_88 = arith.constant 32 : i32
    %div3A = arith.divsi %mul3A_78, %jit3A_88 : i32
    %sign3A = arith.constant 0 : i32
    %sign3A_89 = arith.cmpi sgt, %mul3A_78, %sign3A : i32
    %sign3A_90 = arith.extui %sign3A_89 : i1 to i32
    %sign3A_91 = arith.constant 0 : i32
    %sign3A_92 = arith.cmpi slt, %mul3A_78, %sign3A_91 : i32
    %sign3A_93 = arith.extui %sign3A_92 : i1 to i32
    %sign3A_94 = arith.subi %sign3A_90, %sign3A_93 : i32
    %sign3A_95 = arith.constant 0 : i32
    %sign3A_96 = arith.cmpi sgt, %jit3A_88, %sign3A_95 : i32
    %sign3A_97 = arith.extui %sign3A_96 : i1 to i32
    %sign3A_98 = arith.constant 0 : i32
    %sign3A_99 = arith.cmpi slt, %jit3A_88, %sign3A_98 : i32
    %sign3A_100 = arith.extui %sign3A_99 : i1 to i32
    %sign3A_101 = arith.subi %sign3A_97, %sign3A_100 : i32
    %ne3A_102 = arith.cmpi ne, %sign3A_94, %sign3A_101 : i32
    %rem3A_103 = arith.remsi %mul3A_78, %jit3A_88 : i32
    %ne3A_104 = arith.constant 0 : i32
    %ne3A_105 = arith.cmpi ne, %rem3A_103, %ne3A_104 : i32
    %and3A_106 = arith.andi %ne3A_102, %ne3A_105 : i1
    %sub3A = arith.constant 1 : i32
    %sub3A_107 = arith.subi %div3A, %sub3A : i32
    %select_n3A_108 = arith.select %and3A_106, %sub3A_107, %div3A : i32
    %dma_wait3A = arith.constant 0 : i32
    %dma_wait3A_109 = tpu.memref_slice %arg4[%select_n3A_87, %select_n3A_108, %dma_wait3A] : memref<32x512x256xf32, #tpu.memory_space<hbm>> -> memref<16x1x256xf32, #tpu.memory_space<hbm>>
    %dma_wait3A_110 = tpu.memref_squeeze %dma_wait3A_109 : memref<16x1x256xf32, #tpu.memory_space<hbm>> -> memref<16x256xf32, #tpu.memory_space<hbm>>
    %dma_wait3A_111 = arith.constant 0 : i32
    %dma_wait3A_112 = tpu.memref_slice %arg4[%select_n3A_87, %select_n3A_108, %dma_wait3A_111] : memref<32x512x256xf32, #tpu.memory_space<hbm>> -> memref<16x1x256xf32, #tpu.memory_space<hbm>>
    %dma_wait3A_113 = tpu.memref_squeeze %dma_wait3A_112 : memref<16x1x256xf32, #tpu.memory_space<hbm>> -> memref<16x256xf32, #tpu.memory_space<hbm>>
    tpu.wait_dma2 semaphore(%arg12 : memref<!tpu.dma_semaphore, #tpu.memory_space<semaphore_mem>>) src(%arg7 : memref<16x256xf32, #tpu.memory_space<vmem>>) dst(%dma_wait3A_113 : memref<16x256xf32, #tpu.memory_space<hbm>>)
    %mul3A_114 = arith.constant 32 : i32
    %mul3A_115 = arith.muli %add3A, %mul3A_114 : i32
    %add3A_116 = arith.constant 31 : i32
    %add3A_117 = arith.addi %mul3A_115, %add3A_116 : i32
    %mul3A_118 = arith.constant 16 : i32
    %mul3A_119 = arith.muli %add3A_117, %mul3A_118 : i32
    %jit3A_120 = arith.constant 32 : i32
    %eq3A_121 = arith.constant 0 : i32
    %eq3A_122 = arith.cmpi eq, %jit3A_120, %eq3A_121 : i32
    %jit3A_123 = arith.constant 1 : i32
    %select_n3A_124 = arith.select %eq3A_122, %jit3A_123, %jit3A_120 : i32
    %rem3A_125 = arith.remsi %mul3A_119, %select_n3A_124 : i32
    %ne3A_126 = arith.constant 0 : i32
    %ne3A_127 = arith.cmpi ne, %rem3A_125, %ne3A_126 : i32
    %lt3A_128 = arith.constant 0 : i32
    %lt3A_129 = arith.cmpi slt, %rem3A_125, %lt3A_128 : i32
    %lt3A_130 = arith.constant 0 : i32
    %lt3A_131 = arith.cmpi slt, %select_n3A_124, %lt3A_130 : i32
    %ne3A_132 = arith.xori %lt3A_129, %lt3A_131 : i1
    %and3A_133 = arith.andi %ne3A_132, %ne3A_127 : i1
    %add3A_134 = arith.addi %rem3A_125, %select_n3A_124 : i32
    %select_n3A_135 = arith.select %and3A_133, %add3A_134, %rem3A_125 : i32
    %jit3A_136 = arith.constant 32 : i32
    %div3A_137 = arith.divsi %mul3A_119, %jit3A_136 : i32
    %sign3A_138 = arith.constant 0 : i32
    %sign3A_139 = arith.cmpi sgt, %mul3A_119, %sign3A_138 : i32
    %sign3A_140 = arith.extui %sign3A_139 : i1 to i32
    %sign3A_141 = arith.constant 0 : i32
    %sign3A_142 = arith.cmpi slt, %mul3A_119, %sign3A_141 : i32
    %sign3A_143 = arith.extui %sign3A_142 : i1 to i32
    %sign3A_144 = arith.subi %sign3A_140, %sign3A_143 : i32
    %sign3A_145 = arith.constant 0 : i32
    %sign3A_146 = arith.cmpi sgt, %jit3A_136, %sign3A_145 : i32
    %sign3A_147 = arith.extui %sign3A_146 : i1 to i32
    %sign3A_148 = arith.constant 0 : i32
    %sign3A_149 = arith.cmpi slt, %jit3A_136, %sign3A_148 : i32
    %sign3A_150 = arith.extui %sign3A_149 : i1 to i32
    %sign3A_151 = arith.subi %sign3A_147, %sign3A_150 : i32
    %ne3A_152 = arith.cmpi ne, %sign3A_144, %sign3A_151 : i32
    %rem3A_153 = arith.remsi %mul3A_119, %jit3A_136 : i32
    %ne3A_154 = arith.constant 0 : i32
    %ne3A_155 = arith.cmpi ne, %rem3A_153, %ne3A_154 : i32
    %and3A_156 = arith.andi %ne3A_152, %ne3A_155 : i1
    %sub3A_157 = arith.constant 1 : i32
    %sub3A_158 = arith.subi %div3A_137, %sub3A_157 : i32
    %select_n3A_159 = arith.select %and3A_156, %sub3A_158, %div3A_137 : i32
    %dma_wait3A_160 = arith.constant 0 : i32
    %dma_wait3A_161 = tpu.memref_slice %arg4[%select_n3A_135, %select_n3A_159, %dma_wait3A_160] : memref<32x512x256xf32, #tpu.memory_space<hbm>> -> memref<16x1x256xf32, #tpu.memory_space<hbm>>
    %dma_wait3A_162 = tpu.memref_squeeze %dma_wait3A_161 : memref<16x1x256xf32, #tpu.memory_space<hbm>> -> memref<16x256xf32, #tpu.memory_space<hbm>>
    %dma_wait3A_163 = arith.constant 0 : i32
    %dma_wait3A_164 = tpu.memref_slice %arg4[%select_n3A_135, %select_n3A_159, %dma_wait3A_163] : memref<32x512x256xf32, #tpu.memory_space<hbm>> -> memref<16x1x256xf32, #tpu.memory_space<hbm>>
    %dma_wait3A_165 = tpu.memref_squeeze %dma_wait3A_164 : memref<16x1x256xf32, #tpu.memory_space<hbm>> -> memref<16x256xf32, #tpu.memory_space<hbm>>
    tpu.wait_dma2 semaphore(%arg13 : memref<!tpu.dma_semaphore, #tpu.memory_space<semaphore_mem>>) src(%arg8 : memref<16x256xf32, #tpu.memory_space<vmem>>) dst(%dma_wait3A_165 : memref<16x256xf32, #tpu.memory_space<hbm>>)
    return
  }
}

module attributes {stable_mosaic.version = 14 : i64} {
  func.func @body(%arg0: i32, %arg1: memref<4096x256xf32, #tpu.memory_space<vmem>>, %arg2: memref<256x128xf32, #tpu.memory_space<vmem>>, %arg3: memref<128x128xf32, #tpu.memory_space<vmem>>, %arg4: memref<1x4096xf32, #tpu.memory_space<vmem>>, %arg5: memref<257x8x512xf32, #tpu.memory_space<vmem>>) attributes {dimension_semantics = [#tpu.dimension_semantics<arbitrary>], iteration_bounds = array<i64: 4>, scalar_prefetch = 0 : i64, scratch_operands = 0 : i64, tpu.core_type = #tpu.core_type<tc>, window_params = [{transform_indices = @transform_0, window_bounds = array<i64: 4096, 256>}, {pipeline_mode = #tpu.pipeline_mode<synchronous>, transform_indices = @transform_1, window_bounds = array<i64: 256, 128>}, {pipeline_mode = #tpu.pipeline_mode<synchronous>, transform_indices = @transform_2, window_bounds = array<i64: 128, 128>}, {transform_indices = @transform_3, window_bounds = array<i64: 1, 4096>}, {transform_indices = @transform_4, window_bounds = array<i64: 257, 8, 512>}]} {
    %get3A = arith.constant 0 : index
    %get3A_0 = arith.constant 0 : index
    %get3A_1 = vector.load %arg1[%get3A, %get3A_0] : memref<4096x256xf32, #tpu.memory_space<vmem>>, vector<4096x256xf32>
    %iota3A = tpu.iota {dimensions = array<i32: 0>} : vector<4096x1xi32>
    %jit3A = arith.constant 16 : i32
    %eq3A = arith.constant 0 : i32
    %eq3A_2 = arith.cmpi eq, %jit3A, %eq3A : i32
    %jit3A_3 = arith.constant 1 : i32
    %select_n3A = arith.select %eq3A_2, %jit3A_3, %jit3A : i32
    %rem3A = vector.broadcast %select_n3A : i32 to vector<4096x1xi32>
    %rem3A_4 = arith.remsi %iota3A, %rem3A : vector<4096x1xi32>
    %ne3A = arith.constant 0 : i32
    %ne3A_5 = vector.broadcast %ne3A : i32 to vector<4096x1xi32>
    %ne3A_6 = arith.cmpi ne, %rem3A_4, %ne3A_5 : vector<4096x1xi32>
    %lt3A = arith.constant 0 : i32
    %lt3A_7 = vector.broadcast %lt3A : i32 to vector<4096x1xi32>
    %lt3A_8 = arith.cmpi slt, %rem3A_4, %lt3A_7 : vector<4096x1xi32>
    %lt3A_9 = arith.constant 0 : i32
    %lt3A_10 = arith.cmpi slt, %select_n3A, %lt3A_9 : i32
    %ne3A_11 = vector.broadcast %lt3A_10 : i1 to vector<4096x1xi1>
    %ne3A_12 = vector.broadcast %ne3A_11 : vector<4096x1xi1> to vector<4096x1xi1>
    %ne3A_13 = arith.xori %lt3A_8, %ne3A_12 : vector<4096x1xi1>
    %and3A = arith.andi %ne3A_13, %ne3A_6 : vector<4096x1xi1>
    %add3A = vector.broadcast %select_n3A : i32 to vector<4096x1xi32>
    %add3A_14 = arith.addi %rem3A_4, %add3A : vector<4096x1xi32>
    %select_n3A_15 = arith.select %and3A, %add3A_14, %rem3A_4 : vector<4096x1xi1>, vector<4096x1xi32>
    %ne3A_16 = arith.constant 0 : i32
    %ne3A_17 = vector.broadcast %ne3A_16 : i32 to vector<4096x1xi32>
    %ne3A_18 = arith.cmpi ne, %select_n3A_15, %ne3A_17 : vector<4096x1xi32>
    %convert_element_type3A = arith.extui %ne3A_18 : vector<4096x1xi1> to vector<4096x1xi32>
    %convert_element_type3A_19 = arith.sitofp %convert_element_type3A : vector<4096x1xi32> to vector<4096x1xf32>
    %broadcast_in_dim3A = arith.constant 0.000000e+00 : f32
    %broadcast_in_dim3A_20 = vector.broadcast %broadcast_in_dim3A : f32 to vector<1x256xf32>
    %slice3A = vector.extract_strided_slice %get3A_1 {offsets = [0, 0], sizes = [4095, 256], strides = [1, 1]} : vector<4096x256xf32> to vector<4095x256xf32>
    %concatenate3A = tpu.concatenate %broadcast_in_dim3A_20, %slice3A in 0 : vector<1x256xf32>, vector<4095x256xf32> -> vector<4096x256xf32>
    %mul3A = vector.broadcast %convert_element_type3A_19 : vector<4096x1xf32> to vector<4096x256xf32>
    %mul3A_21 = arith.mulf %mul3A, %concatenate3A : vector<4096x256xf32>
    %sub3A = arith.subf %get3A_1, %mul3A_21 : vector<4096x256xf32>
    %get3A_22 = arith.constant 0 : index
    %get3A_23 = arith.constant 0 : index
    %get3A_24 = vector.load %arg2[%get3A_22, %get3A_23] : memref<256x128xf32, #tpu.memory_space<vmem>>, vector<256x128xf32>
    %dot_general3A = arith.constant dense<0.000000e+00> : vector<4096x128xf32>
    %dot_general3A_25 = tpu.matmul %sub3A, %get3A_24, %dot_general3A {dimension_numbers = #tpu.dot_dimension_numbers<[1], [0], [0], [1], [0, 0, 1, 1], [], []>, transpose_lhs_hint = false} : vector<4096x256xf32>, vector<256x128xf32>, vector<4096x128xf32> -> vector<4096x128xf32>
    %get3A_26 = arith.constant 0 : index
    %get3A_27 = arith.constant 0 : index
    %get3A_28 = vector.load %arg3[%get3A_26, %get3A_27] : memref<128x128xf32, #tpu.memory_space<vmem>>, vector<128x128xf32>
    %dot_general3A_29 = arith.constant dense<0.000000e+00> : vector<128x4096xf32>
    %dot_general3A_30 = tpu.matmul %get3A_28, %dot_general3A_25, %dot_general3A_29 {dimension_numbers = #tpu.dot_dimension_numbers<[1], [1], [0], [0], [0, 0, 1, 0], [], []>, transpose_lhs_hint = false} : vector<128x128xf32>, vector<4096x128xf32>, vector<128x4096xf32> -> vector<128x4096xf32>
    %get3A_31 = arith.constant 0 : index
    %get3A_32 = arith.constant 0 : index
    %get3A_33 = vector.load %arg4[%get3A_31, %get3A_32] : memref<1x4096xf32, #tpu.memory_space<vmem>>, vector<1x4096xf32>
    %slice3A_34 = vector.extract_strided_slice %dot_general3A_30 {offsets = [0, 0], sizes = [128, 512], strides = [1, 1]} : vector<128x4096xf32> to vector<128x512xf32>
    %swap3A = arith.constant 0 : index
    %swap3A_35 = arith.constant 0 : index
    %swap3A_36 = arith.constant 0 : index
    %swap3A_37 = vector.load %arg5[%swap3A, %swap3A_35, %swap3A_36] : memref<257x8x512xf32, #tpu.memory_space<vmem>>, vector<128x1x512xf32>
    %swap3A_38 = vector.shape_cast %swap3A_37 : vector<128x1x512xf32> to vector<128x512xf32>
    %swap3A_39 = vector.shape_cast %slice3A_34 : vector<128x512xf32> to vector<128x1x512xf32>
    tpu.vector_store %arg5[%swap3A, %swap3A_35, %swap3A_36], %swap3A_39 {strides = array<i32>} : memref<257x8x512xf32, #tpu.memory_space<vmem>>, vector<128x1x512xf32>,
    %slice3A_40 = vector.extract_strided_slice %get3A_33 {offsets = [0, 0], sizes = [1, 512], strides = [1, 1]} : vector<1x4096xf32> to vector<1x512xf32>
    %swap3A_41 = arith.constant 256 : index
    %swap3A_42 = arith.constant 0 : index
    %swap3A_43 = arith.constant 0 : index
    %swap3A_44 = vector.load %arg5[%swap3A_41, %swap3A_42, %swap3A_43] : memref<257x8x512xf32, #tpu.memory_space<vmem>>, vector<1x1x512xf32>
    %swap3A_45 = vector.shape_cast %swap3A_44 : vector<1x1x512xf32> to vector<1x512xf32>
    %swap3A_46 = vector.shape_cast %slice3A_40 : vector<1x512xf32> to vector<1x1x512xf32>
    tpu.vector_store %arg5[%swap3A_41, %swap3A_42, %swap3A_43], %swap3A_46 {strides = array<i32>} : memref<257x8x512xf32, #tpu.memory_space<vmem>>, vector<1x1x512xf32>,
    %slice3A_47 = vector.extract_strided_slice %dot_general3A_30 {offsets = [0, 512], sizes = [128, 512], strides = [1, 1]} : vector<128x4096xf32> to vector<128x512xf32>
    %swap3A_48 = arith.constant 0 : index
    %swap3A_49 = arith.constant 1 : index
    %swap3A_50 = arith.constant 0 : index
    %swap3A_51 = vector.load %arg5[%swap3A_48, %swap3A_49, %swap3A_50] : memref<257x8x512xf32, #tpu.memory_space<vmem>>, vector<128x1x512xf32>
    %swap3A_52 = vector.shape_cast %swap3A_51 : vector<128x1x512xf32> to vector<128x512xf32>
    %swap3A_53 = vector.shape_cast %slice3A_47 : vector<128x512xf32> to vector<128x1x512xf32>
    tpu.vector_store %arg5[%swap3A_48, %swap3A_49, %swap3A_50], %swap3A_53 {strides = array<i32>} : memref<257x8x512xf32, #tpu.memory_space<vmem>>, vector<128x1x512xf32>,
    %slice3A_54 = vector.extract_strided_slice %get3A_33 {offsets = [0, 512], sizes = [1, 512], strides = [1, 1]} : vector<1x4096xf32> to vector<1x512xf32>
    %swap3A_55 = arith.constant 256 : index
    %swap3A_56 = arith.constant 1 : index
    %swap3A_57 = arith.constant 0 : index
    %swap3A_58 = vector.load %arg5[%swap3A_55, %swap3A_56, %swap3A_57] : memref<257x8x512xf32, #tpu.memory_space<vmem>>, vector<1x1x512xf32>
    %swap3A_59 = vector.shape_cast %swap3A_58 : vector<1x1x512xf32> to vector<1x512xf32>
    %swap3A_60 = vector.shape_cast %slice3A_54 : vector<1x512xf32> to vector<1x1x512xf32>
    tpu.vector_store %arg5[%swap3A_55, %swap3A_56, %swap3A_57], %swap3A_60 {strides = array<i32>} : memref<257x8x512xf32, #tpu.memory_space<vmem>>, vector<1x1x512xf32>,
    %slice3A_61 = vector.extract_strided_slice %dot_general3A_30 {offsets = [0, 1024], sizes = [128, 512], strides = [1, 1]} : vector<128x4096xf32> to vector<128x512xf32>
    %swap3A_62 = arith.constant 0 : index
    %swap3A_63 = arith.constant 2 : index
    %swap3A_64 = arith.constant 0 : index
    %swap3A_65 = vector.load %arg5[%swap3A_62, %swap3A_63, %swap3A_64] : memref<257x8x512xf32, #tpu.memory_space<vmem>>, vector<128x1x512xf32>
    %swap3A_66 = vector.shape_cast %swap3A_65 : vector<128x1x512xf32> to vector<128x512xf32>
    %swap3A_67 = vector.shape_cast %slice3A_61 : vector<128x512xf32> to vector<128x1x512xf32>
    tpu.vector_store %arg5[%swap3A_62, %swap3A_63, %swap3A_64], %swap3A_67 {strides = array<i32>} : memref<257x8x512xf32, #tpu.memory_space<vmem>>, vector<128x1x512xf32>,
    %slice3A_68 = vector.extract_strided_slice %get3A_33 {offsets = [0, 1024], sizes = [1, 512], strides = [1, 1]} : vector<1x4096xf32> to vector<1x512xf32>
    %swap3A_69 = arith.constant 256 : index
    %swap3A_70 = arith.constant 2 : index
    %swap3A_71 = arith.constant 0 : index
    %swap3A_72 = vector.load %arg5[%swap3A_69, %swap3A_70, %swap3A_71] : memref<257x8x512xf32, #tpu.memory_space<vmem>>, vector<1x1x512xf32>
    %swap3A_73 = vector.shape_cast %swap3A_72 : vector<1x1x512xf32> to vector<1x512xf32>
    %swap3A_74 = vector.shape_cast %slice3A_68 : vector<1x512xf32> to vector<1x1x512xf32>
    tpu.vector_store %arg5[%swap3A_69, %swap3A_70, %swap3A_71], %swap3A_74 {strides = array<i32>} : memref<257x8x512xf32, #tpu.memory_space<vmem>>, vector<1x1x512xf32>,
    %slice3A_75 = vector.extract_strided_slice %dot_general3A_30 {offsets = [0, 1536], sizes = [128, 512], strides = [1, 1]} : vector<128x4096xf32> to vector<128x512xf32>
    %swap3A_76 = arith.constant 0 : index
    %swap3A_77 = arith.constant 3 : index
    %swap3A_78 = arith.constant 0 : index
    %swap3A_79 = vector.load %arg5[%swap3A_76, %swap3A_77, %swap3A_78] : memref<257x8x512xf32, #tpu.memory_space<vmem>>, vector<128x1x512xf32>
    %swap3A_80 = vector.shape_cast %swap3A_79 : vector<128x1x512xf32> to vector<128x512xf32>
    %swap3A_81 = vector.shape_cast %slice3A_75 : vector<128x512xf32> to vector<128x1x512xf32>
    tpu.vector_store %arg5[%swap3A_76, %swap3A_77, %swap3A_78], %swap3A_81 {strides = array<i32>} : memref<257x8x512xf32, #tpu.memory_space<vmem>>, vector<128x1x512xf32>,
    %slice3A_82 = vector.extract_strided_slice %get3A_33 {offsets = [0, 1536], sizes = [1, 512], strides = [1, 1]} : vector<1x4096xf32> to vector<1x512xf32>
    %swap3A_83 = arith.constant 256 : index
    %swap3A_84 = arith.constant 3 : index
    %swap3A_85 = arith.constant 0 : index
    %swap3A_86 = vector.load %arg5[%swap3A_83, %swap3A_84, %swap3A_85] : memref<257x8x512xf32, #tpu.memory_space<vmem>>, vector<1x1x512xf32>
    %swap3A_87 = vector.shape_cast %swap3A_86 : vector<1x1x512xf32> to vector<1x512xf32>
    %swap3A_88 = vector.shape_cast %slice3A_82 : vector<1x512xf32> to vector<1x1x512xf32>
    tpu.vector_store %arg5[%swap3A_83, %swap3A_84, %swap3A_85], %swap3A_88 {strides = array<i32>} : memref<257x8x512xf32, #tpu.memory_space<vmem>>, vector<1x1x512xf32>,
    %slice3A_89 = vector.extract_strided_slice %dot_general3A_30 {offsets = [0, 2048], sizes = [128, 512], strides = [1, 1]} : vector<128x4096xf32> to vector<128x512xf32>
    %swap3A_90 = arith.constant 0 : index
    %swap3A_91 = arith.constant 4 : index
    %swap3A_92 = arith.constant 0 : index
    %swap3A_93 = vector.load %arg5[%swap3A_90, %swap3A_91, %swap3A_92] : memref<257x8x512xf32, #tpu.memory_space<vmem>>, vector<128x1x512xf32>
    %swap3A_94 = vector.shape_cast %swap3A_93 : vector<128x1x512xf32> to vector<128x512xf32>
    %swap3A_95 = vector.shape_cast %slice3A_89 : vector<128x512xf32> to vector<128x1x512xf32>
    tpu.vector_store %arg5[%swap3A_90, %swap3A_91, %swap3A_92], %swap3A_95 {strides = array<i32>} : memref<257x8x512xf32, #tpu.memory_space<vmem>>, vector<128x1x512xf32>,
    %slice3A_96 = vector.extract_strided_slice %get3A_33 {offsets = [0, 2048], sizes = [1, 512], strides = [1, 1]} : vector<1x4096xf32> to vector<1x512xf32>
    %swap3A_97 = arith.constant 256 : index
    %swap3A_98 = arith.constant 4 : index
    %swap3A_99 = arith.constant 0 : index
    %swap3A_100 = vector.load %arg5[%swap3A_97, %swap3A_98, %swap3A_99] : memref<257x8x512xf32, #tpu.memory_space<vmem>>, vector<1x1x512xf32>
    %swap3A_101 = vector.shape_cast %swap3A_100 : vector<1x1x512xf32> to vector<1x512xf32>
    %swap3A_102 = vector.shape_cast %slice3A_96 : vector<1x512xf32> to vector<1x1x512xf32>
    tpu.vector_store %arg5[%swap3A_97, %swap3A_98, %swap3A_99], %swap3A_102 {strides = array<i32>} : memref<257x8x512xf32, #tpu.memory_space<vmem>>, vector<1x1x512xf32>,
    %slice3A_103 = vector.extract_strided_slice %dot_general3A_30 {offsets = [0, 2560], sizes = [128, 512], strides = [1, 1]} : vector<128x4096xf32> to vector<128x512xf32>
    %swap3A_104 = arith.constant 0 : index
    %swap3A_105 = arith.constant 5 : index
    %swap3A_106 = arith.constant 0 : index
    %swap3A_107 = vector.load %arg5[%swap3A_104, %swap3A_105, %swap3A_106] : memref<257x8x512xf32, #tpu.memory_space<vmem>>, vector<128x1x512xf32>
    %swap3A_108 = vector.shape_cast %swap3A_107 : vector<128x1x512xf32> to vector<128x512xf32>
    %swap3A_109 = vector.shape_cast %slice3A_103 : vector<128x512xf32> to vector<128x1x512xf32>
    tpu.vector_store %arg5[%swap3A_104, %swap3A_105, %swap3A_106], %swap3A_109 {strides = array<i32>} : memref<257x8x512xf32, #tpu.memory_space<vmem>>, vector<128x1x512xf32>,
    %slice3A_110 = vector.extract_strided_slice %get3A_33 {offsets = [0, 2560], sizes = [1, 512], strides = [1, 1]} : vector<1x4096xf32> to vector<1x512xf32>
    %swap3A_111 = arith.constant 256 : index
    %swap3A_112 = arith.constant 5 : index
    %swap3A_113 = arith.constant 0 : index
    %swap3A_114 = vector.load %arg5[%swap3A_111, %swap3A_112, %swap3A_113] : memref<257x8x512xf32, #tpu.memory_space<vmem>>, vector<1x1x512xf32>
    %swap3A_115 = vector.shape_cast %swap3A_114 : vector<1x1x512xf32> to vector<1x512xf32>
    %swap3A_116 = vector.shape_cast %slice3A_110 : vector<1x512xf32> to vector<1x1x512xf32>
    tpu.vector_store %arg5[%swap3A_111, %swap3A_112, %swap3A_113], %swap3A_116 {strides = array<i32>} : memref<257x8x512xf32, #tpu.memory_space<vmem>>, vector<1x1x512xf32>,
    %slice3A_117 = vector.extract_strided_slice %dot_general3A_30 {offsets = [0, 3072], sizes = [128, 512], strides = [1, 1]} : vector<128x4096xf32> to vector<128x512xf32>
    %swap3A_118 = arith.constant 0 : index
    %swap3A_119 = arith.constant 6 : index
    %swap3A_120 = arith.constant 0 : index
    %swap3A_121 = vector.load %arg5[%swap3A_118, %swap3A_119, %swap3A_120] : memref<257x8x512xf32, #tpu.memory_space<vmem>>, vector<128x1x512xf32>
    %swap3A_122 = vector.shape_cast %swap3A_121 : vector<128x1x512xf32> to vector<128x512xf32>
    %swap3A_123 = vector.shape_cast %slice3A_117 : vector<128x512xf32> to vector<128x1x512xf32>
    tpu.vector_store %arg5[%swap3A_118, %swap3A_119, %swap3A_120], %swap3A_123 {strides = array<i32>} : memref<257x8x512xf32, #tpu.memory_space<vmem>>, vector<128x1x512xf32>,
    %slice3A_124 = vector.extract_strided_slice %get3A_33 {offsets = [0, 3072], sizes = [1, 512], strides = [1, 1]} : vector<1x4096xf32> to vector<1x512xf32>
    %swap3A_125 = arith.constant 256 : index
    %swap3A_126 = arith.constant 6 : index
    %swap3A_127 = arith.constant 0 : index
    %swap3A_128 = vector.load %arg5[%swap3A_125, %swap3A_126, %swap3A_127] : memref<257x8x512xf32, #tpu.memory_space<vmem>>, vector<1x1x512xf32>
    %swap3A_129 = vector.shape_cast %swap3A_128 : vector<1x1x512xf32> to vector<1x512xf32>
    %swap3A_130 = vector.shape_cast %slice3A_124 : vector<1x512xf32> to vector<1x1x512xf32>
    tpu.vector_store %arg5[%swap3A_125, %swap3A_126, %swap3A_127], %swap3A_130 {strides = array<i32>} : memref<257x8x512xf32, #tpu.memory_space<vmem>>, vector<1x1x512xf32>,
    %slice3A_131 = vector.extract_strided_slice %dot_general3A_30 {offsets = [0, 3584], sizes = [128, 512], strides = [1, 1]} : vector<128x4096xf32> to vector<128x512xf32>
    %swap3A_132 = arith.constant 0 : index
    %swap3A_133 = arith.constant 7 : index
    %swap3A_134 = arith.constant 0 : index
    %swap3A_135 = vector.load %arg5[%swap3A_132, %swap3A_133, %swap3A_134] : memref<257x8x512xf32, #tpu.memory_space<vmem>>, vector<128x1x512xf32>
    %swap3A_136 = vector.shape_cast %swap3A_135 : vector<128x1x512xf32> to vector<128x512xf32>
    %swap3A_137 = vector.shape_cast %slice3A_131 : vector<128x512xf32> to vector<128x1x512xf32>
    tpu.vector_store %arg5[%swap3A_132, %swap3A_133, %swap3A_134], %swap3A_137 {strides = array<i32>} : memref<257x8x512xf32, #tpu.memory_space<vmem>>, vector<128x1x512xf32>,
    %slice3A_138 = vector.extract_strided_slice %get3A_33 {offsets = [0, 3584], sizes = [1, 512], strides = [1, 1]} : vector<1x4096xf32> to vector<1x512xf32>
    %swap3A_139 = arith.constant 256 : index
    %swap3A_140 = arith.constant 7 : index
    %swap3A_141 = arith.constant 0 : index
    %swap3A_142 = vector.load %arg5[%swap3A_139, %swap3A_140, %swap3A_141] : memref<257x8x512xf32, #tpu.memory_space<vmem>>, vector<1x1x512xf32>
    %swap3A_143 = vector.shape_cast %swap3A_142 : vector<1x1x512xf32> to vector<1x512xf32>
    %swap3A_144 = vector.shape_cast %slice3A_138 : vector<1x512xf32> to vector<1x1x512xf32>
    tpu.vector_store %arg5[%swap3A_139, %swap3A_140, %swap3A_141], %swap3A_144 {strides = array<i32>} : memref<257x8x512xf32, #tpu.memory_space<vmem>>, vector<1x1x512xf32>,
    %broadcast_in_dim3A_145 = arith.constant 0.000000e+00 : f32
    %broadcast_in_dim3A_146 = vector.broadcast %broadcast_in_dim3A_145 : f32 to vector<128x8x512xf32>
    %swap3A_147 = arith.constant 128 : index
    %swap3A_148 = arith.constant 0 : index
    %swap3A_149 = arith.constant 0 : index
    %swap3A_150 = vector.load %arg5[%swap3A_147, %swap3A_148, %swap3A_149] : memref<257x8x512xf32, #tpu.memory_space<vmem>>, vector<128x8x512xf32>
    tpu.vector_store %arg5[%swap3A_147, %swap3A_148, %swap3A_149], %broadcast_in_dim3A_146 {strides = array<i32>} : memref<257x8x512xf32, #tpu.memory_space<vmem>>, vector<128x8x512xf32>,
    return
  }
  func.func @transform_0(%arg0: i32) -> (i32, i32) {
    %c0_i32 = arith.constant 0 : i32
    %c0_i32_0 = arith.constant 0 : i32
    return %arg0, %c0_i32 : i32, i32
  }
  func.func @transform_1(%arg0: i32) -> (i32, i32) {
    %c0_i32 = arith.constant 0 : i32
    %c0_i32_0 = arith.constant 0 : i32
    %c0_i32_1 = arith.constant 0 : i32
    return %c0_i32, %c0_i32_0 : i32, i32
  }
  func.func @transform_2(%arg0: i32) -> (i32, i32) {
    %c0_i32 = arith.constant 0 : i32
    %c0_i32_0 = arith.constant 0 : i32
    %c0_i32_1 = arith.constant 0 : i32
    return %c0_i32, %c0_i32_0 : i32, i32
  }
  func.func @transform_3(%arg0: i32) -> (i32, i32) {
    %c0_i32 = arith.constant 0 : i32
    %c0_i32_0 = arith.constant 0 : i32
    return %c0_i32, %arg0 : i32, i32
  }
  func.func @transform_4(%arg0: i32) -> (i32, i32, i32) {
    %c0_i32 = arith.constant 0 : i32
    %c0_i32_0 = arith.constant 0 : i32
    %c0_i32_1 = arith.constant 0 : i32
    return %c0_i32, %arg0, %c0_i32_0 : i32, i32, i32
  }
}

</mosaic_0001>

<sc_bundles>
// kernel: kernel.4.cloned.1.call-start
scs
__scs_entry_jumppad:
0x0: {  	(pc) =	sbr.rel $0x88, $3  }
0x1: {  	(tag) =	ssettag $0x0;
	lr =	simm.s32 $0x1  }
0x2: {  	[smem:$0x3F99] =	sst lr;
	_ =	strace $0xD0000000  }
0x3: {  	_ = 	snop  }
0x4: {  	_ = 	snop  }
0x5: {  	_ = 	snop  }
0x6: {  	_ = 	snop  }
0x7: {  	_ = 	snop  }
__scs_overlays_trampoline_lowered:
0x8: {  	[smem:$0x3FA8] =	sst s0  }
0x9: {  	[smem:$0x3FA9] =	sst s1  }
0xa: {  	[smem:$0x3FAA] =	sst s2  }
0xb: {  	[smem:$0x3FAB] =	sst s3  }
0xc: {  	[smem:$0x3FAC] =	sst s4  }
0xd: {  	[smem:$0x3FAD] =	sst s5  }
0xe: {  	[smem:$0x3FAE] =	sst s6  }
0xf: {  	[smem:$0x3FAF] =	sst s7  }
0x10: {  	[smem:$0x3FB0] =	sst s8  }
0x11: {  	[smem:$0x3FB1] =	sst s9;
	s0 =	simm.s32 @!p0 $0x0  }
0x12: {  	s1 =	sld [smem:$0x3F97];
	s0 =	simm.s32 @p0 $0x1  }
0x13: {  	[smem:$0x3FB2] =	sst s0;
	s0 =	simm.s32 @!p1 $0x0  }
0x14: {  	s2 =	sld [smem:$0x3F96];
	s0 =	simm.s32 @p1 $0x1  }
0x15: {  	[smem:$0x3FB3] =	sst s0;
	s0 =	simm.s32 @!p2 $0x0  }
0x16: {  	s3 =	sld [smem:$0x3FDB];
	s0 =	simm.s32 @p2 $0x1  }
0x17: {  	s4 =	simm.s32 $0x1BF5;
	[smem:$0x3FB5] =	sst s0  }
0x18: {  	s0 =	sld [smem:$0x3F98];
	_ =	swait.ge [sflag:s4], $0x0  }
0x19: {  	s7 =	sld [smem:$0x3F99]  }
0x1a: {  	s8 =	sadd.s32 $0xFFFFE003, lr  }
0x1b: {  	s9 =	sadd.s32 $0xFFFFFEF7, lr;
	s5 =	simm.s32 $0xFFFFFFFF;
	p2 =	slt.u32 s8, $0xFFFFF086  }
0x1c: {  	p1 =	slt.u32 s9, $0xF7A;
	s5 =	simm.s32 @!p2 $0x0  }
0x1d: {  	s5 =	simm.s32 @p1 $0x1;
	p0 =	seq.s32 s7, s2  }
0x1e: {  	s7 =	smul.u32 @!p0 $0xF7A, s2;
	p2 =	seq.s32 @!p0 s5, $0x0  }
0x1f: {  	s9 =	smul.u32 $0xF7A, s1;
	s8 =	simm.s32 @!p0 $0x1BF5;
	p2 =	por !p2, p0  }
0x20: {  	[sflag:s8] =	ssyncset.s32 @!p0 $0xFFFFF086;
	s6 =	sadd.s32 @!p0 s3, s7;
	s7 =	simm.s32 @!p0 $0x108  }
0x21: {  	s3 =	sadd.s32 s3, s9;
	s6 =	sadd.s32 @!p0 $0x88, s6;
	s7 =	simm.s32 @p2 $0x1082  }
0x22: {  	[simem:s7], [sflag:s8] =	dma.local @!p0 [hbm:s6], $0xF7A  }
0x23: {  	s9 =	sor.u32 $0xD0000000, s2;
	s6 =	simm.s32 $0x108;
	_ =	swait.ge @!p0 [sflag:s8], $0x0  }
0x24: {  	s3 =	sadd.s32 $0x88, s3;
	s6 =	simm.s32 @!p1 $0x1082;
	[sflag:s4] =	ssyncset.s32 $0xFFFFF086  }
0x25: {  	[simem:s6], [sflag:s4] =	dma.local [hbm:s3], $0xF7A  }
0x26: {  	[smem:$0x3F99] =	sst s1;
	(tag) =	ssettag s2;
	_ =	strace s9  }
0x27: {  	s1 =	sld [smem:$0x3FA9]  }
0x28: {  	s2 =	sld [smem:$0x3FAA]  }
0x29: {  	s4 =	sld [smem:$0x3FAC]  }
0x2a: {  	p0 =	seq.s32 s5, $0x0;
	s5 =	sld [smem:$0x3FAD]  }
0x2b: {  	s6 =	sld [smem:$0x3FAE]  }
0x2c: {  	s7 =	sld [smem:$0x3FAF]  }
0x2d: {  	s3 =	simm.s32 $0x108;
	s8 =	sld [smem:$0x3FB0]  }
0x2e: {  	s3 =	simm.s32 @!p0 $0x1082;
	s9 =	sld [smem:$0x3FB1]  }
0x2f: {  	lr =	sadd.s32 s0, s3;
	s0 =	sld [smem:$0x3FA8]  }
0x30: {  	s3 =	sld [smem:$0x3FAB]  }
0x31: {  	[smem:$0x3FB4] =	sst s10  }
0x32: {  	s10 =	sld [smem:$0x3FB2];
	_ =	sdelay $0x3  }
0x33: {  	p0 =	seq.s32 s10, $0x1;
	s10 =	sld [smem:$0x3FB4];
	_ =	sdelay $0x3  }
0x34: {  	[smem:$0x3FB4] =	sst s10  }
0x35: {  	s10 =	sld [smem:$0x3FB3];
	_ =	sdelay $0x3  }
0x36: {  	p1 =	seq.s32 s10, $0x1;
	s10 =	sld [smem:$0x3FB4];
	_ =	sdelay $0x3  }
0x37: {  	[smem:$0x3FB4] =	sst s10  }
0x38: {  	s10 =	sld [smem:$0x3FB5]  }
0x39: {  	_ = 	snop;
	(pc) =	sbr.ind lr, $3  }
0x3a: {  	_ = 	snop  }
0x3b: {  	_ = 	snop  }
0x3c: {  	p2 =	seq.s32 s10, $0x1;
	s10 =	sld [smem:$0x3FB4]  }
0x3d: {  	_ =	shalt  }
0x3e: {  	_ =	shalt  }
0x3f: {  	_ =	shalt  }
0x40: {  	_ =	shalt  }
0x41: {  	_ =	shalt  }
0x42: {  	_ =	shalt  }
0x43: {  	_ =	shalt  }
0x44: {  	_ =	shalt  }
0x45: {  	_ =	shalt  }
0x46: {  	_ =	shalt  }
0x47: {  	_ =	shalt  }
0x48: {  	_ =	shalt  }
0x49: {  	_ =	shalt  }
0x4a: {  	_ =	shalt  }
0x4b: {  	_ =	shalt  }
0x4c: {  	_ =	shalt  }
0x4d: {  	_ =	shalt  }
0x4e: {  	_ =	shalt  }
0x4f: {  	_ =	shalt  }
0x50: {  	_ =	shalt  }
0x51: {  	_ =	shalt  }
0x52: {  	_ =	shalt  }
0x53: {  	_ =	shalt  }
0x54: {  	_ =	shalt  }
0x55: {  	_ =	shalt  }
0x56: {  	_ =	shalt  }
0x57: {  	_ =	shalt  }
0x58: {  	_ =	shalt  }
0x59: {  	_ =	shalt  }
0x5a: {  	_ =	shalt  }
0x5b: {  	_ =	shalt  }
0x5c: {  	_ =	shalt  }
0x5d: {  	_ =	shalt  }
0x5e: {  	_ =	shalt  }
0x5f: {  	_ =	shalt  }
0x60: {  	_ =	shalt  }
0x61: {  	_ =	shalt  }
0x62: {  	_ =	shalt  }
0x63: {  	_ =	shalt  }
0x64: {  	_ =	shalt  }
0x65: {  	_ =	shalt  }
0x66: {  	_ =	shalt  }
0x67: {  	_ =	shalt  }
0x68: {  	_ =	shalt  }
0x69: {  	_ =	shalt  }
0x6a: {  	_ =	shalt  }
0x6b: {  	_ =	shalt  }
0x6c: {  	_ =	shalt  }
0x6d: {  	_ =	shalt  }
0x6e: {  	_ =	shalt  }
0x6f: {  	_ =	shalt  }
0x70: {  	_ =	shalt  }
0x71: {  	_ =	shalt  }
0x72: {  	_ =	shalt  }
0x73: {  	_ =	shalt  }
0x74: {  	_ =	shalt  }
0x75: {  	_ =	shalt  }
0x76: {  	_ =	shalt  }
0x77: {  	_ =	shalt  }
0x78: {  	_ =	shalt  }
0x79: {  	_ =	shalt  }
0x7a: {  	_ =	shalt  }
0x7b: {  	_ =	shalt  }
0x7c: {  	_ =	shalt  }
0x7d: {  	_ =	shalt  }
0x7e: {  	_ =	shalt  }
0x7f: {  	_ =	shalt  }
0x80: {  	_ =	shalt  }
0x81: {  	_ =	shalt  }
0x82: {  	_ =	shalt  }
0x83: {  	_ =	shalt  }
0x84: {  	_ =	shalt  }
0x85: {  	_ =	shalt  }
0x86: {  	_ =	shalt  }
0x87: {  	_ =	shalt  }
.Lfunc_end0:
.L_simem_size_0:
called_computation_lowered:
.L_overlay_start_0:
0x88: {  	s2 =	sld [smem:$0x3FD9]  }
0x89: {  	s3 =	sld [smem:$0x3FFE];
	_ =	sdelay $0x1  }
0x8a: {  	s1 =	srdreg.scid  }
0x8b: {  	s0 =	sand.u32 $0x1, s1  }
0x8c: {  	s17 =	sshll.u32 s0, $0xA;
	s2 =	sadd.s32 s3, s2  }
0x8d: {  	s2 =	sadd.s32 s2, s17  }
0x8e: {  	[smem:$0x3FC0] =	sst s2  }
0x8f: {  	_ = 	snop  }
0x90: {  	s2 =	sld [smem:$0x3FC9]  }
0x91: {  	s18 =	sld [smem:$0x3FD0];
	(tm) =	ssettm $0x1  }
0x92: {  	s4 =	sld [smem:$0x3FFB];
	_ =	sdelay $0x3  }
0x93: {  	_ =	strace s4  }
0x94: {  	s4 =	sld [smem:$0x3FFC];
	_ =	sdelay $0x3  }
0x95: {  	_ =	strace s4  }
0x96: {  	s4 =	sld [smem:$0x3FFD];
	_ =	sdelay $0x3  }
0x97: {  	_ =	strace s4  }
0x98: {  	_ =	strace $0x8FFFFFFF  }
0x99: {  	s19 =	sld [smem:$0x3FDB];
	_ =	sdelay $0x1  }
0x9a: {  	s5 =	simm.s32 $_scs_section_size  }
0x9b: {  	s6 =	simm.s32 $_size__tile_overlayer_lowered;
	s7 =	simm.s32 $_tile_overlayer_lowered  }
0x9c: {  	s22 =	simm.s32 $0x1BFF;
	s21 =	sshll.u32 s7, $0x1;
	s4 =	sadd.s32 s5, s19  }
0x9d: {  	s8 =	simm.s32 $0x0;
	s20 =	sshll.u32 s6, $0x1;
	s6 =	sadd.s32 s21, s4  }
0x9e: {  	[timem:s8], [sflag:s22] =	dma.local [hbm:s6], s20  }
0x9f: {  	_ =	swait.ge [sflag:s22], s20  }
0xa0: {  	s5 =	ssub.s32 $0x0, s20;
	[sflag:s22] =	ssyncset.done $0x0  }
0xa1: {  	[sflag:s22] =	ssyncadd.s32 s5;
	_ =	sdelay $0x1  }
0xa2: {  	s23 =	simm.s32 $0x1B8B  }
0xa3: {  	_ =	swait.ge [sflag:s23], $0x1  }
0xa4: {  	[sflag:s23] =	ssyncset.done $0x0  }
0xa5: {  	s25 =	simm.s32 $0x1B8E;
	s24 =	sld [smem:$0x3FFE];
	[sflag:s23] =	ssyncadd.s32 $0xFFFFFFFF  }
0xa6: {  	s26 =	simm.s32 $execute0_lowered;
	[smem:$0x3FD2] =	sst s25  }
0xa7: {  	s6 =	sshll.u32 s26, $0x1;
	_ =	strace $0x80000046;
	[dreg:$0x1] =	wrdreg $0xFFFFFFFF  }
0xa8: {  	s28 =	simm.s32 $_size_execute0_lowered;
	s4 =	sadd.s32 s4, s6;
	[dreg:$0x0] =	wrdreg $0x0  }
0xa9: {  	s6 =	sshll.u32 s28, $0x1;
	[dreg:$0x2] =	wrdreg s4  }
0xaa: {  	[dreg:$0x3] =	wrdreg s6  }
0xab: {  	[dreg:$0x4] =	wrdreg $0xC0  }
0xac: {  	_ =	task [dreg:s8], $0x5FFFF  }
0xad: {  	[dreg:$0x1] =	wrdreg $0xFFFFFFFF  }
0xae: {  	[dreg:$0x0] =	wrdreg $0x60  }
0xaf: {  	[dreg:$0x2] =	wrdreg s2  }
0xb0: {  	[dreg:$0x3] =	wrdreg s24  }
0xb1: {  	[dreg:$0x4] =	wrdreg s18  }
0xb2: {  	[dreg:$0x5] =	wrdreg $0x9  }
0xb3: {  	_ =	task.clear_ibuf [dreg:s8], $0x6FFFF;
	_ =	strace $0x90000046  }
0xb4: {  	s29 =	simm.s32 $0x9;
	_ =	strace $0x80000048  }
0xb5: {  	_ =	swait.ge [sflag:s29], $0x1  }
0xb6: {  	[sflag:s29] =	ssyncadd.s32 $0xFFFFFFFF  }
0xb7: {  	_ =	strace $0x90000048  }
0xb8: {  	_ =	sfence  }
0xb9: {  	s30 =	sld [smem:$0x0];
	_ =	sdelay $0x2  }
0xba: {  	s31 =	sshll.u32 s1, $0xD;
	s1 =	sshrl.u32 s1, $0x2  }
0xbb: {  	s3 =	sand.u32 $0x4000, s31;
	s1 =	sadd.s32 s1, s30  }
0xbc: {  	s0 =	sor.u32 s3, s0;
	s1 =	sshll.u32 s1, $0x11  }
0xbd: {  	s0 =	sor.u32 s1, s0  }
0xbe: {  	s0 =	sadd.s32 $0x8F2B, s0  }
0xbf: {  	[sflag:s0] =	ssyncadd.remote.s32 $0x1  }
0xc0: {  	_ =	sfence.sel $0xFFFF  }
0xc1: {  	[dreg:$0x0] =	wrdreg $0xFFFFFFFF;
	(pc) =	sbr.abs _section_cstart, $3  }
0xc2: {  	[dreg:$0x1] =	wrdreg $0xFFFFFFFF  }
0xc3: {  	_ =	task.clear_ibuf [dreg:s8], $0x2FFFF;
	_ =	strace $0x9FFFFFFF  }
0xc4: {  	(tm) =	ssettm $0x7FFFFFFF  }
0xc5: {  	_ =	shalt  }
tec
execute0_lowered:
.L_overlay_start_1:
0x0: {  	(tag) =	ssettag $0x1  }
0x1: {  	s1 =	rddreg [dreg:$0x0]  }
0x2: {  	s0 =	rddreg [dreg:$0x1]  }
0x3: {  	s3 =	rddreg [dreg:$0x2];
	s4 =	simm.s32 $0x0  }
0x4: {  	s2 =	srdreg.scid;
	s5 =	stileid.u32;
	s15 =	simm.s32 $0x5  }
0x5: {  	s16 =	simm.s32 $0x1000;
	s17 =	simm.s32 $0x1;
	s18 =	simm.s32 $0x2000  }
0x6: {  	s19 =	simm.s32 $0x80;
	s20 =	simm.s32 $0x20000;
	s21 =	simm.s32 $0x2400  }
0x7: {  	s22 =	simm.s32 $0x2800;
	s23 =	simm.s32 $0x2C00;
	s24 =	simm.s32 $0x2  }
0x8: {  	s25 =	simm.s32 $0x3000;
	s28 =	simm.s32 $0x3800;
	s29 =	simm.s32 $0x3C00  }
0x9: {  	s30 =	simm.s32 $0x3;
	s31 =	simm.s32 $0x4;
	[smem:$0x7FF] =	sst s4  }
0xa: {  	s2 =	sand.u32 $0x1, s2;
	s5 =	sshll.u32 s5, $0x1;
	s0 =	sadd.s32 $0xE00, s0  }
0xb: {  	s11 =	sadd.s32 $0x40000, s3;
	_ =	strace $0x80000047;
	s6 =	ssub.s32 $0x2, s2  }
0xc: {  	s2 =	sor.u32 s2, s5;
	[dreg:$0x4] =	wrdreg s0;
	s26 =	sshrl.u32 s6, $0x1  }
.Ltmp0:
0xd: {  	s5 =	sshll.u32 s2, $0xE;
	s7 =	sshll.u32 s2, $0x5;
	(pc) =	sbr.rel .LBB2_1-.Ltmp0, $4  }
0xe: {  	s10 =	sshll.u32 s2, $0x4;
	s0 =	ssub.s32 s6, s26;
	s5 =	sadd.s32 s1, s5  }
0xf: {  	s9 =	sor.u32 $0x2, s7;
	[dreg:$0x5] =	wrdreg s5;
	s5 =	sadd.s32 $0x200, s5  }
0x10: {  	s12 =	sor.u32 $0x3, s7;
	s0 =	smax.u32 s0, $0x1;
	[dreg:$0x6] =	wrdreg s5  }
0x11: {  	v0 =	vimm.f32 $0.0e+00;
	v1 =	vimm.f32 $1.000000000e+00;
	s26 =	simm.s32 $0x3400;
	[dreg:$0x7] =	wrdreg s0;
	s0 =	simm.s32 $0x0  }
.LBB2_14:
0x12: {  	_ =	swait.ge [sflag:s30], $0x1000  }
0x13: {  	[sflag:s30] =	ssyncset.done $0x0  }
0x14: {  	[sflag:s30] =	ssyncadd.s32 $0xFFFFF000  }
0x15: {  	_ =	swait.ge [sflag:s31], $0x1000  }
0x16: {  	s0 =	sadd.s32 $0x1, s0;
	s2 =	rddreg [dreg:$0x7]  }
0x17: {  	p0 =	sne.s32 s0, s2  }
.Ltmp1:
0x18: {  	_ = 	snop;
	(pc) =	sbr.rel @!p0 .LBB2_15-.Ltmp1, $3  }
0x19: {  	_ =	sdelay $0x1  }
0x1a: {  	[sflag:s31] =	ssyncset.done $0x0  }
0x1b: {  	[sflag:s31] =	ssyncadd.s32 $0xFFFFF000  }
.LBB2_1:
0x1c: {  	s2 =	rddreg [dreg:$0x4];
	s5 =	simm.s32 $0x4000  }
0x1d: {  	[tilespmem:s5], [sflag:$0x5] =	stream.linear.gather [hbm4b:s2+s4], $0x100, $0x38;
	[tilespmem:$0x4100] =	vst v63  }
0x1e: {  	_ =	swait.ge [sflag:s15], $0x100  }
0x1f: {  	[sflag:s15] =	ssyncset.done $0x0  }
0x20: {  	[sflag:s15] =	ssyncadd.s32 $0xFFFFFF00  }
0x21: {  	v2 =	vld [tilespmem:$0x4000]  }
0x22: {  	v3 =	vld [tilespmem:$0x4010]  }
0x23: {  	v4 =	vld [tilespmem:$0x4020]  }
0x24: {  	v5 =	vld [tilespmem:$0x4030]  }
0x25: {  	v6 =	vld [tilespmem:$0x4040]  }
0x26: {  	v7 =	vld [tilespmem:$0x4050]  }
0x27: {  	v8 =	vld [tilespmem:$0x4060]  }
0x28: {  	v9 =	vld [tilespmem:$0x4070]  }
0x29: {  	v10 =	vld [tilespmem:$0x4080]  }
0x2a: {  	v11 =	vld [tilespmem:$0x4090]  }
0x2b: {  	v12 =	vld [tilespmem:$0x40A0]  }
0x2c: {  	v13 =	vld [tilespmem:$0x40B0]  }
0x2d: {  	v14 =	vld [tilespmem:$0x40C0]  }
0x2e: {  	v15 =	vld [tilespmem:$0x40D0]  }
0x2f: {  	s13 =	sand.u32 $0x800, s4;
	s14 =	sand.u32 $0x380, s4;
	s6 =	rddreg [dreg:$0x5];
	v16 =	vld [tilespmem:$0x40E0]  }
0x30: {  	v17 =	vld [tilespmem:$0x40F0];
	[tilespmem:s4], [sflag:$0x1] =	stream.linear.gather [hbm4b:s6+s4], $0x1000, $0x38  }
0x31: {  	s2 =	sor.u32 s14, s13;
	s8 =	rddreg [dreg:$0x6]  }
0x32: {  	[tilespmem:s16], [sflag:$0x2] =	stream.linear.gather [hbm4b:s8+s4], $0x1000, $0x38;
	[tilespmem:$0x4100] =	vst v63  }
0x33: {  	[tilespmem:s2+$0x2470] =	vst v0  }
0x34: {  	[tilespmem:s2+$0x2000] =	vst v0  }
0x35: {  	[tilespmem:s2+$0x2010] =	vst v0  }
0x36: {  	[tilespmem:s2+$0x2020] =	vst v0  }
0x37: {  	[tilespmem:s2+$0x2030] =	vst v0  }
0x38: {  	[tilespmem:s2+$0x2040] =	vst v0  }
0x39: {  	[tilespmem:s2+$0x2050] =	vst v0  }
0x3a: {  	[tilespmem:s2+$0x2060] =	vst v0  }
0x3b: {  	[tilespmem:s2+$0x2070] =	vst v0  }
0x3c: {  	[tilespmem:s2+$0x2400] =	vst v0  }
0x3d: {  	[tilespmem:s2+$0x2410] =	vst v0  }
0x3e: {  	[tilespmem:s2+$0x2420] =	vst v0  }
0x3f: {  	[tilespmem:s2+$0x2430] =	vst v0  }
0x40: {  	s5 =	simm.s32 $0x80;
	s6 =	simm.s32 $0x100;
	[tilespmem:s2+$0x2440] =	vst v0  }
0x41: {  	s13 =	sand.u32 $0x380, s5;
	s6 =	sand.u32 $0x800, s6;
	s8 =	simm.s32 $0x200;
	[tilespmem:s2+$0x2450] =	vst v0  }
.LBB2_2:
0x42: {  	p0 =	sne.s32 s8, $0xF00;
	[tilespmem:s2+$0x2460] =	vst v0;
	s2 =	sor.u32 s13, s6  }
0x43: {  	[tilespmem:s2+$0x2470] =	vst v0  }
0x44: {  	[tilespmem:s2+$0x2000] =	vst v0  }
0x45: {  	[tilespmem:s2+$0x2010] =	vst v0  }
0x46: {  	[tilespmem:s2+$0x2020] =	vst v0  }
0x47: {  	[tilespmem:s2+$0x2030] =	vst v0  }
0x48: {  	[tilespmem:s2+$0x2040] =	vst v0  }
0x49: {  	[tilespmem:s2+$0x2050] =	vst v0  }
0x4a: {  	[tilespmem:s2+$0x2060] =	vst v0  }
0x4b: {  	[tilespmem:s2+$0x2070] =	vst v0  }
0x4c: {  	[tilespmem:s2+$0x2400] =	vst v0  }
.Ltmp2:
0x4d: {  	[tilespmem:s2+$0x2410] =	vst v0;
	(pc) =	sbr.rel @p0 .LBB2_2-.Ltmp2, $4  }
0x4e: {  	[tilespmem:s2+$0x2420] =	vst v0  }
0x4f: {  	[tilespmem:s2+$0x2430] =	vst v0  }
0x50: {  	s5 =	sadd.s32 $0x80, s5;
	[tilespmem:s2+$0x2440] =	vst v0  }
0x51: {  	s6 =	sand.u32 $0x800, s8;
	s8 =	sadd.s32 $0x100, s8;
	s13 =	sand.u32 $0x380, s5;
	[tilespmem:s2+$0x2450] =	vst v0  }
0x52: {  	s5 =	sor.u32 s13, s6;
	[tilespmem:s2+$0x2460] =	vst v0  }
0x53: {  	[tilespmem:s5+$0x2470] =	vst v0  }
0x54: {  	[tilespmem:s5+$0x2000] =	vst v0  }
0x55: {  	[tilespmem:s5+$0x2010] =	vst v0  }
0x56: {  	[tilespmem:s5+$0x2020] =	vst v0  }
0x57: {  	[tilespmem:s5+$0x2030] =	vst v0  }
0x58: {  	[tilespmem:s5+$0x2040] =	vst v0  }
0x59: {  	[tilespmem:s5+$0x2050] =	vst v0  }
0x5a: {  	[tilespmem:s5+$0x2060] =	vst v0  }
0x5b: {  	[tilespmem:s5+$0x2070] =	vst v0  }
0x5c: {  	[tilespmem:s5+$0x2400] =	vst v0  }
0x5d: {  	p1 =	por $0x1, $0x1;
	[tilespmem:s5+$0x2410] =	vst v0  }
.Ltmp3:
0x5e: {  	[tilespmem:s5+$0x2420] =	vst v0;
	(pc) =	sbr.rel @!p1 .LBB2_4-.Ltmp3, $4  }
0x5f: {  	[tilespmem:s5+$0x2430] =	vst v0  }
0x60: {  	[tilespmem:s5+$0x2440] =	vst v0  }
0x61: {  	s2 =	simm.s32 $0x0;
	s8 =	simm.s32 $0x100;
	[tilespmem:s5+$0x2450] =	vst v0  }
0x62: {  	p0 =	por $0x0, $0x0;
	s13 =	sand.u32 $0x800, s2;
	[tilespmem:s5+$0x2460] =	vst v0;
	s6 =	sand.u32 $0x380, s2  }
0x63: {  	s5 =	sor.u32 s6, s13  }
0x64: {  	[tilespmem:s5+$0x3470] =	vst v0  }
0x65: {  	[tilespmem:s5+$0x3000] =	vst v0  }
0x66: {  	[tilespmem:s5+$0x3010] =	vst v0  }
0x67: {  	[tilespmem:s5+$0x3020] =	vst v0  }
0x68: {  	[tilespmem:s5+$0x3030] =	vst v0  }
0x69: {  	[tilespmem:s5+$0x3040] =	vst v0  }
0x6a: {  	[tilespmem:s5+$0x3050] =	vst v0  }
0x6b: {  	[tilespmem:s5+$0x3060] =	vst v0  }
0x6c: {  	[tilespmem:s5+$0x3070] =	vst v0  }
0x6d: {  	p1 =	por $0x1, $0x1;
	[tilespmem:s5+$0x3400] =	vst v0  }
.Ltmp4:
0x6e: {  	[tilespmem:s5+$0x3410] =	vst v0;
	(pc) =	sbr.rel @!p1 .LBB2_7-.Ltmp4, $4  }
0x6f: {  	[tilespmem:s5+$0x3420] =	vst v0  }
0x70: {  	[tilespmem:s5+$0x3430] =	vst v0  }
0x71: {  	s14 =	simm.s32 $0x80;
	s13 =	sand.u32 $0x800, s8;
	[tilespmem:s5+$0x3440] =	vst v0  }
0x72: {  	s8 =	simm.s32 $0x200;
	p0 =	por $0x1, $0x1;
	s6 =	sand.u32 $0x380, s14;
	[tilespmem:s5+$0x3450] =	vst v0  }
.LBB2_6:
0x73: {  	p1 =	sne.s32 s8, $0xF00;
	[tilespmem:s5+$0x3460] =	vst v0;
	s5 =	sor.u32 s6, s13  }
0x74: {  	[tilespmem:s5+$0x3470] =	vst v0  }
0x75: {  	[tilespmem:s5+$0x3000] =	vst v0  }
0x76: {  	[tilespmem:s5+$0x3010] =	vst v0  }
0x77: {  	[tilespmem:s5+$0x3020] =	vst v0  }
0x78: {  	[tilespmem:s5+$0x3030] =	vst v0  }
0x79: {  	[tilespmem:s5+$0x3040] =	vst v0  }
0x7a: {  	[tilespmem:s5+$0x3050] =	vst v0  }
0x7b: {  	[tilespmem:s5+$0x3060] =	vst v0  }
0x7c: {  	[tilespmem:s5+$0x3070] =	vst v0  }
0x7d: {  	[tilespmem:s5+$0x3400] =	vst v0  }
.Ltmp5:
0x7e: {  	[tilespmem:s5+$0x3410] =	vst v0;
	(pc) =	sbr.rel @p1 .LBB2_6-.Ltmp5, $4  }
0x7f: {  	[tilespmem:s5+$0x3420] =	vst v0  }
0x80: {  	[tilespmem:s5+$0x3430] =	vst v0  }
0x81: {  	s14 =	sadd.s32 $0x80, s14;
	[tilespmem:s5+$0x3440] =	vst v0  }
0x82: {  	s13 =	sand.u32 $0x800, s8;
	s8 =	sadd.s32 $0x100, s8;
	s6 =	sand.u32 $0x380, s14;
	[tilespmem:s5+$0x3450] =	vst v0  }
.LBB2_7:
0x83: {  	s6 =	sor.u32 s6, s13;
	[tilespmem:s5+$0x3460] =	vst @p0 v0  }
0x84: {  	[tilespmem:s6+$0x3470] =	vst v0  }
0x85: {  	[tilespmem:s6+$0x3000] =	vst v0  }
0x86: {  	[tilespmem:s6+$0x3010] =	vst v0  }
0x87: {  	[tilespmem:s6+$0x3020] =	vst v0  }
0x88: {  	[tilespmem:s6+$0x3030] =	vst v0  }
0x89: {  	[tilespmem:s6+$0x3040] =	vst v0  }
0x8a: {  	[tilespmem:s6+$0x3050] =	vst v0  }
0x8b: {  	[tilespmem:s6+$0x3060] =	vst v0  }
0x8c: {  	[tilespmem:s6+$0x3070] =	vst v0  }
0x8d: {  	[tilespmem:s6+$0x3400] =	vst v0  }
0x8e: {  	[tilespmem:s6+$0x3410] =	vst v0  }
0x8f: {  	[tilespmem:s6+$0x3420] =	vst v0  }
0x90: {  	[tilespmem:s6+$0x3430] =	vst v0  }
0x91: {  	[tilespmem:s6+$0x3440] =	vst v0  }
0x92: {  	[tilespmem:s6+$0x3450] =	vst v0  }
0x93: {  	[tilespmem:s6+$0x3460] =	vst v0  }
.LBB2_8:
0x94: {  	p0 =	seq.s32 s2, $0x0  }
0x95: {  	s5 =	simm.s32 @!p0 $0x3  }
0x96: {  	_ =	swait.ge @!p0 [sflag:s5], $0x1000  }
0x97: {  	[sflag:s5] =	ssyncset.done @!p0 $0x0  }
0x98: {  	[sflag:s5] =	ssyncadd.s32 @!p0 $0xFFFFF000  }
0x99: {  	_ =	swait.ge [sflag:s17], $0x1000  }
0x9a: {  	s14 =	sshll.u32 s2, $0x1;
	[sflag:s17] =	ssyncset.done $0x0  }
0x9b: {  	s6 =	simm.s32 $0x0;
	p0 =	por $0x1, $0x1;
	[sflag:s17] =	ssyncadd.s32 $0xFFFFF000  }
.LBB2_9:
0x9c: {  	s5 =	sshll.u32 s6, $0x8  }
0x9d: {  	s5 =	sand.u32 $0x3FFFFF00, s5  }
0x9e: {  	v18 =	vld [tilespmem:s5+$0x0];
	_ =	sdelay $0x2  }
0x9f: {  	v19 =	vmov s6  }
0xa0: {  	v19 =	vshrl.u32 v19, $0x3  }
0xa1: {  	v20 =	vadd.s32 v2, v18;
	v18 =	vshll.u32 v19, $0xB  }
0xa2: {  	v18 =	vbroadcast v18, $0x0;
	v19 =	vshll.u32 v20, $0x3  }
0xa3: {  	v19 =	vand.u32 $0xFFFFFC00, v19  }
0xa4: {  	v20 =	vand.u32 $0x7F, v20;
	v19 =	vadd.s32 v18, v19  }
0xa5: {  	v19 =	vor.u32 v20, v19;
	_ =	sdelay $0x4  }
0xa6: {  	[tilespmem:v19+s18+$0x0] =	vst.idx.add.f32.msk $0xffff, v1  }
0xa7: {  	v19 =	vld [tilespmem:s5+$0x10];
	_ =	sdelay $0x4  }
0xa8: {  	v19 =	vadd.s32 v3, v19  }
0xa9: {  	v28 =	vshll.u32 v19, $0x3  }
0xaa: {  	v20 =	vand.u32 $0xFFFFFC00, v28  }
0xab: {  	v19 =	vand.u32 $0x7F, v19;
	v20 =	vadd.s32 v18, v20  }
0xac: {  	v19 =	vor.u32 v19, v20;
	_ =	sdelay $0x4  }
0xad: {  	[tilespmem:v19+s18+$0x0] =	vst.idx.add.f32.msk $0xffff, v1  }
0xae: {  	v19 =	vld [tilespmem:s5+$0x20];
	_ =	sdelay $0x4  }
0xaf: {  	v19 =	vadd.s32 v4, v19  }
0xb0: {  	v29 =	vshll.u32 v19, $0x3  }
0xb1: {  	v20 =	vand.u32 $0xFFFFFC00, v29  }
0xb2: {  	v19 =	vand.u32 $0x7F, v19;
	v20 =	vadd.s32 v18, v20  }
0xb3: {  	v19 =	vor.u32 v19, v20;
	_ =	sdelay $0x4  }
0xb4: {  	[tilespmem:v19+s18+$0x0] =	vst.idx.add.f32.msk $0xffff, v1  }
0xb5: {  	v19 =	vld [tilespmem:s5+$0x30];
	_ =	sdelay $0x1  }
0xb6: {  	v30 =	vld [tilespmem:s5+$0x80];
	_ =	sdelay $0x2  }
0xb7: {  	v19 =	vadd.s32 v5, v19  }
0xb8: {  	v21 =	vshll.u32 v19, $0x3  }
0xb9: {  	v20 =	vadd.s32 v2, v30;
	v21 =	vand.u32 $0xFFFFFC00, v21  }
0xba: {  	v22 =	vshll.u32 v20, $0x3;
	v19 =	vand.u32 $0x7F, v19;
	v21 =	vadd.s32 v18, v21  }
0xbb: {  	v31 =	vand.u32 $0xFFFFFC00, v22;
	v19 =	vor.u32 v19, v21  }
0xbc: {  	v20 =	vand.u32 $0x7F, v20;
	v21 =	vadd.s32 v18, v31  }
0xbd: {  	v20 =	vor.u32 v20, v21  }
0xbe: {  	v20 =	vor.u32 $0x80, v20;
	_ =	sdelay $0x1  }
0xbf: {  	[tilespmem:v19+s18+$0x0] =	vst.idx.add.f32.msk $0xffff, v1  }
0xc0: {  	v19 =	vld [tilespmem:s5+$0x40];
	_ =	sdelay $0x1  }
0xc1: {  	[tilespmem:v20+s18+$0x0] =	vst.idx.add.f32.msk $0xffff, v1  }
0xc2: {  	v20 =	vld [tilespmem:s5+$0x90];
	_ =	sdelay $0x1  }
0xc3: {  	v19 =	vadd.s32 v6, v19  }
0xc4: {  	v32 =	vshll.u32 v19, $0x3  }
0xc5: {  	v21 =	vand.u32 $0xFFFFFC00, v32  }
0xc6: {  	v19 =	vand.u32 $0x7F, v19;
	v20 =	vadd.s32 v3, v20;
	v21 =	vadd.s32 v18, v21  }
0xc7: {  	v33 =	vshll.u32 v20, $0x3;
	v19 =	vor.u32 v19, v21  }
0xc8: {  	v21 =	vand.u32 $0xFFFFFC00, v33  }
0xc9: {  	v20 =	vand.u32 $0x7F, v20;
	v21 =	vadd.s32 v18, v21  }
0xca: {  	v20 =	vor.u32 v20, v21  }
0xcb: {  	v20 =	vor.u32 $0x80, v20  }
0xcc: {  	[tilespmem:v19+s18+$0x0] =	vst.idx.add.f32.msk $0xffff, v1  }
0xcd: {  	v19 =	vld [tilespmem:s5+$0x50];
	_ =	sdelay $0x2  }
0xce: {  	[tilespmem:v20+s18+$0x0] =	vst.idx.add.f32.msk $0xffff, v1  }
0xcf: {  	v20 =	vld [tilespmem:s5+$0xA0]  }
0xd0: {  	v19 =	vadd.s32 v7, v19  }
0xd1: {  	v34 =	vshll.u32 v19, $0x3  }
0xd2: {  	v21 =	vand.u32 $0xFFFFFC00, v34  }
0xd3: {  	v19 =	vand.u32 $0x7F, v19;
	v21 =	vadd.s32 v18, v21  }
0xd4: {  	v20 =	vadd.s32 v4, v20;
	v19 =	vor.u32 v19, v21  }
0xd5: {  	v35 =	vshll.u32 v20, $0x3  }
0xd6: {  	v21 =	vand.u32 $0xFFFFFC00, v35  }
0xd7: {  	v37 =	vld [tilespmem:s5+$0x100];
	v20 =	vand.u32 $0x7F, v20;
	v21 =	vadd.s32 v18, v21  }
0xd8: {  	v20 =	vor.u32 v20, v21  }
0xd9: {  	[tilespmem:v19+s18+$0x0] =	vst.idx.add.f32.msk $0xffff, v1;
	v19 =	vor.u32 $0x80, v20  }
0xda: {  	v36 =	vld [tilespmem:s5+$0x60];
	_ =	sdelay $0x1  }
0xdb: {  	v21 =	vadd.s32 v2, v37  }
0xdc: {  	v23 =	vshll.u32 v21, $0x3  }
0xdd: {  	v23 =	vand.u32 $0xFFFFFC00, v23;
	[tilespmem:v19+s18+$0x0] =	vst.idx.add.f32.msk $0xffff, v1  }
0xde: {  	v21 =	vand.u32 $0x7F, v21;
	v40 =	vadd.s32 v18, v23;
	v19 =	vadd.s32 v8, v36;
	v38 =	vld [tilespmem:s5+$0xB0]  }
0xdf: {  	v21 =	vor.u32 v21, v40;
	v39 =	vshll.u32 v19, $0x3  }
0xe0: {  	v21 =	vor.u32 $0x100, v21;
	v22 =	vand.u32 $0xFFFFFC00, v39  }
0xe1: {  	v19 =	vand.u32 $0x7F, v19;
	v22 =	vadd.s32 v18, v22  }
0xe2: {  	v19 =	vor.u32 v19, v22  }
0xe3: {  	v20 =	vadd.s32 v5, v38  }
0xe4: {  	v41 =	vshll.u32 v20, $0x3  }
0xe5: {  	[tilespmem:v21+s18+$0x0] =	vst.idx.add.f32.msk $0xffff, v1;
	v22 =	vand.u32 $0xFFFFFC00, v41  }
0xe6: {  	v21 =	vld [tilespmem:s5+$0x110];
	v20 =	vand.u32 $0x7F, v20;
	v22 =	vadd.s32 v18, v22  }
0xe7: {  	[tilespmem:v19+s18+$0x0] =	vst.idx.add.f32.msk $0xffff, v1;
	v19 =	vor.u32 v20, v22  }
0xe8: {  	v19 =	vor.u32 $0x80, v19  }
0xe9: {  	v42 =	vld [tilespmem:s5+$0x70];
	_ =	sdelay $0x1  }
0xea: {  	v21 =	vadd.s32 v3, v21  }
0xeb: {  	v45 =	vshll.u32 v21, $0x3  }
0xec: {  	v23 =	vand.u32 $0xFFFFFC00, v45;
	[tilespmem:v19+s18+$0x0] =	vst.idx.add.f32.msk $0xffff, v1  }
0xed: {  	v21 =	vand.u32 $0x7F, v21;
	v46 =	vadd.s32 v18, v23;
	v19 =	vadd.s32 v9, v42;
	v43 =	vld [tilespmem:s5+$0xC0]  }
0xee: {  	v21 =	vor.u32 v21, v46;
	v44 =	vshll.u32 v19, $0x3  }
0xef: {  	v21 =	vor.u32 $0x100, v21;
	v22 =	vand.u32 $0xFFFFFC00, v44  }
0xf0: {  	v19 =	vand.u32 $0x7F, v19;
	v22 =	vadd.s32 v18, v22  }
0xf1: {  	v19 =	vor.u32 v19, v22  }
0xf2: {  	v20 =	vadd.s32 v6, v43  }
0xf3: {  	v47 =	vshll.u32 v20, $0x3  }
0xf4: {  	[tilespmem:v21+s18+$0x0] =	vst.idx.add.f32.msk $0xffff, v1;
	v22 =	vand.u32 $0xFFFFFC00, v47  }
0xf5: {  	v21 =	vld [tilespmem:s5+$0x120];
	v20 =	vand.u32 $0x7F, v20;
	v22 =	vadd.s32 v18, v22  }
0xf6: {  	[tilespmem:v19+s18+$0x0] =	vst.idx.add.f32.msk $0xffff, v1;
	v19 =	vor.u32 v20, v22  }
0xf7: {  	v19 =	vor.u32 $0x80, v19;
	_ =	sdelay $0x2  }
0xf8: {  	v21 =	vadd.s32 v4, v21  }
0xf9: {  	v48 =	vld [tilespmem:s5+$0x400];
	v50 =	vshll.u32 v21, $0x3  }
0xfa: {  	v23 =	vand.u32 $0xFFFFFC00, v50;
	[tilespmem:v19+s18+$0x0] =	vst.idx.add.f32.msk $0xffff, v1  }
0xfb: {  	v21 =	vand.u32 $0x7F, v21;
	v23 =	vadd.s32 v18, v23;
	v19 =	vld [tilespmem:s5+$0xD0]  }
0xfc: {  	v21 =	vor.u32 v21, v23  }
0xfd: {  	v21 =	vor.u32 $0x100, v21  }
0xfe: {  	v20 =	vadd.s32 v10, v48  }
0xff: {  	v49 =	vshll.u32 v20, $0x3  }
0x100: {  	v22 =	vand.u32 $0xFFFFFC00, v49;
	v19 =	vadd.s32 v7, v19  }
0x101: {  	v20 =	vand.u32 $0x7F, v20;
	v22 =	vadd.s32 v18, v22;
	v51 =	vshll.u32 v19, $0x3  }
0x102: {  	v20 =	vor.u32 v20, v22;
	[tilespmem:v21+s18+$0x0] =	vst.idx.add.f32.msk $0xffff, v1;
	v22 =	vand.u32 $0xFFFFFC00, v51  }
0x103: {  	v52 =	vld [tilespmem:s5+$0x130];
	v19 =	vand.u32 $0x7F, v19;
	v22 =	vadd.s32 v18, v22  }
0x104: {  	v19 =	vor.u32 v19, v22  }
0x105: {  	v25 =	vld [tilespmem:s5+$0x200];
	v19 =	vor.u32 $0x80, v19  }
0x106: {  	v56 =	vld [tilespmem:s5+$0x280]  }
0x107: {  	v27 =	vld [tilespmem:s5+$0x300]  }
0x108: {  	[tilespmem:v20+s18+$0x0] =	vst.idx.add.f32.msk $0xffff, v1;
	v20 =	vadd.s32 v5, v52  }
0x109: {  	v53 =	vld [tilespmem:s5+$0x410];
	v55 =	vshll.u32 v20, $0x3  }
0x10a: {  	v23 =	vand.u32 $0xFFFFFC00, v55;
	[tilespmem:v19+s18+$0x0] =	vst.idx.add.f32.msk $0xffff, v1  }
0x10b: {  	v20 =	vand.u32 $0x7F, v20;
	v23 =	vadd.s32 v18, v23;
	v19 =	vld [tilespmem:s5+$0x180]  }
0x10c: {  	v20 =	vor.u32 v20, v23  }
0x10d: {  	v25 =	vadd.s32 v2, v25;
	v20 =	vor.u32 $0x100, v20;
	v54 =	vld [tilespmem:s5+$0xE0]  }
0x10e: {  	v58 =	vshll.u32 v25, $0x3;
	v59 =	vand.u32 $0x7F, v25;
	v21 =	vadd.s32 v11, v53  }
0x10f: {  	v31 =	vadd.s32 v2, v27;
	v24 =	vand.u32 $0x7F, v21;
	v21 =	vshll.u32 v21, $0x3  }
0x110: {  	v23 =	vadd.s32 v2, v56;
	v21 =	vand.u32 $0xFFFFFC00, v21;
	v19 =	vadd.s32 v2, v19  }
0x111: {  	v61 =	vshll.u32 v23, $0x3;
	v21 =	vadd.s32 v18, v21;
	v26 =	vshll.u32 v19, $0x3  }
0x112: {  	[tilespmem:v20+s18+$0x0] =	vst.idx.add.f32.msk $0xffff, v1;
	v22 =	vadd.s32 v8, v54;
	v19 =	vand.u32 $0x7F, v19;
	v26 =	vand.u32 $0xFFFFFC00, v26  }
0x113: {  	v28 =	vld [tilespmem:s5+$0x140];
	v57 =	vand.u32 $0x7F, v22;
	v22 =	vshll.u32 v22, $0x3;
	v26 =	vadd.s32 v18, v26  }
0x114: {  	v21 =	vor.u32 v24, v21;
	v22 =	vand.u32 $0xFFFFFC00, v22;
	v19 =	vor.u32 v19, v26  }
0x115: {  	v63 =	vld [tilespmem:s5+$0x380];
	v26 =	vand.u32 $0xFFFFFC00, v58;
	v22 =	vadd.s32 v18, v22;
	v19 =	vor.u32 $0x180, v19  }
0x116: {  	v23 =	vand.u32 $0x7F, v23;
	v60 =	vadd.s32 v18, v26;
	v22 =	vor.u32 v57, v22  }
0x117: {  	v62 =	vand.u32 $0xFFFFFC00, v61;
	v20 =	vor.u32 v59, v60;
	v22 =	vor.u32 $0x80, v22  }
0x118: {  	v25 =	vadd.s32 v18, v62;
	v36 =	vadd.s32 v6, v28;
	v20 =	vor.u32 $0x200, v20  }
0x119: {  	v32 =	vshll.u32 v31, $0x3;
	v23 =	vor.u32 v23, v25;
	[tilespmem:v21+s18+$0x0] =	vst.idx.add.f32.msk $0xffff, v1;
	v26 =	vshll.u32 v36, $0x3  }
0x11a: {  	v35 =	vadd.s32 v2, v63;
	v41 =	vand.u32 $0xFFFFFC00, v26;
	[tilespmem:v19+s18+$0x0] =	vst.idx.add.f32.msk $0xffff, v1;
	v19 =	vor.u32 $0x280, v23  }
0x11b: {  	v39 =	vand.u32 $0x7F, v36;
	v25 =	vadd.s32 v18, v41;
	v23 =	vand.u32 $0xFFFFFC00, v32;
	v33 =	vld [tilespmem:s5+$0x190]  }
0x11c: {  	v34 =	vand.u32 $0x7F, v31;
	v45 =	vor.u32 v39, v25;
	v23 =	vadd.s32 v18, v23;
	[tilespmem:v22+s18+$0x0] =	vst.idx.add.f32.msk $0xffff, v1  }
0x11d: {  	v38 =	vshll.u32 v35, $0x3;
	v48 =	vor.u32 $0x100, v45;
	[tilespmem:v20+s18+$0x0] =	vst.idx.add.f32.msk $0xffff, v1;
	v37 =	vor.u32 v34, v23  }
0x11e: {  	v21 =	vand.u32 $0xFFFFFC00, v38;
	v40 =	vld [tilespmem:s5+$0x210];
	v20 =	vor.u32 $0x300, v37  }
0x11f: {  	v21 =	vadd.s32 v18, v21;
	[tilespmem:v19+s18+$0x0] =	vst.idx.add.f32.msk $0xffff, v1;
	v19 =	vand.u32 $0x7F, v35  }
0x120: {  	v24 =	vadd.s32 v3, v33;
	v42 =	vld [tilespmem:s5+$0x290];
	v19 =	vor.u32 v19, v21  }
0x121: {  	v52 =	vld [tilespmem:s5+$0xF0];
	v44 =	vshll.u32 v24, $0x3;
	v19 =	vor.u32 $0x380, v19  }
0x122: {  	[tilespmem:v48+s18+$0x0] =	vst.idx.add.f32.msk $0xffff, v1;
	v46 =	vand.u32 $0xFFFFFC00, v44  }
0x123: {  	v24 =	vand.u32 $0x7F, v24;
	v47 =	vadd.s32 v3, v40;
	[tilespmem:v20+s18+$0x0] =	vst.idx.add.f32.msk $0xffff, v1;
	v23 =	vadd.s32 v18, v46  }
0x124: {  	v50 =	vshll.u32 v47, $0x3;
	v51 =	vld [tilespmem:s5+$0x310];
	v49 =	vor.u32 v24, v23  }
0x125: {  	v63 =	vld [tilespmem:s5+$0x150];
	v23 =	vand.u32 $0xFFFFFC00, v50;
	v22 =	vor.u32 $0x180, v49;
	v26 =	vadd.s32 v3, v42  }
0x126: {  	v25 =	vand.u32 $0x7F, v47;
	v23 =	vadd.s32 v18, v23;
	v53 =	vshll.u32 v26, $0x3;
	[tilespmem:v19+s18+$0x0] =	vst.idx.add.f32.msk $0xffff, v1  }
0x127: {  	v54 =	vor.u32 v25, v23;
	v55 =	vand.u32 $0xFFFFFC00, v53;
	v56 =	vld [tilespmem:s5+$0x390]  }
0x128: {  	v26 =	vand.u32 $0x7F, v26;
	v21 =	vor.u32 $0x200, v54;
	v23 =	vadd.s32 v18, v55  }
0x129: {  	v61 =	vadd.s32 v9, v52;
	v58 =	vadd.s32 v3, v51;
	v57 =	vor.u32 v26, v23  }
0x12a: {  	v29 =	vand.u32 $0x7F, v61;
	v60 =	vshll.u32 v58, $0x3;
	[tilespmem:v22+s18+$0x0] =	vst.idx.add.f32.msk $0xffff, v1;
	v20 =	vor.u32 $0x280, v57  }
0x12b: {  	v34 =	vshll.u32 v61, $0x3;
	v28 =	vadd.s32 v7, v63;
	v22 =	vand.u32 $0xFFFFFC00, v60;
	v62 =	vld [tilespmem:s5+$0x1A0]  }
0x12c: {  	v43 =	vld [tilespmem:s5+$0x420];
	v23 =	vand.u32 $0x7F, v58;
	v22 =	vadd.s32 v18, v22;
	v25 =	vadd.s32 v3, v56  }
0x12d: {  	v41 =	vand.u32 $0x7F, v28;
	[tilespmem:v21+s18+$0x0] =	vst.idx.add.f32.msk $0xffff, v1;
	v32 =	vor.u32 v23, v22;
	v33 =	vshll.u32 v25, $0x3  }
0x12e: {  	v28 =	vshll.u32 v28, $0x3;
	v35 =	vld [tilespmem:s5+$0x220];
	v21 =	vor.u32 $0x300, v32;
	v22 =	vand.u32 $0xFFFFFC00, v33  }
0x12f: {  	v23 =	vand.u32 $0xFFFFFC00, v34;
	v36 =	vand.u32 $0x7F, v25;
	[tilespmem:v20+s18+$0x0] =	vst.idx.add.f32.msk $0xffff, v1;
	v22 =	vadd.s32 v18, v22  }
0x130: {  	v23 =	vadd.s32 v18, v23;
	v37 =	vadd.s32 v4, v62;
	v38 =	vld [tilespmem:s5+$0x2A0];
	v20 =	vor.u32 v36, v22  }
0x131: {  	v39 =	vor.u32 v29, v23;
	v40 =	vshll.u32 v37, $0x3;
	v20 =	vor.u32 $0x380, v20  }
0x132: {  	v19 =	vadd.s32 v12, v43;
	v22 =	vor.u32 $0x80, v39;
	v23 =	vand.u32 $0xFFFFFC00, v40  }
0x133: {  	v25 =	vand.u32 $0x7F, v37;
	v26 =	vadd.s32 v4, v35;
	[tilespmem:v21+s18+$0x0] =	vst.idx.add.f32.msk $0xffff, v1;
	v23 =	vadd.s32 v18, v23  }
0x134: {  	v28 =	vand.u32 $0xFFFFFC00, v28;
	v42 =	vshll.u32 v26, $0x3;
	v43 =	vld [tilespmem:s5+$0x320];
	v23 =	vor.u32 v25, v23  }
0x135: {  	v25 =	vand.u32 $0xFFFFFC00, v42;
	v23 =	vor.u32 $0x180, v23;
	v27 =	vadd.s32 v4, v38  }
0x136: {  	v26 =	vand.u32 $0x7F, v26;
	v25 =	vadd.s32 v18, v25;
	[tilespmem:v20+s18+$0x0] =	vst.idx.add.f32.msk $0xffff, v1;
	v44 =	vshll.u32 v27, $0x3  }
0x137: {  	v59 =	vand.u32 $0x7F, v19;
	v25 =	vor.u32 v26, v25;
	v20 =	vand.u32 $0xFFFFFC00, v44;
	v45 =	vld [tilespmem:s5+$0x3A0]  }
0x138: {  	[tilespmem:v22+s18+$0x0] =	vst.idx.add.f32.msk $0xffff, v1;
	v47 =	vand.u32 $0x7F, v27;
	v46 =	vor.u32 $0x200, v25;
	v20 =	vadd.s32 v18, v20  }
0x139: {  	v28 =	vadd.s32 v18, v28;
	v48 =	vld [tilespmem:s5+$0x480];
	v49 =	vadd.s32 v4, v43;
	v20 =	vor.u32 v47, v20  }
0x13a: {  	v21 =	vor.u32 v41, v28;
	v50 =	vshll.u32 v49, $0x3;
	[tilespmem:v23+s18+$0x0] =	vst.idx.add.f32.msk $0xffff, v1;
	v20 =	vor.u32 $0x280, v20  }
0x13b: {  	v19 =	vshll.u32 v19, $0x3;
	v21 =	vor.u32 $0x100, v21;
	v23 =	vand.u32 $0xFFFFFC00, v50;
	v51 =	vld [tilespmem:s5+$0x1B0]  }
0x13c: {  	v25 =	vand.u32 $0x7F, v49;
	v23 =	vadd.s32 v18, v23;
	v26 =	vadd.s32 v4, v45  }
0x13d: {  	v19 =	vand.u32 $0xFFFFFC00, v19;
	[tilespmem:v46+s18+$0x0] =	vst.idx.add.f32.msk $0xffff, v1;
	v52 =	vor.u32 v25, v23;
	v53 =	vshll.u32 v26, $0x3  }
0x13e: {  	v19 =	vadd.s32 v18, v19;
	v54 =	vld [tilespmem:s5+$0x230];
	v22 =	vor.u32 $0x300, v52;
	v23 =	vand.u32 $0xFFFFFC00, v53  }
0x13f: {  	v19 =	vor.u32 v59, v19;
	v55 =	vand.u32 $0x7F, v26;
	[tilespmem:v20+s18+$0x0] =	vst.idx.add.f32.msk $0xffff, v1;
	v23 =	vadd.s32 v18, v23  }
0x140: {  	v56 =	vadd.s32 v10, v48;
	v57 =	vadd.s32 v5, v51;
	v58 =	vld [tilespmem:s5+$0x2B0];
	v20 =	vor.u32 v55, v23  }
0x141: {  	[tilespmem:v21+s18+$0x0] =	vst.idx.add.f32.msk $0xffff, v1;
	v59 =	vshll.u32 v56, $0x3;
	v28 =	vshll.u32 v57, $0x3;
	v20 =	vor.u32 $0x380, v20  }
0x142: {  	v32 =	vld [tilespmem:s5+$0x160];
	v24 =	vand.u32 $0x7F, v56;
	v23 =	vand.u32 $0xFFFFFC00, v59;
	v60 =	vand.u32 $0xFFFFFC00, v28  }
0x143: {  	v26 =	vand.u32 $0x7F, v57;
	v25 =	vadd.s32 v5, v54;
	[tilespmem:v22+s18+$0x0] =	vst.idx.add.f32.msk $0xffff, v1;
	v21 =	vadd.s32 v18, v60  }
0x144: {  	v61 =	vadd.s32 v18, v23;
	v62 =	vshll.u32 v25, $0x3;
	v63 =	vld [tilespmem:s5+$0x330];
	v21 =	vor.u32 v26, v21  }
0x145: {  	v23 =	vand.u32 $0xFFFFFC00, v62;
	v21 =	vor.u32 $0x180, v21;
	v27 =	vadd.s32 v5, v58  }
0x146: {  	v25 =	vand.u32 $0x7F, v25;
	v23 =	vadd.s32 v18, v23;
	v33 =	vshll.u32 v27, $0x3;
	[tilespmem:v20+s18+$0x0] =	vst.idx.add.f32.msk $0xffff, v1  }
0x147: {  	v41 =	vadd.s32 v8, v32;
	v35 =	vor.u32 v25, v23;
	v36 =	vand.u32 $0xFFFFFC00, v33;
	v37 =	vld [tilespmem:s5+$0x3B0]  }
0x148: {  	v38 =	vand.u32 $0x7F, v27;
	v22 =	vor.u32 $0x200, v35;
	v23 =	vadd.s32 v18, v36  }
0x149: {  	[tilespmem:v19+s18+$0x0] =	vst.idx.add.f32.msk $0xffff, v1;
	v43 =	vand.u32 $0x7F, v41;
	v40 =	vadd.s32 v5, v63;
	v39 =	vor.u32 v38, v23  }
0x14a: {  	v34 =	vor.u32 v24, v61;
	v42 =	vshll.u32 v40, $0x3;
	[tilespmem:v21+s18+$0x0] =	vst.idx.add.f32.msk $0xffff, v1;
	v20 =	vor.u32 $0x280, v39  }
0x14b: {  	v19 =	vor.u32 $0x80, v34;
	v25 =	vshll.u32 v41, $0x3;
	v21 =	vand.u32 $0xFFFFFC00, v42;
	v44 =	vld [tilespmem:s5+$0x1C0]  }
0x14c: {  	v45 =	vld [tilespmem:s5+$0x430];
	v23 =	vand.u32 $0x7F, v40;
	v21 =	vadd.s32 v18, v21;
	v24 =	vadd.s32 v5, v37  }
0x14d: {  	v25 =	vand.u32 $0xFFFFFC00, v25;
	[tilespmem:v22+s18+$0x0] =	vst.idx.add.f32.msk $0xffff, v1;
	v21 =	vor.u32 v23, v21;
	v46 =	vshll.u32 v24, $0x3  }
0x14e: {  	v47 =	vadd.s32 v18, v25;
	v48 =	vld [tilespmem:s5+$0x240];
	v21 =	vor.u32 $0x300, v21;
	v22 =	vand.u32 $0xFFFFFC00, v46  }
0x14f: {  	v23 =	vor.u32 v43, v47;
	v49 =	vand.u32 $0x7F, v24;
	[tilespmem:v20+s18+$0x0] =	vst.idx.add.f32.msk $0xffff, v1;
	v22 =	vadd.s32 v18, v22  }
0x150: {  	v23 =	vor.u32 $0x100, v23;
	v50 =	vadd.s32 v6, v44;
	v51 =	vld [tilespmem:s5+$0x2C0];
	v20 =	vor.u32 v49, v22  }
0x151: {  	v52 =	vadd.s32 v13, v45;
	[tilespmem:v19+s18+$0x0] =	vst.idx.add.f32.msk $0xffff, v1;
	v19 =	vshll.u32 v50, $0x3;
	v20 =	vor.u32 $0x380, v20  }
0x152: {  	v54 =	vand.u32 $0x7F, v52;
	v53 =	vld [tilespmem:s5+$0x490];
	v19 =	vand.u32 $0xFFFFFC00, v19  }
0x153: {  	v24 =	vand.u32 $0x7F, v50;
	v25 =	vadd.s32 v6, v48;
	[tilespmem:v21+s18+$0x0] =	vst.idx.add.f32.msk $0xffff, v1;
	v19 =	vadd.s32 v18, v19  }
0x154: {  	v59 =	vshll.u32 v52, $0x3;
	v55 =	vshll.u32 v25, $0x3;
	v56 =	vld [tilespmem:s5+$0x340];
	v19 =	vor.u32 v24, v19  }
0x155: {  	[tilespmem:v23+s18+$0x0] =	vst.idx.add.f32.msk $0xffff, v1;
	v57 =	vand.u32 $0xFFFFFC00, v55;
	v19 =	vor.u32 $0x180, v19;
	v58 =	vadd.s32 v6, v51  }
0x156: {  	v25 =	vand.u32 $0x7F, v25;
	v23 =	vadd.s32 v18, v57;
	v26 =	vshll.u32 v58, $0x3;
	[tilespmem:v20+s18+$0x0] =	vst.idx.add.f32.msk $0xffff, v1  }
0x157: {  	v32 =	vadd.s32 v11, v53;
	v60 =	vor.u32 v25, v23;
	v61 =	vand.u32 $0xFFFFFC00, v26;
	v62 =	vld [tilespmem:s5+$0x3C0]  }
0x158: {  	v63 =	vld [tilespmem:s5+$0x170];
	v24 =	vand.u32 $0x7F, v58;
	v22 =	vor.u32 $0x200, v60;
	v23 =	vadd.s32 v18, v61  }
0x159: {  	v20 =	vand.u32 $0xFFFFFC00, v59;
	v30 =	vadd.s32 v6, v56;
	v23 =	vor.u32 v24, v23  }
0x15a: {  	v20 =	vadd.s32 v18, v20;
	v31 =	vshll.u32 v30, $0x3;
	[tilespmem:v19+s18+$0x0] =	vst.idx.add.f32.msk $0xffff, v1;
	v19 =	vor.u32 $0x280, v23  }
0x15b: {  	v43 =	vand.u32 $0x7F, v32;
	v20 =	vor.u32 v54, v20;
	v23 =	vand.u32 $0xFFFFFC00, v31;
	v33 =	vld [tilespmem:s5+$0x1D0]  }
0x15c: {  	v24 =	vand.u32 $0x7F, v30;
	v23 =	vadd.s32 v18, v23;
	v25 =	vadd.s32 v6, v62  }
0x15d: {  	v26 =	vadd.s32 v9, v63;
	[tilespmem:v22+s18+$0x0] =	vst.idx.add.f32.msk $0xffff, v1;
	v34 =	vor.u32 v24, v23;
	v35 =	vshll.u32 v25, $0x3  }
0x15e: {  	v36 =	vand.u32 $0x7F, v26;
	v37 =	vld [tilespmem:s5+$0x250];
	v22 =	vor.u32 $0x300, v34;
	v23 =	vand.u32 $0xFFFFFC00, v35  }
0x15f: {  	v26 =	vshll.u32 v26, $0x3;
	[tilespmem:v19+s18+$0x0] =	vst.idx.add.f32.msk $0xffff, v1;
	v19 =	vand.u32 $0x7F, v25;
	v23 =	vadd.s32 v18, v23  }
0x160: {  	v38 =	vand.u32 $0xFFFFFC00, v26;
	v39 =	vadd.s32 v7, v33;
	v40 =	vld [tilespmem:s5+$0x2D0];
	v19 =	vor.u32 v19, v23  }
0x161: {  	v41 =	vadd.s32 v18, v38;
	v42 =	vshll.u32 v39, $0x3;
	v19 =	vor.u32 $0x380, v19  }
0x162: {  	[tilespmem:v20+s18+$0x0] =	vst.idx.add.f32.msk $0xffff, v1;
	v23 =	vor.u32 v36, v41;
	v45 =	vand.u32 $0x7F, v39;
	v44 =	vand.u32 $0xFFFFFC00, v42  }
0x163: {  	v47 =	vor.u32 $0x100, v23;
	v46 =	vadd.s32 v7, v37;
	[tilespmem:v22+s18+$0x0] =	vst.idx.add.f32.msk $0xffff, v1;
	v24 =	vadd.s32 v18, v44  }
0x164: {  	v49 =	vshll.u32 v46, $0x3;
	v50 =	vld [tilespmem:s5+$0x350];
	v26 =	vand.u32 $0x7F, v46;
	v48 =	vor.u32 v45, v24  }
0x165: {  	v57 =	vld [tilespmem:s5+$0x440];
	v52 =	vand.u32 $0xFFFFFC00, v49;
	v51 =	vor.u32 $0x180, v48;
	v53 =	vadd.s32 v7, v40  }
0x166: {  	v23 =	vadd.s32 v18, v52;
	v27 =	vshll.u32 v53, $0x3;
	[tilespmem:v19+s18+$0x0] =	vst.idx.add.f32.msk $0xffff, v1;
	v19 =	vshll.u32 v32, $0x3  }
0x167: {  	v54 =	vor.u32 v26, v23;
	v24 =	vand.u32 $0x7F, v53;
	v55 =	vand.u32 $0xFFFFFC00, v27;
	v56 =	vld [tilespmem:s5+$0x3D0]  }
0x168: {  	[tilespmem:v47+s18+$0x0] =	vst.idx.add.f32.msk $0xffff, v1;
	v21 =	vor.u32 $0x200, v54;
	v19 =	vand.u32 $0xFFFFFC00, v19;
	v23 =	vadd.s32 v18, v55  }
0x169: {  	v63 =	vld [tilespmem:s5+$0x500];
	v59 =	vadd.s32 v7, v50;
	v19 =	vadd.s32 v18, v19;
	v58 =	vor.u32 v24, v23  }
0x16a: {  	v61 =	vshll.u32 v59, $0x3;
	v19 =	vor.u32 v43, v19;
	[tilespmem:v51+s18+$0x0] =	vst.idx.add.f32.msk $0xffff, v1;
	v60 =	vor.u32 $0x280, v58  }
0x16b: {  	v22 =	vand.u32 $0xFFFFFC00, v61;
	v19 =	vor.u32 $0x80, v19;
	v62 =	vld [tilespmem:s5+$0x1E0]  }
0x16c: {  	v23 =	vand.u32 $0x7F, v59;
	v22 =	vadd.s32 v18, v22;
	v26 =	vadd.s32 v7, v56  }
0x16d: {  	[tilespmem:v21+s18+$0x0] =	vst.idx.add.f32.msk $0xffff, v1;
	v31 =	vor.u32 v23, v22;
	v32 =	vshll.u32 v26, $0x3  }
0x16e: {  	v27 =	vadd.s32 v14, v57;
	v33 =	vld [tilespmem:s5+$0x260];
	v21 =	vor.u32 $0x300, v31;
	v22 =	vand.u32 $0xFFFFFC00, v32  }
0x16f: {  	v35 =	vand.u32 $0x7F, v27;
	v37 =	vshll.u32 v27, $0x3;
	[tilespmem:v60+s18+$0x0] =	vst.idx.add.f32.msk $0xffff, v1;
	v22 =	vadd.s32 v18, v22  }
0x170: {  	v34 =	vand.u32 $0x7F, v26;
	[tilespmem:v19+s18+$0x0] =	vst.idx.add.f32.msk $0xffff, v1;
	v19 =	vadd.s32 v10, v63;
	v24 =	vadd.s32 v8, v62  }
0x171: {  	v36 =	vld [tilespmem:s5+$0x2E0];
	v20 =	vor.u32 v34, v22;
	v40 =	vand.u32 $0x7F, v19;
	v19 =	vshll.u32 v19, $0x3  }
0x172: {  	v38 =	vshll.u32 v24, $0x3;
	v20 =	vor.u32 $0x380, v20;
	v19 =	vand.u32 $0xFFFFFC00, v19  }
0x173: {  	v24 =	vand.u32 $0x7F, v24;
	v39 =	vand.u32 $0xFFFFFC00, v38;
	[tilespmem:v21+s18+$0x0] =	vst.idx.add.f32.msk $0xffff, v1;
	v19 =	vadd.s32 v18, v19  }
0x174: {  	v23 =	vadd.s32 v8, v33;
	v25 =	vadd.s32 v18, v39;
	v42 =	vld [tilespmem:s5+$0x360];
	v19 =	vor.u32 v40, v19  }
0x175: {  	v41 =	vshll.u32 v23, $0x3;
	v24 =	vor.u32 v24, v25;
	v19 =	vor.u32 $0x100, v19  }
0x176: {  	v25 =	vand.u32 $0xFFFFFC00, v41;
	v24 =	vor.u32 $0x180, v24;
	v28 =	vadd.s32 v8, v36  }
0x177: {  	v23 =	vand.u32 $0x7F, v23;
	v25 =	vadd.s32 v18, v25;
	[tilespmem:v20+s18+$0x0] =	vst.idx.add.f32.msk $0xffff, v1;
	v44 =	vshll.u32 v28, $0x3  }
0x178: {  	v23 =	vor.u32 v23, v25;
	v28 =	vand.u32 $0x7F, v28;
	v20 =	vand.u32 $0xFFFFFC00, v44;
	v45 =	vld [tilespmem:s5+$0x3E0]  }
0x179: {  	v43 =	vld [tilespmem:s5+$0x4A0];
	v23 =	vor.u32 $0x200, v23;
	v20 =	vadd.s32 v18, v20;
	v27 =	vadd.s32 v8, v42  }
0x17a: {  	v20 =	vor.u32 v28, v20;
	v46 =	vshll.u32 v27, $0x3;
	[tilespmem:v19+s18+$0x0] =	vst.idx.add.f32.msk $0xffff, v1  }
0x17b: {  	[tilespmem:v24+s18+$0x0] =	vst.idx.add.f32.msk $0xffff, v1;
	v20 =	vor.u32 $0x280, v20;
	v24 =	vand.u32 $0xFFFFFC00, v46  }
0x17c: {  	v22 =	vand.u32 $0xFFFFFC00, v37;
	v27 =	vand.u32 $0x7F, v27;
	v48 =	vld [tilespmem:s5+$0x1F0];
	v24 =	vadd.s32 v18, v24  }
0x17d: {  	v22 =	vadd.s32 v18, v22;
	v62 =	vld [tilespmem:s5+$0x510];
	v25 =	vadd.s32 v8, v45;
	v49 =	vor.u32 v27, v24  }
0x17e: {  	v47 =	vadd.s32 v12, v43;
	[tilespmem:v23+s18+$0x0] =	vst.idx.add.f32.msk $0xffff, v1;
	v50 =	vshll.u32 v25, $0x3;
	v23 =	vor.u32 $0x300, v49  }
0x17f: {  	v32 =	vor.u32 v35, v22;
	v51 =	vand.u32 $0x7F, v47;
	v52 =	vld [tilespmem:s5+$0x270];
	v24 =	vand.u32 $0xFFFFFC00, v50  }
0x180: {  	v28 =	vshll.u32 v47, $0x3;
	v53 =	vand.u32 $0x7F, v25;
	[tilespmem:v20+s18+$0x0] =	vst.idx.add.f32.msk $0xffff, v1;
	v24 =	vadd.s32 v18, v24  }
0x181: {  	v54 =	vand.u32 $0xFFFFFC00, v28;
	v21 =	vadd.s32 v9, v48;
	v55 =	vld [tilespmem:s5+$0x2F0];
	v20 =	vor.u32 v53, v24  }
0x182: {  	v56 =	vadd.s32 v18, v54;
	v57 =	vshll.u32 v21, $0x3;
	v20 =	vor.u32 $0x380, v20  }
0x183: {  	v37 =	vadd.s32 v11, v62;
	v24 =	vor.u32 v51, v56;
	v19 =	vand.u32 $0xFFFFFC00, v57;
	[tilespmem:v23+s18+$0x0] =	vst.idx.add.f32.msk $0xffff, v1  }
0x184: {  	v21 =	vand.u32 $0x7F, v21;
	v58 =	vadd.s32 v9, v52;
	v19 =	vadd.s32 v18, v19;
	v61 =	vld [tilespmem:s5+$0x370]  }
0x185: {  	v59 =	vor.u32 $0x80, v24;
	v60 =	vshll.u32 v58, $0x3;
	v19 =	vor.u32 v21, v19  }
0x186: {  	v21 =	vand.u32 $0xFFFFFC00, v60;
	v19 =	vor.u32 $0x180, v19;
	v28 =	vadd.s32 v9, v55  }
0x187: {  	v25 =	vand.u32 $0x7F, v58;
	v21 =	vadd.s32 v18, v21;
	v63 =	vshll.u32 v28, $0x3;
	[tilespmem:v20+s18+$0x0] =	vst.idx.add.f32.msk $0xffff, v1  }
0x188: {  	v21 =	vor.u32 v25, v21;
	v35 =	vand.u32 $0x7F, v28;
	v33 =	vand.u32 $0xFFFFFC00, v63;
	v34 =	vld [tilespmem:s5+$0x3F0]  }
0x189: {  	v21 =	vor.u32 $0x200, v21;
	v22 =	vadd.s32 v18, v33;
	v36 =	vadd.s32 v9, v61  }
0x18a: {  	v39 =	vand.u32 $0x7F, v37;
	[tilespmem:v59+s18+$0x0] =	vst.idx.add.f32.msk $0xffff, v1;
	v22 =	vor.u32 v35, v22;
	v38 =	vshll.u32 v36, $0x3  }
0x18b: {  	v24 =	vshll.u32 v37, $0x3;
	[tilespmem:v19+s18+$0x0] =	vst.idx.add.f32.msk $0xffff, v1;
	v19 =	vor.u32 $0x280, v22;
	v22 =	vand.u32 $0xFFFFFC00, v38  }
0x18c: {  	v24 =	vand.u32 $0xFFFFFC00, v24;
	v41 =	vld [tilespmem:s5+$0x4B0];
	v23 =	vand.u32 $0x7F, v36;
	v22 =	vadd.s32 v18, v22  }
0x18d: {  	v44 =	vadd.s32 v18, v24;
	v40 =	vld [tilespmem:s5+$0x580];
	v25 =	vadd.s32 v9, v34;
	v42 =	vor.u32 v23, v22  }
0x18e: {  	[tilespmem:v21+s18+$0x0] =	vst.idx.add.f32.msk $0xffff, v1;
	v23 =	vor.u32 v39, v44;
	v43 =	vshll.u32 v25, $0x3;
	v21 =	vor.u32 $0x300, v42  }
0x18f: {  	v45 =	vld [tilespmem:s5+$0x600];
	v23 =	vor.u32 $0x100, v23;
	v22 =	vand.u32 $0xFFFFFC00, v43  }
0x190: {  	[tilespmem:v19+s18+$0x0] =	vst.idx.add.f32.msk $0xffff, v1;
	v19 =	vand.u32 $0x7F, v25;
	v22 =	vadd.s32 v18, v22  }
0x191: {  	v47 =	vld [tilespmem:s5+$0x680];
	v19 =	vor.u32 v19, v22  }
0x192: {  	v48 =	vadd.s32 v13, v41;
	v46 =	vadd.s32 v10, v40;
	v19 =	vor.u32 $0x380, v19  }
0x193: {  	v28 =	vand.u32 $0x7F, v48;
	v20 =	vshll.u32 v48, $0x3;
	v49 =	vshll.u32 v46, $0x3;
	[tilespmem:v21+s18+$0x0] =	vst.idx.add.f32.msk $0xffff, v1  }
0x194: {  	v25 =	vand.u32 $0x7F, v46;
	v22 =	vand.u32 $0xFFFFFC00, v49;
	v24 =	vadd.s32 v10, v45;
	[tilespmem:v23+s18+$0x0] =	vst.idx.add.f32.msk $0xffff, v1  }
0x195: {  	v22 =	vadd.s32 v18, v22;
	v52 =	vshll.u32 v24, $0x3;
	v53 =	vld [tilespmem:s5+$0x700];
	v24 =	vand.u32 $0x7F, v24  }
0x196: {  	v58 =	vld [tilespmem:s5+$0x520];
	v51 =	vor.u32 v25, v22;
	v22 =	vand.u32 $0xFFFFFC00, v52;
	v54 =	vadd.s32 v10, v47  }
0x197: {  	v21 =	vor.u32 $0x180, v51;
	v22 =	vadd.s32 v18, v22;
	v26 =	vshll.u32 v54, $0x3;
	[tilespmem:v19+s18+$0x0] =	vst.idx.add.f32.msk $0xffff, v1  }
0x198: {  	v19 =	vand.u32 $0xFFFFFC00, v20;
	v55 =	vor.u32 v24, v22;
	v56 =	vand.u32 $0xFFFFFC00, v26;
	v57 =	vld [tilespmem:s5+$0x780]  }
0x199: {  	[tilespmem:v32+s18+$0x0] =	vst.idx.add.f32.msk $0xffff, v1;
	v23 =	vand.u32 $0x7F, v54;
	v20 =	vor.u32 $0x200, v55;
	v22 =	vadd.s32 v18, v56  }
0x19a: {  	v19 =	vadd.s32 v18, v19;
	v59 =	vadd.s32 v10, v53;
	v22 =	vor.u32 v23, v22  }
0x19b: {  	v50 =	vld [tilespmem:s5+$0x450];
	v19 =	vor.u32 v28, v19;
	v26 =	vadd.s32 v12, v58;
	v60 =	vor.u32 $0x280, v22  }
0x19c: {  	v61 =	vshll.u32 v59, $0x3;
	v19 =	vor.u32 $0x80, v19;
	v23 =	vand.u32 $0x7F, v59;
	[tilespmem:v21+s18+$0x0] =	vst.idx.add.f32.msk $0xffff, v1  }
0x19d: {  	v34 =	vand.u32 $0x7F, v26;
	v22 =	vand.u32 $0xFFFFFC00, v61;
	v63 =	vld [tilespmem:s5+$0x590];
	v24 =	vadd.s32 v10, v57  }
0x19e: {  	v26 =	vshll.u32 v26, $0x3;
	v22 =	vadd.s32 v18, v22;
	[tilespmem:v20+s18+$0x0] =	vst.idx.add.f32.msk $0xffff, v1;
	v33 =	vshll.u32 v24, $0x3  }
0x19f: {  	v37 =	vand.u32 $0xFFFFFC00, v26;
	v32 =	vor.u32 v23, v22;
	v35 =	vld [tilespmem:s5+$0x610];
	v22 =	vand.u32 $0xFFFFFC00, v33  }
0x1a0: {  	v20 =	vor.u32 $0x300, v32;
	v36 =	vand.u32 $0x7F, v24;
	[tilespmem:v60+s18+$0x0] =	vst.idx.add.f32.msk $0xffff, v1;
	v22 =	vadd.s32 v18, v22  }
0x1a1: {  	v40 =	vadd.s32 v18, v37;
	v39 =	vld [tilespmem:s5+$0x690];
	v21 =	vor.u32 v36, v22  }
0x1a2: {  	[tilespmem:v19+s18+$0x0] =	vst.idx.add.f32.msk $0xffff, v1;
	v19 =	vor.u32 v34, v40;
	v38 =	vadd.s32 v11, v63;
	v21 =	vor.u32 $0x380, v21  }
0x1a3: {  	v62 =	vadd.s32 v15, v50;
	v19 =	vor.u32 $0x100, v19;
	v41 =	vshll.u32 v38, $0x3  }
0x1a4: {  	v49 =	vld [tilespmem:s5+$0x4C0];
	v44 =	vand.u32 $0x7F, v38;
	v43 =	vand.u32 $0xFFFFFC00, v41;
	v45 =	vadd.s32 v11, v35  }
0x1a5: {  	[tilespmem:v20+s18+$0x0] =	vst.idx.add.f32.msk $0xffff, v1;
	v22 =	vadd.s32 v18, v43;
	v47 =	vshll.u32 v45, $0x3;
	v24 =	vand.u32 $0x7F, v45  }
0x1a6: {  	v48 =	vld [tilespmem:s5+$0x710];
	v46 =	vor.u32 v44, v22;
	v22 =	vand.u32 $0xFFFFFC00, v47;
	v27 =	vadd.s32 v11, v39  }
0x1a7: {  	v20 =	vor.u32 $0x180, v46;
	v22 =	vadd.s32 v18, v22;
	v50 =	vshll.u32 v27, $0x3;
	[tilespmem:v21+s18+$0x0] =	vst.idx.add.f32.msk $0xffff, v1  }
0x1a8: {  	v22 =	vor.u32 v24, v22;
	v52 =	vand.u32 $0xFFFFFC00, v50;
	v53 =	vld [tilespmem:s5+$0x790]  }
0x1a9: {  	v27 =	vand.u32 $0x7F, v27;
	v22 =	vor.u32 $0x200, v22;
	v24 =	vadd.s32 v18, v52  }
0x1aa: {  	v42 =	vand.u32 $0x7F, v62;
	v51 =	vshll.u32 v62, $0x3;
	[tilespmem:v19+s18+$0x0] =	vst.idx.add.f32.msk $0xffff, v1;
	v19 =	vor.u32 v27, v24  }
0x1ab: {  	v55 =	vadd.s32 v14, v49;
	v57 =	vld [tilespmem:s5+$0x530];
	v23 =	vadd.s32 v11, v48;
	v19 =	vor.u32 $0x280, v19  }
0x1ac: {  	v58 =	vand.u32 $0x7F, v55;
	v60 =	vshll.u32 v55, $0x3;
	v54 =	vshll.u32 v23, $0x3;
	[tilespmem:v20+s18+$0x0] =	vst.idx.add.f32.msk $0xffff, v1  }
0x1ad: {  	v21 =	vand.u32 $0xFFFFFC00, v51;
	v20 =	vand.u32 $0xFFFFFC00, v54;
	v56 =	vld [tilespmem:s5+$0x5A0];
	v25 =	vadd.s32 v11, v53  }
0x1ae: {  	v23 =	vand.u32 $0x7F, v23;
	v20 =	vadd.s32 v18, v20;
	[tilespmem:v22+s18+$0x0] =	vst.idx.add.f32.msk $0xffff, v1;
	v59 =	vshll.u32 v25, $0x3  }
0x1af: {  	v21 =	vadd.s32 v18, v21;
	v20 =	vor.u32 v23, v20;
	v61 =	vld [tilespmem:s5+$0x620];
	v22 =	vand.u32 $0xFFFFFC00, v59  }
0x1b0: {  	v20 =	vor.u32 $0x300, v20;
	[tilespmem:v19+s18+$0x0] =	vst.idx.add.f32.msk $0xffff, v1;
	v19 =	vand.u32 $0x7F, v25;
	v22 =	vadd.s32 v18, v22  }
0x1b1: {  	v21 =	vor.u32 v42, v21;
	v23 =	vand.u32 $0xFFFFFC00, v60;
	v19 =	vor.u32 v19, v22  }
0x1b2: {  	v23 =	vadd.s32 v18, v23;
	v62 =	vadd.s32 v12, v56;
	v63 =	vld [tilespmem:s5+$0x6A0];
	v19 =	vor.u32 $0x380, v19  }
0x1b3: {  	v27 =	vadd.s32 v13, v57;
	v30 =	vor.u32 v58, v23;
	v31 =	vshll.u32 v62, $0x3  }
0x1b4: {  	v32 =	vand.u32 $0x7F, v27;
	v22 =	vor.u32 $0x80, v30;
	v23 =	vand.u32 $0xFFFFFC00, v31  }
0x1b5: {  	v25 =	vand.u32 $0x7F, v62;
	v24 =	vadd.s32 v12, v61;
	[tilespmem:v20+s18+$0x0] =	vst.idx.add.f32.msk $0xffff, v1;
	v23 =	vadd.s32 v18, v23  }
0x1b6: {  	v33 =	vshll.u32 v24, $0x3;
	v34 =	vld [tilespmem:s5+$0x720];
	v24 =	vand.u32 $0x7F, v24;
	v23 =	vor.u32 v25, v23  }
0x1b7: {  	v25 =	vand.u32 $0xFFFFFC00, v33;
	v23 =	vor.u32 $0x180, v23;
	v26 =	vadd.s32 v12, v63;
	[tilespmem:v19+s18+$0x0] =	vst.idx.add.f32.msk $0xffff, v1  }
0x1b8: {  	v25 =	vadd.s32 v18, v25;
	v35 =	vshll.u32 v26, $0x3;
	v19 =	vshll.u32 v27, $0x3;
	v37 =	vld [tilespmem:s5+$0x7A0]  }
0x1b9: {  	[tilespmem:v21+s18+$0x0] =	vst.idx.add.f32.msk $0xffff, v1;
	v24 =	vor.u32 v24, v25;
	v39 =	vand.u32 $0x7F, v26;
	v36 =	vand.u32 $0xFFFFFC00, v35  }
0x1ba: {  	[tilespmem:v22+s18+$0x0] =	vst.idx.add.f32.msk $0xffff, v1;
	v38 =	vor.u32 $0x200, v24;
	v19 =	vand.u32 $0xFFFFFC00, v19;
	v25 =	vadd.s32 v18, v36  }
0x1bb: {  	v40 =	vld [tilespmem:s5+$0x460];
	v41 =	vadd.s32 v12, v34;
	v19 =	vadd.s32 v18, v19;
	v24 =	vor.u32 v39, v25  }
0x1bc: {  	v43 =	vshll.u32 v41, $0x3;
	v19 =	vor.u32 v32, v19;
	[tilespmem:v23+s18+$0x0] =	vst.idx.add.f32.msk $0xffff, v1;
	v42 =	vor.u32 $0x280, v24  }
0x1bd: {  	v45 =	vand.u32 $0x7F, v41;
	v24 =	vand.u32 $0xFFFFFC00, v43;
	v44 =	vld [tilespmem:s5+$0x5B0];
	v46 =	vadd.s32 v12, v37  }
0x1be: {  	v54 =	vld [tilespmem:s5+$0x4D0];
	v19 =	vor.u32 $0x100, v19;
	v24 =	vadd.s32 v18, v24;
	v48 =	vshll.u32 v46, $0x3  }
0x1bf: {  	[tilespmem:v38+s18+$0x0] =	vst.idx.add.f32.msk $0xffff, v1;
	v47 =	vor.u32 v45, v24;
	v22 =	vand.u32 $0xFFFFFC00, v48  }
0x1c0: {  	v49 =	vld [tilespmem:s5+$0x630];
	v21 =	vor.u32 $0x300, v47;
	v50 =	vand.u32 $0x7F, v46;
	v22 =	vadd.s32 v18, v22  }
0x1c1: {  	[tilespmem:v42+s18+$0x0] =	vst.idx.add.f32.msk $0xffff, v1;
	v22 =	vor.u32 v50, v22  }
0x1c2: {  	v20 =	vadd.s32 v13, v44;
	v52 =	vld [tilespmem:s5+$0x6B0];
	v22 =	vor.u32 $0x380, v22  }
0x1c3: {  	v26 =	vadd.s32 v16, v40;
	[tilespmem:v19+s18+$0x0] =	vst.idx.add.f32.msk $0xffff, v1;
	v55 =	vshll.u32 v20, $0x3  }
0x1c4: {  	v51 =	vshll.u32 v26, $0x3;
	v26 =	vand.u32 $0x7F, v26;
	v59 =	vld [tilespmem:s5+$0x540];
	v19 =	vand.u32 $0xFFFFFC00, v55  }
0x1c5: {  	v20 =	vand.u32 $0x7F, v20;
	v24 =	vadd.s32 v13, v49;
	[tilespmem:v21+s18+$0x0] =	vst.idx.add.f32.msk $0xffff, v1;
	v19 =	vadd.s32 v18, v19  }
0x1c6: {  	v53 =	vand.u32 $0xFFFFFC00, v51;
	v57 =	vshll.u32 v24, $0x3;
	v58 =	vld [tilespmem:s5+$0x730];
	v19 =	vor.u32 v20, v19  }
0x1c7: {  	v20 =	vand.u32 $0xFFFFFC00, v57;
	v19 =	vor.u32 $0x180, v19;
	v27 =	vadd.s32 v13, v52;
	[tilespmem:v22+s18+$0x0] =	vst.idx.add.f32.msk $0xffff, v1  }
0x1c8: {  	v24 =	vand.u32 $0x7F, v24;
	v20 =	vadd.s32 v18, v20;
	v60 =	vshll.u32 v27, $0x3;
	v63 =	vld [tilespmem:s5+$0x7B0]  }
0x1c9: {  	v23 =	vadd.s32 v18, v53;
	v20 =	vor.u32 v24, v20;
	v62 =	vand.u32 $0xFFFFFC00, v60  }
0x1ca: {  	v27 =	vand.u32 $0x7F, v27;
	v20 =	vor.u32 $0x200, v20;
	v24 =	vadd.s32 v18, v62  }
0x1cb: {  	v56 =	vor.u32 v26, v23;
	v23 =	vadd.s32 v13, v58;
	v24 =	vor.u32 v27, v24  }
0x1cc: {  	v61 =	vadd.s32 v15, v54;
	v33 =	vshll.u32 v23, $0x3;
	[tilespmem:v19+s18+$0x0] =	vst.idx.add.f32.msk $0xffff, v1;
	v19 =	vor.u32 $0x280, v24  }
0x1cd: {  	v26 =	vadd.s32 v14, v59;
	v24 =	vand.u32 $0xFFFFFC00, v33;
	v25 =	vadd.s32 v13, v63  }
0x1ce: {  	v23 =	vand.u32 $0x7F, v23;
	v34 =	vld [tilespmem:s5+$0x5C0];
	v24 =	vadd.s32 v18, v24;
	v37 =	vshll.u32 v25, $0x3  }
0x1cf: {  	v38 =	vshll.u32 v26, $0x3;
	[tilespmem:v20+s18+$0x0] =	vst.idx.add.f32.msk $0xffff, v1;
	v36 =	vor.u32 v23, v24;
	v23 =	vand.u32 $0xFFFFFC00, v37  }
0x1d0: {  	v39 =	vld [tilespmem:s5+$0x640];
	v20 =	vor.u32 $0x300, v36;
	v40 =	vand.u32 $0x7F, v25;
	v23 =	vadd.s32 v18, v23  }
0x1d1: {  	v22 =	vshll.u32 v61, $0x3;
	[tilespmem:v19+s18+$0x0] =	vst.idx.add.f32.msk $0xffff, v1;
	v19 =	vand.u32 $0xFFFFFC00, v38;
	v23 =	vor.u32 v40, v23  }
0x1d2: {  	v35 =	vand.u32 $0x7F, v26;
	v19 =	vadd.s32 v18, v19;
	v23 =	vor.u32 $0x380, v23  }
0x1d3: {  	v32 =	vand.u32 $0x7F, v61;
	v22 =	vand.u32 $0xFFFFFC00, v22;
	v43 =	vld [tilespmem:s5+$0x6C0];
	v19 =	vor.u32 v35, v19  }
0x1d4: {  	[tilespmem:v56+s18+$0x0] =	vst.idx.add.f32.msk $0xffff, v1;
	v44 =	vadd.s32 v18, v22;
	v41 =	vadd.s32 v14, v34;
	v19 =	vor.u32 $0x100, v19  }
0x1d5: {  	v48 =	vor.u32 v32, v44;
	v42 =	vshll.u32 v41, $0x3;
	v46 =	vand.u32 $0x7F, v41;
	[tilespmem:v20+s18+$0x0] =	vst.idx.add.f32.msk $0xffff, v1  }
0x1d6: {  	v45 =	vand.u32 $0xFFFFFC00, v42;
	v47 =	vadd.s32 v14, v39;
	v20 =	vor.u32 $0x80, v48;
	v51 =	vld [tilespmem:s5+$0x740]  }
0x1d7: {  	v22 =	vadd.s32 v18, v45;
	v50 =	vshll.u32 v47, $0x3;
	v25 =	vand.u32 $0x7F, v47;
	[tilespmem:v23+s18+$0x0] =	vst.idx.add.f32.msk $0xffff, v1  }
0x1d8: {  	v49 =	vor.u32 v46, v22;
	v22 =	vand.u32 $0xFFFFFC00, v50;
	v27 =	vadd.s32 v14, v43;
	v54 =	vld [tilespmem:s5+$0x7C0]  }
0x1d9: {  	v21 =	vor.u32 $0x180, v49;
	v22 =	vadd.s32 v18, v22;
	v53 =	vshll.u32 v27, $0x3;
	[tilespmem:v19+s18+$0x0] =	vst.idx.add.f32.msk $0xffff, v1  }
0x1da: {  	v22 =	vor.u32 v25, v22;
	v27 =	vand.u32 $0x7F, v27;
	v55 =	vand.u32 $0xFFFFFC00, v53;
	v56 =	vld [tilespmem:s5+$0x550]  }
0x1db: {  	v52 =	vld [tilespmem:s5+$0x470];
	v19 =	vor.u32 $0x200, v22;
	v22 =	vadd.s32 v18, v55;
	v24 =	vadd.s32 v14, v51  }
0x1dc: {  	[tilespmem:v20+s18+$0x0] =	vst.idx.add.f32.msk $0xffff, v1;
	v57 =	vor.u32 v27, v22;
	v58 =	vshll.u32 v24, $0x3  }
0x1dd: {  	v61 =	vld [tilespmem:s5+$0x4E0];
	v20 =	vor.u32 $0x280, v57;
	v59 =	vand.u32 $0xFFFFFC00, v58;
	v25 =	vadd.s32 v14, v54  }
0x1de: {  	v24 =	vand.u32 $0x7F, v24;
	[tilespmem:v21+s18+$0x0] =	vst.idx.add.f32.msk $0xffff, v1;
	v21 =	vadd.s32 v18, v59;
	v62 =	vshll.u32 v25, $0x3  }
0x1df: {  	v60 =	vld [tilespmem:s5+$0x5D0];
	v21 =	vor.u32 v24, v21;
	v23 =	vadd.s32 v15, v56;
	v63 =	vand.u32 $0xFFFFFC00, v62  }
0x1e0: {  	[tilespmem:v19+s18+$0x0] =	vst.idx.add.f32.msk $0xffff, v1;
	v19 =	vor.u32 $0x300, v21;
	v25 =	vand.u32 $0x7F, v25;
	v21 =	vadd.s32 v18, v63  }
0x1e1: {  	v38 =	vadd.s32 v17, v52;
	v33 =	vld [tilespmem:s5+$0x650];
	v32 =	vshll.u32 v23, $0x3;
	v34 =	vor.u32 v25, v21  }
0x1e2: {  	v27 =	vadd.s32 v16, v61;
	v24 =	vand.u32 $0xFFFFFC00, v32;
	[tilespmem:v20+s18+$0x0] =	vst.idx.add.f32.msk $0xffff, v1;
	v20 =	vor.u32 $0x380, v34  }
0x1e3: {  	v56 =	vshll.u32 v38, $0x3;
	v23 =	vand.u32 $0x7F, v23;
	v35 =	vadd.s32 v18, v24;
	v36 =	vld [tilespmem:s5+$0x6D0]  }
0x1e4: {  	v46 =	vand.u32 $0x7F, v27;
	v22 =	vadd.s32 v15, v60;
	v21 =	vor.u32 v23, v35  }
0x1e5: {  	v27 =	vshll.u32 v27, $0x3;
	v37 =	vshll.u32 v22, $0x3;
	v21 =	vor.u32 $0x100, v21;
	[tilespmem:v19+s18+$0x0] =	vst.idx.add.f32.msk $0xffff, v1  }
0x1e6: {  	v23 =	vand.u32 $0xFFFFFC00, v37;
	v19 =	vand.u32 $0x7F, v22;
	v40 =	vadd.s32 v15, v33;
	v41 =	vld [tilespmem:s5+$0x750]  }
0x1e7: {  	v39 =	vadd.s32 v18, v23;
	v42 =	vshll.u32 v40, $0x3;
	v43 =	vand.u32 $0x7F, v40;
	[tilespmem:v20+s18+$0x0] =	vst.idx.add.f32.msk $0xffff, v1  }
0x1e8: {  	v19 =	vor.u32 v19, v39;
	v22 =	vand.u32 $0xFFFFFC00, v42;
	v24 =	vadd.s32 v15, v36;
	v45 =	vld [tilespmem:s5+$0x7D0]  }
0x1e9: {  	v19 =	vor.u32 $0x180, v19;
	v22 =	vadd.s32 v18, v22;
	v44 =	vshll.u32 v24, $0x3  }
0x1ea: {  	v20 =	vor.u32 v43, v22;
	v24 =	vand.u32 $0x7F, v24;
	v47 =	vand.u32 $0xFFFFFC00, v44  }
0x1eb: {  	[tilespmem:v21+s18+$0x0] =	vst.idx.add.f32.msk $0xffff, v1;
	v20 =	vor.u32 $0x200, v20;
	v22 =	vadd.s32 v18, v47;
	v26 =	vadd.s32 v15, v41  }
0x1ec: {  	v27 =	vand.u32 $0xFFFFFC00, v27;
	v48 =	vld [tilespmem:s5+$0x560];
	v22 =	vor.u32 v24, v22;
	v49 =	vshll.u32 v26, $0x3  }
0x1ed: {  	v22 =	vor.u32 $0x280, v22;
	v24 =	vand.u32 $0xFFFFFC00, v49;
	v50 =	vadd.s32 v15, v45  }
0x1ee: {  	[tilespmem:v19+s18+$0x0] =	vst.idx.add.f32.msk $0xffff, v1;
	v19 =	vand.u32 $0x7F, v26;
	v24 =	vadd.s32 v18, v24;
	v52 =	vshll.u32 v50, $0x3  }
0x1ef: {  	v27 =	vadd.s32 v18, v27;
	v51 =	vld [tilespmem:s5+$0x5E0];
	v19 =	vor.u32 v19, v24;
	v24 =	vand.u32 $0xFFFFFC00, v52  }
0x1f0: {  	[tilespmem:v20+s18+$0x0] =	vst.idx.add.f32.msk $0xffff, v1;
	v19 =	vor.u32 $0x300, v19;
	v53 =	vand.u32 $0x7F, v50;
	v24 =	vadd.s32 v18, v24  }
0x1f1: {  	v25 =	vand.u32 $0x7F, v38;
	v23 =	vadd.s32 v16, v48;
	v55 =	vld [tilespmem:s5+$0x660];
	v20 =	vor.u32 v53, v24  }
0x1f2: {  	v21 =	vor.u32 v46, v27;
	v54 =	vshll.u32 v23, $0x3;
	[tilespmem:v22+s18+$0x0] =	vst.idx.add.f32.msk $0xffff, v1;
	v20 =	vor.u32 $0x380, v20  }
0x1f3: {  	v21 =	vor.u32 $0x80, v21;
	v57 =	vand.u32 $0x7F, v23;
	v26 =	vand.u32 $0xFFFFFC00, v54;
	v60 =	vld [tilespmem:s5+$0x6E0]  }
0x1f4: {  	v58 =	vadd.s32 v18, v26;
	v59 =	vadd.s32 v16, v51;
	v24 =	vand.u32 $0xFFFFFC00, v56  }
0x1f5: {  	v22 =	vor.u32 v57, v58;
	v61 =	vshll.u32 v59, $0x3;
	v24 =	vadd.s32 v18, v24;
	[tilespmem:v19+s18+$0x0] =	vst.idx.add.f32.msk $0xffff, v1  }
0x1f6: {  	v23 =	vand.u32 $0xFFFFFC00, v61;
	v19 =	vand.u32 $0x7F, v59;
	v62 =	vadd.s32 v16, v55;
	v63 =	vld [tilespmem:s5+$0x760]  }
0x1f7: {  	v22 =	vor.u32 $0x100, v22;
	v23 =	vadd.s32 v18, v23;
	v31 =	vshll.u32 v62, $0x3;
	[tilespmem:v20+s18+$0x0] =	vst.idx.add.f32.msk $0xffff, v1  }
0x1f8: {  	v35 =	vand.u32 $0x7F, v62;
	v19 =	vor.u32 v19, v23;
	v33 =	vadd.s32 v16, v60;
	v34 =	vld [tilespmem:s5+$0x7E0]  }
0x1f9: {  	[tilespmem:v21+s18+$0x0] =	vst.idx.add.f32.msk $0xffff, v1;
	v32 =	vand.u32 $0xFFFFFC00, v31;
	v19 =	vor.u32 $0x180, v19;
	v36 =	vshll.u32 v33, $0x3  }
0x1fa: {  	v37 =	vld [tilespmem:s5+$0x4F0];
	v20 =	vadd.s32 v18, v32;
	v23 =	vand.u32 $0x7F, v33;
	v26 =	vand.u32 $0xFFFFFC00, v36  }
0x1fb: {  	v20 =	vor.u32 v35, v20;
	v26 =	vadd.s32 v18, v26;
	v27 =	vadd.s32 v16, v63  }
0x1fc: {  	[tilespmem:v22+s18+$0x0] =	vst.idx.add.f32.msk $0xffff, v1;
	v20 =	vor.u32 $0x200, v20;
	v38 =	vor.u32 v23, v26;
	v39 =	vshll.u32 v27, $0x3  }
0x1fd: {  	v40 =	vld [tilespmem:s5+$0x570];
	v22 =	vor.u32 $0x280, v38;
	v23 =	vand.u32 $0xFFFFFC00, v39;
	v28 =	vadd.s32 v16, v34  }
0x1fe: {  	[tilespmem:v19+s18+$0x0] =	vst.idx.add.f32.msk $0xffff, v1;
	v19 =	vand.u32 $0x7F, v27;
	v23 =	vadd.s32 v18, v23;
	v41 =	vshll.u32 v28, $0x3  }
0x1ff: {  	v21 =	vadd.s32 v17, v37;
	v42 =	vld [tilespmem:s5+$0x5F0];
	v19 =	vor.u32 v19, v23;
	v27 =	vand.u32 $0xFFFFFC00, v41  }
0x200: {  	v19 =	vor.u32 $0x300, v19;
	v28 =	vand.u32 $0x7F, v28;
	v27 =	vadd.s32 v18, v27  }
0x201: {  	v24 =	vor.u32 v25, v24;
	v43 =	vshll.u32 v21, $0x3;
	[tilespmem:v20+s18+$0x0] =	vst.idx.add.f32.msk $0xffff, v1;
	v44 =	vor.u32 v28, v27  }
0x202: {  	v25 =	vand.u32 $0xFFFFFC00, v43;
	v26 =	vadd.s32 v17, v40;
	v45 =	vld [tilespmem:s5+$0x670];
	v20 =	vor.u32 $0x380, v44  }
0x203: {  	v21 =	vand.u32 $0x7F, v21;
	v25 =	vadd.s32 v18, v25;
	v46 =	vshll.u32 v26, $0x3;
	[tilespmem:v22+s18+$0x0] =	vst.idx.add.f32.msk $0xffff, v1  }
0x204: {  	v21 =	vor.u32 v21, v25;
	v47 =	vand.u32 $0xFFFFFC00, v46;
	v23 =	vadd.s32 v17, v42;
	v48 =	vld [tilespmem:s5+$0x6F0]  }
0x205: {  	v26 =	vand.u32 $0x7F, v26;
	v22 =	vadd.s32 v18, v47;
	v49 =	vshll.u32 v23, $0x3;
	[tilespmem:v19+s18+$0x0] =	vst.idx.add.f32.msk $0xffff, v1  }
0x206: {  	v50 =	vor.u32 v26, v22;
	v23 =	vand.u32 $0x7F, v23;
	v51 =	vand.u32 $0xFFFFFC00, v49;
	v52 =	vld [tilespmem:s5+$0x770]  }
0x207: {  	v19 =	vor.u32 $0x80, v21;
	v22 =	vadd.s32 v18, v51;
	v27 =	vadd.s32 v17, v45;
	[tilespmem:v20+s18+$0x0] =	vst.idx.add.f32.msk $0xffff, v1  }
0x208: {  	v53 =	vor.u32 $0x100, v50;
	v54 =	vor.u32 v23, v22;
	v55 =	vshll.u32 v27, $0x3;
	v56 =	vld [tilespmem:s5+$0x7F0]  }
0x209: {  	v27 =	vand.u32 $0x7F, v27;
	v22 =	vand.u32 $0xFFFFFC00, v55;
	v25 =	vadd.s32 v17, v48  }
0x20a: {  	v21 =	vor.u32 $0x180, v54;
	v22 =	vadd.s32 v18, v22;
	v57 =	vshll.u32 v25, $0x3  }
0x20b: {  	v25 =	vand.u32 $0x7F, v25;
	v22 =	vor.u32 v27, v22;
	v58 =	vand.u32 $0xFFFFFC00, v57  }
0x20c: {  	v26 =	vadd.s32 v17, v52;
	v27 =	vadd.s32 v18, v58;
	v22 =	vor.u32 $0x200, v22  }
0x20d: {  	v59 =	vshll.u32 v26, $0x3;
	v25 =	vor.u32 v25, v27;
	v23 =	vadd.s32 v17, v56  }
0x20e: {  	v26 =	vand.u32 $0x7F, v26;
	v60 =	vand.u32 $0xFFFFFC00, v59;
	v61 =	vshll.u32 v23, $0x3  }
0x20f: {  	v63 =	vor.u32 $0x280, v25;
	v27 =	vadd.s32 v18, v60;
	v62 =	vand.u32 $0xFFFFFC00, v61  }
0x210: {  	[tilespmem:v24+s18+$0x0] =	vst.idx.add.f32.msk $0xffff, v1;
	v26 =	vor.u32 v26, v27;
	v23 =	vand.u32 $0x7F, v23;
	v18 =	vadd.s32 v18, v62  }
0x211: {  	[tilespmem:v19+s18+$0x0] =	vst.idx.add.f32.msk $0xffff, v1;
	v19 =	vor.u32 $0x300, v26;
	v18 =	vor.u32 v23, v18  }
0x212: {  	p1 =	por p0, p0;
	[tilespmem:v53+s18+$0x0] =	vst.idx.add.f32.msk $0xffff, v1;
	v18 =	vor.u32 $0x380, v18  }
.Ltmp6:
0x213: {  	[tilespmem:v21+s18+$0x0] =	vst.idx.add.f32.msk $0xffff, v1;
	(pc) =	sbr.rel @p1 .LBB2_9-.Ltmp6, $4  }
0x214: {  	[tilespmem:v22+s18+$0x0] =	vst.idx.add.f32.msk $0xffff, v1  }
0x215: {  	[tilespmem:v63+s18+$0x0] =	vst.idx.add.f32.msk $0xffff, v1  }
0x216: {  	[tilespmem:v19+s18+$0x0] =	vst.idx.add.f32.msk $0xffff, v1  }
0x217: {  	s6 =	simm.s32 $0x8;
	p0 =	por $0x0, $0x0;
	[tilespmem:v18+s18+$0x0] =	vst.idx.add.f32.msk $0xffff, v1  }
0x218: {  	s5 =	sadd.s32 s7, s14;
	s6 =	sshll.u32 s2, $0x4  }
0x219: {  	s5 =	sshll.u32 s5, $0x4;
	s6 =	sand.u32 $0x70, s6  }
0x21a: {  	s5 =	sand.u32 $0xFFFFF00, s5;
	s6 =	sadd.s32 s3, s6  }
0x21b: {  	s5 =	sadd.s32 s5, s6  }
0x21c: {  	[hbm4b:s5+s19] =	stream.strided.scatter [tilespmem:s18], [sflag:$0x3], $0x400, s20, s19, $0x38;
	[tilespmem:$0x4100] =	vst v63  }
0x21d: {  	s6 =	sadd.s32 $0x80, s5  }
0x21e: {  	[hbm4b:s6+s19] =	stream.strided.scatter [tilespmem:s21], [sflag:$0x3], $0x400, s20, s19, $0x38;
	[tilespmem:$0x4100] =	vst v63  }
0x21f: {  	s5 =	sadd.s32 $0x20000, s5  }
0x220: {  	[hbm4b:s5+s19] =	stream.strided.scatter [tilespmem:s22], [sflag:$0x3], $0x400, s20, s19, $0x38;
	[tilespmem:$0x4100] =	vst v63  }
0x221: {  	p0 =	seq.s32 s2, $0xF;
	s5 =	sadd.s32 $0x80, s5  }
0x222: {  	[hbm4b:s5+s19] =	stream.strided.scatter [tilespmem:s23], [sflag:$0x3], $0x400, s20, s19, $0x38;
	[tilespmem:$0x4100] =	vst v63  }
0x223: {  	s5 =	sadd.s32 @!p0 s14, s9  }
0x224: {  	s5 =	sshll.u32 @!p0 s5, $0x9  }
0x225: {  	p1 =	seq.s32 @!p0 s2, $0x0;
	s5 =	sand.u32 @!p0 $0x1FFFFC00, s5  }
0x226: {  	p1 =	por p0, !p1;
	s6 =	simm.s32 @!p0 $0x0;
	s5 =	sadd.s32 @!p0 s1, s5  }
0x227: {  	[tilespmem:s6], [sflag:$0x1] =	stream.linear.gather @!p0 [hbm4b:s5+s6], $0x1000, $0x38;
	[tilespmem:$0x4100] =	vst v63  }
0x228: {  	_ =	swait.ge @p1 [sflag:s31], $0x1000  }
0x229: {  	[sflag:s31] =	ssyncset.done @p1 $0x0  }
0x22a: {  	[sflag:s31] =	ssyncadd.s32 @p1 $0xFFFFF000  }
0x22b: {  	_ =	swait.ge [sflag:s24], $0x1000  }
0x22c: {  	[sflag:s24] =	ssyncset.done $0x0  }
0x22d: {  	s6 =	simm.s32 $0x0;
	p1 =	por $0x1, $0x1;
	[sflag:s24] =	ssyncadd.s32 $0xFFFFF000  }
.LBB2_11:
0x22e: {  	s5 =	sshll.u32 s6, $0x8  }
0x22f: {  	s5 =	sand.u32 $0x3FFFFF00, s5  }
0x230: {  	v18 =	vld [tilespmem:s5+$0x1000];
	_ =	sdelay $0x2  }
0x231: {  	v19 =	vmov s6  }
0x232: {  	v19 =	vshrl.u32 v19, $0x3  }
0x233: {  	v20 =	vadd.s32 v2, v18;
	v18 =	vshll.u32 v19, $0xB  }
0x234: {  	v18 =	vbroadcast v18, $0x0;
	v19 =	vshll.u32 v20, $0x3  }
0x235: {  	v19 =	vand.u32 $0xFFFFFC00, v19  }
0x236: {  	v20 =	vand.u32 $0x7F, v20;
	v19 =	vadd.s32 v18, v19  }
0x237: {  	v19 =	vor.u32 v20, v19;
	_ =	sdelay $0x4  }
0x238: {  	[tilespmem:v19+s25+$0x0] =	vst.idx.add.f32.msk $0xffff, v1  }
0x239: {  	v19 =	vld [tilespmem:s5+$0x1010];
	_ =	sdelay $0x4  }
0x23a: {  	v19 =	vadd.s32 v3, v19  }
0x23b: {  	v28 =	vshll.u32 v19, $0x3  }
0x23c: {  	v20 =	vand.u32 $0xFFFFFC00, v28  }
0x23d: {  	v19 =	vand.u32 $0x7F, v19;
	v20 =	vadd.s32 v18, v20  }
0x23e: {  	v19 =	vor.u32 v19, v20;
	_ =	sdelay $0x4  }
0x23f: {  	[tilespmem:v19+s25+$0x0] =	vst.idx.add.f32.msk $0xffff, v1  }
0x240: {  	v19 =	vld [tilespmem:s5+$0x1020];
	_ =	sdelay $0x4  }
0x241: {  	v19 =	vadd.s32 v4, v19  }
0x242: {  	v29 =	vshll.u32 v19, $0x3  }
0x243: {  	v20 =	vand.u32 $0xFFFFFC00, v29  }
0x244: {  	v19 =	vand.u32 $0x7F, v19;
	v20 =	vadd.s32 v18, v20  }
0x245: {  	v19 =	vor.u32 v19, v20;
	_ =	sdelay $0x4  }
0x246: {  	[tilespmem:v19+s25+$0x0] =	vst.idx.add.f32.msk $0xffff, v1  }
0x247: {  	v19 =	vld [tilespmem:s5+$0x1030];
	_ =	sdelay $0x1  }
0x248: {  	v30 =	vld [tilespmem:s5+$0x1080];
	_ =	sdelay $0x2  }
0x249: {  	v19 =	vadd.s32 v5, v19  }
0x24a: {  	v21 =	vshll.u32 v19, $0x3  }
0x24b: {  	v20 =	vadd.s32 v2, v30;
	v21 =	vand.u32 $0xFFFFFC00, v21  }
0x24c: {  	v22 =	vshll.u32 v20, $0x3;
	v19 =	vand.u32 $0x7F, v19;
	v21 =	vadd.s32 v18, v21  }
0x24d: {  	v31 =	vand.u32 $0xFFFFFC00, v22;
	v19 =	vor.u32 v19, v21  }
0x24e: {  	v20 =	vand.u32 $0x7F, v20;
	v21 =	vadd.s32 v18, v31  }
0x24f: {  	v20 =	vor.u32 v20, v21  }
0x250: {  	v20 =	vor.u32 $0x80, v20;
	_ =	sdelay $0x1  }
0x251: {  	[tilespmem:v19+s25+$0x0] =	vst.idx.add.f32.msk $0xffff, v1  }
0x252: {  	v19 =	vld [tilespmem:s5+$0x1040];
	_ =	sdelay $0x1  }
0x253: {  	[tilespmem:v20+s25+$0x0] =	vst.idx.add.f32.msk $0xffff, v1  }
0x254: {  	v20 =	vld [tilespmem:s5+$0x1090];
	_ =	sdelay $0x1  }
0x255: {  	v19 =	vadd.s32 v6, v19  }
0x256: {  	v32 =	vshll.u32 v19, $0x3  }
0x257: {  	v21 =	vand.u32 $0xFFFFFC00, v32  }
0x258: {  	v19 =	vand.u32 $0x7F, v19;
	v20 =	vadd.s32 v3, v20;
	v21 =	vadd.s32 v18, v21  }
0x259: {  	v33 =	vshll.u32 v20, $0x3;
	v19 =	vor.u32 v19, v21  }
0x25a: {  	v21 =	vand.u32 $0xFFFFFC00, v33  }
0x25b: {  	v20 =	vand.u32 $0x7F, v20;
	v21 =	vadd.s32 v18, v21  }
0x25c: {  	v20 =	vor.u32 v20, v21  }
0x25d: {  	v20 =	vor.u32 $0x80, v20  }
0x25e: {  	[tilespmem:v19+s25+$0x0] =	vst.idx.add.f32.msk $0xffff, v1  }
0x25f: {  	v19 =	vld [tilespmem:s5+$0x1050];
	_ =	sdelay $0x2  }
0x260: {  	[tilespmem:v20+s25+$0x0] =	vst.idx.add.f32.msk $0xffff, v1  }
0x261: {  	v20 =	vld [tilespmem:s5+$0x10A0]  }
0x262: {  	v19 =	vadd.s32 v7, v19  }
0x263: {  	v34 =	vshll.u32 v19, $0x3  }
0x264: {  	v21 =	vand.u32 $0xFFFFFC00, v34  }
0x265: {  	v19 =	vand.u32 $0x7F, v19;
	v21 =	vadd.s32 v18, v21  }
0x266: {  	v20 =	vadd.s32 v4, v20;
	v19 =	vor.u32 v19, v21  }
0x267: {  	v35 =	vshll.u32 v20, $0x3  }
0x268: {  	v21 =	vand.u32 $0xFFFFFC00, v35  }
0x269: {  	v37 =	vld [tilespmem:s5+$0x1100];
	v20 =	vand.u32 $0x7F, v20;
	v21 =	vadd.s32 v18, v21  }
0x26a: {  	v20 =	vor.u32 v20, v21  }
0x26b: {  	[tilespmem:v19+s25+$0x0] =	vst.idx.add.f32.msk $0xffff, v1;
	v19 =	vor.u32 $0x80, v20  }
0x26c: {  	v36 =	vld [tilespmem:s5+$0x1060];
	_ =	sdelay $0x1  }
0x26d: {  	v21 =	vadd.s32 v2, v37  }
0x26e: {  	v23 =	vshll.u32 v21, $0x3  }
0x26f: {  	v23 =	vand.u32 $0xFFFFFC00, v23;
	[tilespmem:v19+s25+$0x0] =	vst.idx.add.f32.msk $0xffff, v1  }
0x270: {  	v21 =	vand.u32 $0x7F, v21;
	v40 =	vadd.s32 v18, v23;
	v19 =	vadd.s32 v8, v36;
	v38 =	vld [tilespmem:s5+$0x10B0]  }
0x271: {  	v21 =	vor.u32 v21, v40;
	v39 =	vshll.u32 v19, $0x3  }
0x272: {  	v21 =	vor.u32 $0x100, v21;
	v22 =	vand.u32 $0xFFFFFC00, v39  }
0x273: {  	v19 =	vand.u32 $0x7F, v19;
	v22 =	vadd.s32 v18, v22  }
0x274: {  	v19 =	vor.u32 v19, v22  }
0x275: {  	v20 =	vadd.s32 v5, v38  }
0x276: {  	v41 =	vshll.u32 v20, $0x3  }
0x277: {  	[tilespmem:v21+s25+$0x0] =	vst.idx.add.f32.msk $0xffff, v1;
	v22 =	vand.u32 $0xFFFFFC00, v41  }
0x278: {  	v21 =	vld [tilespmem:s5+$0x1110];
	v20 =	vand.u32 $0x7F, v20;
	v22 =	vadd.s32 v18, v22  }
0x279: {  	[tilespmem:v19+s25+$0x0] =	vst.idx.add.f32.msk $0xffff, v1;
	v19 =	vor.u32 v20, v22  }
0x27a: {  	v19 =	vor.u32 $0x80, v19  }
0x27b: {  	v42 =	vld [tilespmem:s5+$0x1070];
	_ =	sdelay $0x1  }
0x27c: {  	v21 =	vadd.s32 v3, v21  }
0x27d: {  	v45 =	vshll.u32 v21, $0x3  }
0x27e: {  	v23 =	vand.u32 $0xFFFFFC00, v45;
	[tilespmem:v19+s25+$0x0] =	vst.idx.add.f32.msk $0xffff, v1  }
0x27f: {  	v21 =	vand.u32 $0x7F, v21;
	v46 =	vadd.s32 v18, v23;
	v19 =	vadd.s32 v9, v42;
	v43 =	vld [tilespmem:s5+$0x10C0]  }
0x280: {  	v21 =	vor.u32 v21, v46;
	v44 =	vshll.u32 v19, $0x3  }
0x281: {  	v21 =	vor.u32 $0x100, v21;
	v22 =	vand.u32 $0xFFFFFC00, v44  }
0x282: {  	v19 =	vand.u32 $0x7F, v19;
	v22 =	vadd.s32 v18, v22  }
0x283: {  	v19 =	vor.u32 v19, v22  }
0x284: {  	v20 =	vadd.s32 v6, v43  }
0x285: {  	v47 =	vshll.u32 v20, $0x3  }
0x286: {  	[tilespmem:v21+s25+$0x0] =	vst.idx.add.f32.msk $0xffff, v1;
	v22 =	vand.u32 $0xFFFFFC00, v47  }
0x287: {  	v21 =	vld [tilespmem:s5+$0x1120];
	v20 =	vand.u32 $0x7F, v20;
	v22 =	vadd.s32 v18, v22  }
0x288: {  	[tilespmem:v19+s25+$0x0] =	vst.idx.add.f32.msk $0xffff, v1;
	v19 =	vor.u32 v20, v22  }
0x289: {  	v19 =	vor.u32 $0x80, v19;
	_ =	sdelay $0x2  }
0x28a: {  	v21 =	vadd.s32 v4, v21  }
0x28b: {  	v48 =	vld [tilespmem:s5+$0x1400];
	v50 =	vshll.u32 v21, $0x3  }
0x28c: {  	v23 =	vand.u32 $0xFFFFFC00, v50;
	[tilespmem:v19+s25+$0x0] =	vst.idx.add.f32.msk $0xffff, v1  }
0x28d: {  	v21 =	vand.u32 $0x7F, v21;
	v23 =	vadd.s32 v18, v23;
	v19 =	vld [tilespmem:s5+$0x10D0]  }
0x28e: {  	v21 =	vor.u32 v21, v23  }
0x28f: {  	v21 =	vor.u32 $0x100, v21  }
0x290: {  	v20 =	vadd.s32 v10, v48  }
0x291: {  	v49 =	vshll.u32 v20, $0x3  }
0x292: {  	v22 =	vand.u32 $0xFFFFFC00, v49;
	v19 =	vadd.s32 v7, v19  }
0x293: {  	v20 =	vand.u32 $0x7F, v20;
	v22 =	vadd.s32 v18, v22;
	v51 =	vshll.u32 v19, $0x3  }
0x294: {  	v20 =	vor.u32 v20, v22;
	[tilespmem:v21+s25+$0x0] =	vst.idx.add.f32.msk $0xffff, v1;
	v22 =	vand.u32 $0xFFFFFC00, v51  }
0x295: {  	v52 =	vld [tilespmem:s5+$0x1130];
	v19 =	vand.u32 $0x7F, v19;
	v22 =	vadd.s32 v18, v22  }
0x296: {  	v19 =	vor.u32 v19, v22  }
0x297: {  	v25 =	vld [tilespmem:s5+$0x1200];
	v19 =	vor.u32 $0x80, v19  }
0x298: {  	v56 =	vld [tilespmem:s5+$0x1280]  }
0x299: {  	v27 =	vld [tilespmem:s5+$0x1300]  }
0x29a: {  	[tilespmem:v20+s25+$0x0] =	vst.idx.add.f32.msk $0xffff, v1;
	v20 =	vadd.s32 v5, v52  }
0x29b: {  	v53 =	vld [tilespmem:s5+$0x1410];
	v55 =	vshll.u32 v20, $0x3  }
0x29c: {  	v23 =	vand.u32 $0xFFFFFC00, v55;
	[tilespmem:v19+s25+$0x0] =	vst.idx.add.f32.msk $0xffff, v1  }
0x29d: {  	v20 =	vand.u32 $0x7F, v20;
	v23 =	vadd.s32 v18, v23;
	v19 =	vld [tilespmem:s5+$0x1180]  }
0x29e: {  	v20 =	vor.u32 v20, v23  }
0x29f: {  	v25 =	vadd.s32 v2, v25;
	v20 =	vor.u32 $0x100, v20;
	v54 =	vld [tilespmem:s5+$0x10E0]  }
0x2a0: {  	v58 =	vshll.u32 v25, $0x3;
	v59 =	vand.u32 $0x7F, v25;
	v21 =	vadd.s32 v11, v53  }
0x2a1: {  	v31 =	vadd.s32 v2, v27;
	v24 =	vand.u32 $0x7F, v21;
	v21 =	vshll.u32 v21, $0x3  }
0x2a2: {  	v23 =	vadd.s32 v2, v56;
	v21 =	vand.u32 $0xFFFFFC00, v21;
	v19 =	vadd.s32 v2, v19  }
0x2a3: {  	v61 =	vshll.u32 v23, $0x3;
	v21 =	vadd.s32 v18, v21;
	v26 =	vshll.u32 v19, $0x3  }
0x2a4: {  	[tilespmem:v20+s25+$0x0] =	vst.idx.add.f32.msk $0xffff, v1;
	v22 =	vadd.s32 v8, v54;
	v19 =	vand.u32 $0x7F, v19;
	v26 =	vand.u32 $0xFFFFFC00, v26  }
0x2a5: {  	v28 =	vld [tilespmem:s5+$0x1140];
	v57 =	vand.u32 $0x7F, v22;
	v22 =	vshll.u32 v22, $0x3;
	v26 =	vadd.s32 v18, v26  }
0x2a6: {  	v21 =	vor.u32 v24, v21;
	v22 =	vand.u32 $0xFFFFFC00, v22;
	v19 =	vor.u32 v19, v26  }
0x2a7: {  	v63 =	vld [tilespmem:s5+$0x1380];
	v26 =	vand.u32 $0xFFFFFC00, v58;
	v22 =	vadd.s32 v18, v22;
	v19 =	vor.u32 $0x180, v19  }
0x2a8: {  	v23 =	vand.u32 $0x7F, v23;
	v60 =	vadd.s32 v18, v26;
	v22 =	vor.u32 v57, v22  }
0x2a9: {  	v62 =	vand.u32 $0xFFFFFC00, v61;
	v20 =	vor.u32 v59, v60;
	v22 =	vor.u32 $0x80, v22  }
0x2aa: {  	v25 =	vadd.s32 v18, v62;
	v36 =	vadd.s32 v6, v28;
	v20 =	vor.u32 $0x200, v20  }
0x2ab: {  	v32 =	vshll.u32 v31, $0x3;
	v23 =	vor.u32 v23, v25;
	[tilespmem:v21+s25+$0x0] =	vst.idx.add.f32.msk $0xffff, v1;
	v26 =	vshll.u32 v36, $0x3  }
0x2ac: {  	v35 =	vadd.s32 v2, v63;
	v41 =	vand.u32 $0xFFFFFC00, v26;
	[tilespmem:v19+s25+$0x0] =	vst.idx.add.f32.msk $0xffff, v1;
	v19 =	vor.u32 $0x280, v23  }
0x2ad: {  	v39 =	vand.u32 $0x7F, v36;
	v25 =	vadd.s32 v18, v41;
	v23 =	vand.u32 $0xFFFFFC00, v32;
	v33 =	vld [tilespmem:s5+$0x1190]  }
0x2ae: {  	v34 =	vand.u32 $0x7F, v31;
	v45 =	vor.u32 v39, v25;
	v23 =	vadd.s32 v18, v23;
	[tilespmem:v22+s25+$0x0] =	vst.idx.add.f32.msk $0xffff, v1  }
0x2af: {  	v38 =	vshll.u32 v35, $0x3;
	v48 =	vor.u32 $0x100, v45;
	[tilespmem:v20+s25+$0x0] =	vst.idx.add.f32.msk $0xffff, v1;
	v37 =	vor.u32 v34, v23  }
0x2b0: {  	v21 =	vand.u32 $0xFFFFFC00, v38;
	v40 =	vld [tilespmem:s5+$0x1210];
	v20 =	vor.u32 $0x300, v37  }
0x2b1: {  	v21 =	vadd.s32 v18, v21;
	[tilespmem:v19+s25+$0x0] =	vst.idx.add.f32.msk $0xffff, v1;
	v19 =	vand.u32 $0x7F, v35  }
0x2b2: {  	v24 =	vadd.s32 v3, v33;
	v42 =	vld [tilespmem:s5+$0x1290];
	v19 =	vor.u32 v19, v21  }
0x2b3: {  	v52 =	vld [tilespmem:s5+$0x10F0];
	v44 =	vshll.u32 v24, $0x3;
	v19 =	vor.u32 $0x380, v19  }
0x2b4: {  	[tilespmem:v48+s25+$0x0] =	vst.idx.add.f32.msk $0xffff, v1;
	v46 =	vand.u32 $0xFFFFFC00, v44  }
0x2b5: {  	v24 =	vand.u32 $0x7F, v24;
	v47 =	vadd.s32 v3, v40;
	[tilespmem:v20+s25+$0x0] =	vst.idx.add.f32.msk $0xffff, v1;
	v23 =	vadd.s32 v18, v46  }
0x2b6: {  	v50 =	vshll.u32 v47, $0x3;
	v51 =	vld [tilespmem:s5+$0x1310];
	v49 =	vor.u32 v24, v23  }
0x2b7: {  	v63 =	vld [tilespmem:s5+$0x1150];
	v23 =	vand.u32 $0xFFFFFC00, v50;
	v22 =	vor.u32 $0x180, v49;
	v26 =	vadd.s32 v3, v42  }
0x2b8: {  	v25 =	vand.u32 $0x7F, v47;
	v23 =	vadd.s32 v18, v23;
	v53 =	vshll.u32 v26, $0x3;
	[tilespmem:v19+s25+$0x0] =	vst.idx.add.f32.msk $0xffff, v1  }
0x2b9: {  	v54 =	vor.u32 v25, v23;
	v55 =	vand.u32 $0xFFFFFC00, v53;
	v56 =	vld [tilespmem:s5+$0x1390]  }
0x2ba: {  	v26 =	vand.u32 $0x7F, v26;
	v21 =	vor.u32 $0x200, v54;
	v23 =	vadd.s32 v18, v55  }
0x2bb: {  	v61 =	vadd.s32 v9, v52;
	v58 =	vadd.s32 v3, v51;
	v57 =	vor.u32 v26, v23  }
0x2bc: {  	v29 =	vand.u32 $0x7F, v61;
	v60 =	vshll.u32 v58, $0x3;
	[tilespmem:v22+s25+$0x0] =	vst.idx.add.f32.msk $0xffff, v1;
	v20 =	vor.u32 $0x280, v57  }
0x2bd: {  	v34 =	vshll.u32 v61, $0x3;
	v28 =	vadd.s32 v7, v63;
	v22 =	vand.u32 $0xFFFFFC00, v60;
	v62 =	vld [tilespmem:s5+$0x11A0]  }
0x2be: {  	v43 =	vld [tilespmem:s5+$0x1420];
	v23 =	vand.u32 $0x7F, v58;
	v22 =	vadd.s32 v18, v22;
	v25 =	vadd.s32 v3, v56  }
0x2bf: {  	v41 =	vand.u32 $0x7F, v28;
	[tilespmem:v21+s25+$0x0] =	vst.idx.add.f32.msk $0xffff, v1;
	v32 =	vor.u32 v23, v22;
	v33 =	vshll.u32 v25, $0x3  }
0x2c0: {  	v28 =	vshll.u32 v28, $0x3;
	v35 =	vld [tilespmem:s5+$0x1220];
	v21 =	vor.u32 $0x300, v32;
	v22 =	vand.u32 $0xFFFFFC00, v33  }
0x2c1: {  	v23 =	vand.u32 $0xFFFFFC00, v34;
	v36 =	vand.u32 $0x7F, v25;
	[tilespmem:v20+s25+$0x0] =	vst.idx.add.f32.msk $0xffff, v1;
	v22 =	vadd.s32 v18, v22  }
0x2c2: {  	v23 =	vadd.s32 v18, v23;
	v37 =	vadd.s32 v4, v62;
	v38 =	vld [tilespmem:s5+$0x12A0];
	v20 =	vor.u32 v36, v22  }
0x2c3: {  	v39 =	vor.u32 v29, v23;
	v40 =	vshll.u32 v37, $0x3;
	v20 =	vor.u32 $0x380, v20  }
0x2c4: {  	v19 =	vadd.s32 v12, v43;
	v22 =	vor.u32 $0x80, v39;
	v23 =	vand.u32 $0xFFFFFC00, v40  }
0x2c5: {  	v25 =	vand.u32 $0x7F, v37;
	v26 =	vadd.s32 v4, v35;
	[tilespmem:v21+s25+$0x0] =	vst.idx.add.f32.msk $0xffff, v1;
	v23 =	vadd.s32 v18, v23  }
0x2c6: {  	v28 =	vand.u32 $0xFFFFFC00, v28;
	v42 =	vshll.u32 v26, $0x3;
	v43 =	vld [tilespmem:s5+$0x1320];
	v23 =	vor.u32 v25, v23  }
0x2c7: {  	v25 =	vand.u32 $0xFFFFFC00, v42;
	v23 =	vor.u32 $0x180, v23;
	v27 =	vadd.s32 v4, v38  }
0x2c8: {  	v26 =	vand.u32 $0x7F, v26;
	v25 =	vadd.s32 v18, v25;
	[tilespmem:v20+s25+$0x0] =	vst.idx.add.f32.msk $0xffff, v1;
	v44 =	vshll.u32 v27, $0x3  }
0x2c9: {  	v59 =	vand.u32 $0x7F, v19;
	v25 =	vor.u32 v26, v25;
	v20 =	vand.u32 $0xFFFFFC00, v44;
	v45 =	vld [tilespmem:s5+$0x13A0]  }
0x2ca: {  	[tilespmem:v22+s25+$0x0] =	vst.idx.add.f32.msk $0xffff, v1;
	v47 =	vand.u32 $0x7F, v27;
	v46 =	vor.u32 $0x200, v25;
	v20 =	vadd.s32 v18, v20  }
0x2cb: {  	v28 =	vadd.s32 v18, v28;
	v48 =	vld [tilespmem:s5+$0x1480];
	v49 =	vadd.s32 v4, v43;
	v20 =	vor.u32 v47, v20  }
0x2cc: {  	v21 =	vor.u32 v41, v28;
	v50 =	vshll.u32 v49, $0x3;
	[tilespmem:v23+s25+$0x0] =	vst.idx.add.f32.msk $0xffff, v1;
	v20 =	vor.u32 $0x280, v20  }
0x2cd: {  	v19 =	vshll.u32 v19, $0x3;
	v21 =	vor.u32 $0x100, v21;
	v23 =	vand.u32 $0xFFFFFC00, v50;
	v51 =	vld [tilespmem:s5+$0x11B0]  }
0x2ce: {  	v25 =	vand.u32 $0x7F, v49;
	v23 =	vadd.s32 v18, v23;
	v26 =	vadd.s32 v4, v45  }
0x2cf: {  	v19 =	vand.u32 $0xFFFFFC00, v19;
	[tilespmem:v46+s25+$0x0] =	vst.idx.add.f32.msk $0xffff, v1;
	v52 =	vor.u32 v25, v23;
	v53 =	vshll.u32 v26, $0x3  }
0x2d0: {  	v19 =	vadd.s32 v18, v19;
	v54 =	vld [tilespmem:s5+$0x1230];
	v22 =	vor.u32 $0x300, v52;
	v23 =	vand.u32 $0xFFFFFC00, v53  }
0x2d1: {  	v19 =	vor.u32 v59, v19;
	v55 =	vand.u32 $0x7F, v26;
	[tilespmem:v20+s25+$0x0] =	vst.idx.add.f32.msk $0xffff, v1;
	v23 =	vadd.s32 v18, v23  }
0x2d2: {  	v56 =	vadd.s32 v10, v48;
	v57 =	vadd.s32 v5, v51;
	v58 =	vld [tilespmem:s5+$0x12B0];
	v20 =	vor.u32 v55, v23  }
0x2d3: {  	[tilespmem:v21+s25+$0x0] =	vst.idx.add.f32.msk $0xffff, v1;
	v59 =	vshll.u32 v56, $0x3;
	v28 =	vshll.u32 v57, $0x3;
	v20 =	vor.u32 $0x380, v20  }
0x2d4: {  	v32 =	vld [tilespmem:s5+$0x1160];
	v24 =	vand.u32 $0x7F, v56;
	v23 =	vand.u32 $0xFFFFFC00, v59;
	v60 =	vand.u32 $0xFFFFFC00, v28  }
0x2d5: {  	v26 =	vand.u32 $0x7F, v57;
	v25 =	vadd.s32 v5, v54;
	[tilespmem:v22+s25+$0x0] =	vst.idx.add.f32.msk $0xffff, v1;
	v21 =	vadd.s32 v18, v60  }
0x2d6: {  	v61 =	vadd.s32 v18, v23;
	v62 =	vshll.u32 v25, $0x3;
	v63 =	vld [tilespmem:s5+$0x1330];
	v21 =	vor.u32 v26, v21  }
0x2d7: {  	v23 =	vand.u32 $0xFFFFFC00, v62;
	v21 =	vor.u32 $0x180, v21;
	v27 =	vadd.s32 v5, v58  }
0x2d8: {  	v25 =	vand.u32 $0x7F, v25;
	v23 =	vadd.s32 v18, v23;
	v33 =	vshll.u32 v27, $0x3;
	[tilespmem:v20+s25+$0x0] =	vst.idx.add.f32.msk $0xffff, v1  }
0x2d9: {  	v41 =	vadd.s32 v8, v32;
	v35 =	vor.u32 v25, v23;
	v36 =	vand.u32 $0xFFFFFC00, v33;
	v37 =	vld [tilespmem:s5+$0x13B0]  }
0x2da: {  	v38 =	vand.u32 $0x7F, v27;
	v22 =	vor.u32 $0x200, v35;
	v23 =	vadd.s32 v18, v36  }
0x2db: {  	[tilespmem:v19+s25+$0x0] =	vst.idx.add.f32.msk $0xffff, v1;
	v43 =	vand.u32 $0x7F, v41;
	v40 =	vadd.s32 v5, v63;
	v39 =	vor.u32 v38, v23  }
0x2dc: {  	v34 =	vor.u32 v24, v61;
	v42 =	vshll.u32 v40, $0x3;
	[tilespmem:v21+s25+$0x0] =	vst.idx.add.f32.msk $0xffff, v1;
	v20 =	vor.u32 $0x280, v39  }
0x2dd: {  	v19 =	vor.u32 $0x80, v34;
	v25 =	vshll.u32 v41, $0x3;
	v21 =	vand.u32 $0xFFFFFC00, v42;
	v44 =	vld [tilespmem:s5+$0x11C0]  }
0x2de: {  	v45 =	vld [tilespmem:s5+$0x1430];
	v23 =	vand.u32 $0x7F, v40;
	v21 =	vadd.s32 v18, v21;
	v24 =	vadd.s32 v5, v37  }
0x2df: {  	v25 =	vand.u32 $0xFFFFFC00, v25;
	[tilespmem:v22+s25+$0x0] =	vst.idx.add.f32.msk $0xffff, v1;
	v21 =	vor.u32 v23, v21;
	v46 =	vshll.u32 v24, $0x3  }
0x2e0: {  	v47 =	vadd.s32 v18, v25;
	v48 =	vld [tilespmem:s5+$0x1240];
	v21 =	vor.u32 $0x300, v21;
	v22 =	vand.u32 $0xFFFFFC00, v46  }
0x2e1: {  	v23 =	vor.u32 v43, v47;
	v49 =	vand.u32 $0x7F, v24;
	[tilespmem:v20+s25+$0x0] =	vst.idx.add.f32.msk $0xffff, v1;
	v22 =	vadd.s32 v18, v22  }
0x2e2: {  	v23 =	vor.u32 $0x100, v23;
	v50 =	vadd.s32 v6, v44;
	v51 =	vld [tilespmem:s5+$0x12C0];
	v20 =	vor.u32 v49, v22  }
0x2e3: {  	v52 =	vadd.s32 v13, v45;
	[tilespmem:v19+s25+$0x0] =	vst.idx.add.f32.msk $0xffff, v1;
	v19 =	vshll.u32 v50, $0x3;
	v20 =	vor.u32 $0x380, v20  }
0x2e4: {  	v54 =	vand.u32 $0x7F, v52;
	v53 =	vld [tilespmem:s5+$0x1490];
	v19 =	vand.u32 $0xFFFFFC00, v19  }
0x2e5: {  	v24 =	vand.u32 $0x7F, v50;
	v25 =	vadd.s32 v6, v48;
	[tilespmem:v21+s25+$0x0] =	vst.idx.add.f32.msk $0xffff, v1;
	v19 =	vadd.s32 v18, v19  }
0x2e6: {  	v59 =	vshll.u32 v52, $0x3;
	v55 =	vshll.u32 v25, $0x3;
	v56 =	vld [tilespmem:s5+$0x1340];
	v19 =	vor.u32 v24, v19  }
0x2e7: {  	[tilespmem:v23+s25+$0x0] =	vst.idx.add.f32.msk $0xffff, v1;
	v57 =	vand.u32 $0xFFFFFC00, v55;
	v19 =	vor.u32 $0x180, v19;
	v58 =	vadd.s32 v6, v51  }
0x2e8: {  	v25 =	vand.u32 $0x7F, v25;
	v23 =	vadd.s32 v18, v57;
	v26 =	vshll.u32 v58, $0x3;
	[tilespmem:v20+s25+$0x0] =	vst.idx.add.f32.msk $0xffff, v1  }
0x2e9: {  	v32 =	vadd.s32 v11, v53;
	v60 =	vor.u32 v25, v23;
	v61 =	vand.u32 $0xFFFFFC00, v26;
	v62 =	vld [tilespmem:s5+$0x13C0]  }
0x2ea: {  	v63 =	vld [tilespmem:s5+$0x1170];
	v24 =	vand.u32 $0x7F, v58;
	v22 =	vor.u32 $0x200, v60;
	v23 =	vadd.s32 v18, v61  }
0x2eb: {  	v20 =	vand.u32 $0xFFFFFC00, v59;
	v30 =	vadd.s32 v6, v56;
	v23 =	vor.u32 v24, v23  }
0x2ec: {  	v20 =	vadd.s32 v18, v20;
	v31 =	vshll.u32 v30, $0x3;
	[tilespmem:v19+s25+$0x0] =	vst.idx.add.f32.msk $0xffff, v1;
	v19 =	vor.u32 $0x280, v23  }
0x2ed: {  	v43 =	vand.u32 $0x7F, v32;
	v20 =	vor.u32 v54, v20;
	v23 =	vand.u32 $0xFFFFFC00, v31;
	v33 =	vld [tilespmem:s5+$0x11D0]  }
0x2ee: {  	v24 =	vand.u32 $0x7F, v30;
	v23 =	vadd.s32 v18, v23;
	v25 =	vadd.s32 v6, v62  }
0x2ef: {  	v26 =	vadd.s32 v9, v63;
	[tilespmem:v22+s25+$0x0] =	vst.idx.add.f32.msk $0xffff, v1;
	v34 =	vor.u32 v24, v23;
	v35 =	vshll.u32 v25, $0x3  }
0x2f0: {  	v36 =	vand.u32 $0x7F, v26;
	v37 =	vld [tilespmem:s5+$0x1250];
	v22 =	vor.u32 $0x300, v34;
	v23 =	vand.u32 $0xFFFFFC00, v35  }
0x2f1: {  	v26 =	vshll.u32 v26, $0x3;
	[tilespmem:v19+s25+$0x0] =	vst.idx.add.f32.msk $0xffff, v1;
	v19 =	vand.u32 $0x7F, v25;
	v23 =	vadd.s32 v18, v23  }
0x2f2: {  	v38 =	vand.u32 $0xFFFFFC00, v26;
	v39 =	vadd.s32 v7, v33;
	v40 =	vld [tilespmem:s5+$0x12D0];
	v19 =	vor.u32 v19, v23  }
0x2f3: {  	v41 =	vadd.s32 v18, v38;
	v42 =	vshll.u32 v39, $0x3;
	v19 =	vor.u32 $0x380, v19  }
0x2f4: {  	[tilespmem:v20+s25+$0x0] =	vst.idx.add.f32.msk $0xffff, v1;
	v23 =	vor.u32 v36, v41;
	v45 =	vand.u32 $0x7F, v39;
	v44 =	vand.u32 $0xFFFFFC00, v42  }
0x2f5: {  	v47 =	vor.u32 $0x100, v23;
	v46 =	vadd.s32 v7, v37;
	[tilespmem:v22+s25+$0x0] =	vst.idx.add.f32.msk $0xffff, v1;
	v24 =	vadd.s32 v18, v44  }
0x2f6: {  	v49 =	vshll.u32 v46, $0x3;
	v50 =	vld [tilespmem:s5+$0x1350];
	v26 =	vand.u32 $0x7F, v46;
	v48 =	vor.u32 v45, v24  }
0x2f7: {  	v57 =	vld [tilespmem:s5+$0x1440];
	v52 =	vand.u32 $0xFFFFFC00, v49;
	v51 =	vor.u32 $0x180, v48;
	v53 =	vadd.s32 v7, v40  }
0x2f8: {  	v23 =	vadd.s32 v18, v52;
	v27 =	vshll.u32 v53, $0x3;
	[tilespmem:v19+s25+$0x0] =	vst.idx.add.f32.msk $0xffff, v1;
	v19 =	vshll.u32 v32, $0x3  }
0x2f9: {  	v54 =	vor.u32 v26, v23;
	v24 =	vand.u32 $0x7F, v53;
	v55 =	vand.u32 $0xFFFFFC00, v27;
	v56 =	vld [tilespmem:s5+$0x13D0]  }
0x2fa: {  	[tilespmem:v47+s25+$0x0] =	vst.idx.add.f32.msk $0xffff, v1;
	v21 =	vor.u32 $0x200, v54;
	v19 =	vand.u32 $0xFFFFFC00, v19;
	v23 =	vadd.s32 v18, v55  }
0x2fb: {  	v63 =	vld [tilespmem:s5+$0x1500];
	v59 =	vadd.s32 v7, v50;
	v19 =	vadd.s32 v18, v19;
	v58 =	vor.u32 v24, v23  }
0x2fc: {  	v61 =	vshll.u32 v59, $0x3;
	v19 =	vor.u32 v43, v19;
	[tilespmem:v51+s25+$0x0] =	vst.idx.add.f32.msk $0xffff, v1;
	v60 =	vor.u32 $0x280, v58  }
0x2fd: {  	v22 =	vand.u32 $0xFFFFFC00, v61;
	v19 =	vor.u32 $0x80, v19;
	v62 =	vld [tilespmem:s5+$0x11E0]  }
0x2fe: {  	v23 =	vand.u32 $0x7F, v59;
	v22 =	vadd.s32 v18, v22;
	v26 =	vadd.s32 v7, v56  }
0x2ff: {  	[tilespmem:v21+s25+$0x0] =	vst.idx.add.f32.msk $0xffff, v1;
	v31 =	vor.u32 v23, v22;
	v32 =	vshll.u32 v26, $0x3  }
0x300: {  	v27 =	vadd.s32 v14, v57;
	v33 =	vld [tilespmem:s5+$0x1260];
	v21 =	vor.u32 $0x300, v31;
	v22 =	vand.u32 $0xFFFFFC00, v32  }
0x301: {  	v35 =	vand.u32 $0x7F, v27;
	v37 =	vshll.u32 v27, $0x3;
	[tilespmem:v60+s25+$0x0] =	vst.idx.add.f32.msk $0xffff, v1;
	v22 =	vadd.s32 v18, v22  }
0x302: {  	v34 =	vand.u32 $0x7F, v26;
	[tilespmem:v19+s25+$0x0] =	vst.idx.add.f32.msk $0xffff, v1;
	v19 =	vadd.s32 v10, v63;
	v24 =	vadd.s32 v8, v62  }
0x303: {  	v36 =	vld [tilespmem:s5+$0x12E0];
	v20 =	vor.u32 v34, v22;
	v40 =	vand.u32 $0x7F, v19;
	v19 =	vshll.u32 v19, $0x3  }
0x304: {  	v38 =	vshll.u32 v24, $0x3;
	v20 =	vor.u32 $0x380, v20;
	v19 =	vand.u32 $0xFFFFFC00, v19  }
0x305: {  	v24 =	vand.u32 $0x7F, v24;
	v39 =	vand.u32 $0xFFFFFC00, v38;
	[tilespmem:v21+s25+$0x0] =	vst.idx.add.f32.msk $0xffff, v1;
	v19 =	vadd.s32 v18, v19  }
0x306: {  	v23 =	vadd.s32 v8, v33;
	v25 =	vadd.s32 v18, v39;
	v42 =	vld [tilespmem:s5+$0x1360];
	v19 =	vor.u32 v40, v19  }
0x307: {  	v41 =	vshll.u32 v23, $0x3;
	v24 =	vor.u32 v24, v25;
	v19 =	vor.u32 $0x100, v19  }
0x308: {  	v25 =	vand.u32 $0xFFFFFC00, v41;
	v24 =	vor.u32 $0x180, v24;
	v28 =	vadd.s32 v8, v36  }
0x309: {  	v23 =	vand.u32 $0x7F, v23;
	v25 =	vadd.s32 v18, v25;
	[tilespmem:v20+s25+$0x0] =	vst.idx.add.f32.msk $0xffff, v1;
	v44 =	vshll.u32 v28, $0x3  }
0x30a: {  	v23 =	vor.u32 v23, v25;
	v28 =	vand.u32 $0x7F, v28;
	v20 =	vand.u32 $0xFFFFFC00, v44;
	v45 =	vld [tilespmem:s5+$0x13E0]  }
0x30b: {  	v43 =	vld [tilespmem:s5+$0x14A0];
	v23 =	vor.u32 $0x200, v23;
	v20 =	vadd.s32 v18, v20;
	v27 =	vadd.s32 v8, v42  }
0x30c: {  	v20 =	vor.u32 v28, v20;
	v46 =	vshll.u32 v27, $0x3;
	[tilespmem:v19+s25+$0x0] =	vst.idx.add.f32.msk $0xffff, v1  }
0x30d: {  	[tilespmem:v24+s25+$0x0] =	vst.idx.add.f32.msk $0xffff, v1;
	v20 =	vor.u32 $0x280, v20;
	v24 =	vand.u32 $0xFFFFFC00, v46  }
0x30e: {  	v22 =	vand.u32 $0xFFFFFC00, v37;
	v27 =	vand.u32 $0x7F, v27;
	v48 =	vld [tilespmem:s5+$0x11F0];
	v24 =	vadd.s32 v18, v24  }
0x30f: {  	v22 =	vadd.s32 v18, v22;
	v62 =	vld [tilespmem:s5+$0x1510];
	v25 =	vadd.s32 v8, v45;
	v49 =	vor.u32 v27, v24  }
0x310: {  	v47 =	vadd.s32 v12, v43;
	[tilespmem:v23+s25+$0x0] =	vst.idx.add.f32.msk $0xffff, v1;
	v50 =	vshll.u32 v25, $0x3;
	v23 =	vor.u32 $0x300, v49  }
0x311: {  	v32 =	vor.u32 v35, v22;
	v51 =	vand.u32 $0x7F, v47;
	v52 =	vld [tilespmem:s5+$0x1270];
	v24 =	vand.u32 $0xFFFFFC00, v50  }
0x312: {  	v28 =	vshll.u32 v47, $0x3;
	v53 =	vand.u32 $0x7F, v25;
	[tilespmem:v20+s25+$0x0] =	vst.idx.add.f32.msk $0xffff, v1;
	v24 =	vadd.s32 v18, v24  }
0x313: {  	v54 =	vand.u32 $0xFFFFFC00, v28;
	v21 =	vadd.s32 v9, v48;
	v55 =	vld [tilespmem:s5+$0x12F0];
	v20 =	vor.u32 v53, v24  }
0x314: {  	v56 =	vadd.s32 v18, v54;
	v57 =	vshll.u32 v21, $0x3;
	v20 =	vor.u32 $0x380, v20  }
0x315: {  	v37 =	vadd.s32 v11, v62;
	v24 =	vor.u32 v51, v56;
	v19 =	vand.u32 $0xFFFFFC00, v57;
	[tilespmem:v23+s25+$0x0] =	vst.idx.add.f32.msk $0xffff, v1  }
0x316: {  	v21 =	vand.u32 $0x7F, v21;
	v58 =	vadd.s32 v9, v52;
	v19 =	vadd.s32 v18, v19;
	v61 =	vld [tilespmem:s5+$0x1370]  }
0x317: {  	v59 =	vor.u32 $0x80, v24;
	v60 =	vshll.u32 v58, $0x3;
	v19 =	vor.u32 v21, v19  }
0x318: {  	v21 =	vand.u32 $0xFFFFFC00, v60;
	v19 =	vor.u32 $0x180, v19;
	v28 =	vadd.s32 v9, v55  }
0x319: {  	v25 =	vand.u32 $0x7F, v58;
	v21 =	vadd.s32 v18, v21;
	v63 =	vshll.u32 v28, $0x3;
	[tilespmem:v20+s25+$0x0] =	vst.idx.add.f32.msk $0xffff, v1  }
0x31a: {  	v21 =	vor.u32 v25, v21;
	v35 =	vand.u32 $0x7F, v28;
	v33 =	vand.u32 $0xFFFFFC00, v63;
	v34 =	vld [tilespmem:s5+$0x13F0]  }
0x31b: {  	v21 =	vor.u32 $0x200, v21;
	v22 =	vadd.s32 v18, v33;
	v36 =	vadd.s32 v9, v61  }
0x31c: {  	v39 =	vand.u32 $0x7F, v37;
	[tilespmem:v59+s25+$0x0] =	vst.idx.add.f32.msk $0xffff, v1;
	v22 =	vor.u32 v35, v22;
	v38 =	vshll.u32 v36, $0x3  }
0x31d: {  	v24 =	vshll.u32 v37, $0x3;
	[tilespmem:v19+s25+$0x0] =	vst.idx.add.f32.msk $0xffff, v1;
	v19 =	vor.u32 $0x280, v22;
	v22 =	vand.u32 $0xFFFFFC00, v38  }
0x31e: {  	v24 =	vand.u32 $0xFFFFFC00, v24;
	v41 =	vld [tilespmem:s5+$0x14B0];
	v23 =	vand.u32 $0x7F, v36;
	v22 =	vadd.s32 v18, v22  }
0x31f: {  	v44 =	vadd.s32 v18, v24;
	v40 =	vld [tilespmem:s5+$0x1580];
	v25 =	vadd.s32 v9, v34;
	v42 =	vor.u32 v23, v22  }
0x320: {  	[tilespmem:v21+s25+$0x0] =	vst.idx.add.f32.msk $0xffff, v1;
	v23 =	vor.u32 v39, v44;
	v43 =	vshll.u32 v25, $0x3;
	v21 =	vor.u32 $0x300, v42  }
0x321: {  	v45 =	vld [tilespmem:s5+$0x1600];
	v23 =	vor.u32 $0x100, v23;
	v22 =	vand.u32 $0xFFFFFC00, v43  }
0x322: {  	[tilespmem:v19+s25+$0x0] =	vst.idx.add.f32.msk $0xffff, v1;
	v19 =	vand.u32 $0x7F, v25;
	v22 =	vadd.s32 v18, v22  }
0x323: {  	v47 =	vld [tilespmem:s5+$0x1680];
	v19 =	vor.u32 v19, v22  }
0x324: {  	v48 =	vadd.s32 v13, v41;
	v46 =	vadd.s32 v10, v40;
	v19 =	vor.u32 $0x380, v19  }
0x325: {  	v28 =	vand.u32 $0x7F, v48;
	v20 =	vshll.u32 v48, $0x3;
	v49 =	vshll.u32 v46, $0x3;
	[tilespmem:v21+s25+$0x0] =	vst.idx.add.f32.msk $0xffff, v1  }
0x326: {  	v25 =	vand.u32 $0x7F, v46;
	v22 =	vand.u32 $0xFFFFFC00, v49;
	v24 =	vadd.s32 v10, v45;
	[tilespmem:v23+s25+$0x0] =	vst.idx.add.f32.msk $0xffff, v1  }
0x327: {  	v22 =	vadd.s32 v18, v22;
	v52 =	vshll.u32 v24, $0x3;
	v53 =	vld [tilespmem:s5+$0x1700];
	v24 =	vand.u32 $0x7F, v24  }
0x328: {  	v58 =	vld [tilespmem:s5+$0x1520];
	v51 =	vor.u32 v25, v22;
	v22 =	vand.u32 $0xFFFFFC00, v52;
	v54 =	vadd.s32 v10, v47  }
0x329: {  	v21 =	vor.u32 $0x180, v51;
	v22 =	vadd.s32 v18, v22;
	v26 =	vshll.u32 v54, $0x3;
	[tilespmem:v19+s25+$0x0] =	vst.idx.add.f32.msk $0xffff, v1  }
0x32a: {  	v19 =	vand.u32 $0xFFFFFC00, v20;
	v55 =	vor.u32 v24, v22;
	v56 =	vand.u32 $0xFFFFFC00, v26;
	v57 =	vld [tilespmem:s5+$0x1780]  }
0x32b: {  	[tilespmem:v32+s25+$0x0] =	vst.idx.add.f32.msk $0xffff, v1;
	v23 =	vand.u32 $0x7F, v54;
	v20 =	vor.u32 $0x200, v55;
	v22 =	vadd.s32 v18, v56  }
0x32c: {  	v19 =	vadd.s32 v18, v19;
	v59 =	vadd.s32 v10, v53;
	v22 =	vor.u32 v23, v22  }
0x32d: {  	v50 =	vld [tilespmem:s5+$0x1450];
	v19 =	vor.u32 v28, v19;
	v26 =	vadd.s32 v12, v58;
	v60 =	vor.u32 $0x280, v22  }
0x32e: {  	v61 =	vshll.u32 v59, $0x3;
	v19 =	vor.u32 $0x80, v19;
	v23 =	vand.u32 $0x7F, v59;
	[tilespmem:v21+s25+$0x0] =	vst.idx.add.f32.msk $0xffff, v1  }
0x32f: {  	v34 =	vand.u32 $0x7F, v26;
	v22 =	vand.u32 $0xFFFFFC00, v61;
	v63 =	vld [tilespmem:s5+$0x1590];
	v24 =	vadd.s32 v10, v57  }
0x330: {  	v26 =	vshll.u32 v26, $0x3;
	v22 =	vadd.s32 v18, v22;
	[tilespmem:v20+s25+$0x0] =	vst.idx.add.f32.msk $0xffff, v1;
	v33 =	vshll.u32 v24, $0x3  }
0x331: {  	v37 =	vand.u32 $0xFFFFFC00, v26;
	v32 =	vor.u32 v23, v22;
	v35 =	vld [tilespmem:s5+$0x1610];
	v22 =	vand.u32 $0xFFFFFC00, v33  }
0x332: {  	v20 =	vor.u32 $0x300, v32;
	v36 =	vand.u32 $0x7F, v24;
	[tilespmem:v60+s25+$0x0] =	vst.idx.add.f32.msk $0xffff, v1;
	v22 =	vadd.s32 v18, v22  }
0x333: {  	v40 =	vadd.s32 v18, v37;
	v39 =	vld [tilespmem:s5+$0x1690];
	v21 =	vor.u32 v36, v22  }
0x334: {  	[tilespmem:v19+s25+$0x0] =	vst.idx.add.f32.msk $0xffff, v1;
	v19 =	vor.u32 v34, v40;
	v38 =	vadd.s32 v11, v63;
	v21 =	vor.u32 $0x380, v21  }
0x335: {  	v62 =	vadd.s32 v15, v50;
	v19 =	vor.u32 $0x100, v19;
	v41 =	vshll.u32 v38, $0x3  }
0x336: {  	v49 =	vld [tilespmem:s5+$0x14C0];
	v44 =	vand.u32 $0x7F, v38;
	v43 =	vand.u32 $0xFFFFFC00, v41;
	v45 =	vadd.s32 v11, v35  }
0x337: {  	[tilespmem:v20+s25+$0x0] =	vst.idx.add.f32.msk $0xffff, v1;
	v22 =	vadd.s32 v18, v43;
	v47 =	vshll.u32 v45, $0x3;
	v24 =	vand.u32 $0x7F, v45  }
0x338: {  	v48 =	vld [tilespmem:s5+$0x1710];
	v46 =	vor.u32 v44, v22;
	v22 =	vand.u32 $0xFFFFFC00, v47;
	v27 =	vadd.s32 v11, v39  }
0x339: {  	v20 =	vor.u32 $0x180, v46;
	v22 =	vadd.s32 v18, v22;
	v50 =	vshll.u32 v27, $0x3;
	[tilespmem:v21+s25+$0x0] =	vst.idx.add.f32.msk $0xffff, v1  }
0x33a: {  	v22 =	vor.u32 v24, v22;
	v52 =	vand.u32 $0xFFFFFC00, v50;
	v53 =	vld [tilespmem:s5+$0x1790]  }
0x33b: {  	v27 =	vand.u32 $0x7F, v27;
	v22 =	vor.u32 $0x200, v22;
	v24 =	vadd.s32 v18, v52  }
0x33c: {  	v42 =	vand.u32 $0x7F, v62;
	v51 =	vshll.u32 v62, $0x3;
	[tilespmem:v19+s25+$0x0] =	vst.idx.add.f32.msk $0xffff, v1;
	v19 =	vor.u32 v27, v24  }
0x33d: {  	v55 =	vadd.s32 v14, v49;
	v57 =	vld [tilespmem:s5+$0x1530];
	v23 =	vadd.s32 v11, v48;
	v19 =	vor.u32 $0x280, v19  }
0x33e: {  	v58 =	vand.u32 $0x7F, v55;
	v60 =	vshll.u32 v55, $0x3;
	v54 =	vshll.u32 v23, $0x3;
	[tilespmem:v20+s25+$0x0] =	vst.idx.add.f32.msk $0xffff, v1  }
0x33f: {  	v21 =	vand.u32 $0xFFFFFC00, v51;
	v20 =	vand.u32 $0xFFFFFC00, v54;
	v56 =	vld [tilespmem:s5+$0x15A0];
	v25 =	vadd.s32 v11, v53  }
0x340: {  	v23 =	vand.u32 $0x7F, v23;
	v20 =	vadd.s32 v18, v20;
	[tilespmem:v22+s25+$0x0] =	vst.idx.add.f32.msk $0xffff, v1;
	v59 =	vshll.u32 v25, $0x3  }
0x341: {  	v21 =	vadd.s32 v18, v21;
	v20 =	vor.u32 v23, v20;
	v61 =	vld [tilespmem:s5+$0x1620];
	v22 =	vand.u32 $0xFFFFFC00, v59  }
0x342: {  	v20 =	vor.u32 $0x300, v20;
	[tilespmem:v19+s25+$0x0] =	vst.idx.add.f32.msk $0xffff, v1;
	v19 =	vand.u32 $0x7F, v25;
	v22 =	vadd.s32 v18, v22  }
0x343: {  	v21 =	vor.u32 v42, v21;
	v23 =	vand.u32 $0xFFFFFC00, v60;
	v19 =	vor.u32 v19, v22  }
0x344: {  	v23 =	vadd.s32 v18, v23;
	v62 =	vadd.s32 v12, v56;
	v63 =	vld [tilespmem:s5+$0x16A0];
	v19 =	vor.u32 $0x380, v19  }
0x345: {  	v27 =	vadd.s32 v13, v57;
	v30 =	vor.u32 v58, v23;
	v31 =	vshll.u32 v62, $0x3  }
0x346: {  	v32 =	vand.u32 $0x7F, v27;
	v22 =	vor.u32 $0x80, v30;
	v23 =	vand.u32 $0xFFFFFC00, v31  }
0x347: {  	v25 =	vand.u32 $0x7F, v62;
	v24 =	vadd.s32 v12, v61;
	[tilespmem:v20+s25+$0x0] =	vst.idx.add.f32.msk $0xffff, v1;
	v23 =	vadd.s32 v18, v23  }
0x348: {  	v33 =	vshll.u32 v24, $0x3;
	v34 =	vld [tilespmem:s5+$0x1720];
	v24 =	vand.u32 $0x7F, v24;
	v23 =	vor.u32 v25, v23  }
0x349: {  	v25 =	vand.u32 $0xFFFFFC00, v33;
	v23 =	vor.u32 $0x180, v23;
	v26 =	vadd.s32 v12, v63;
	[tilespmem:v19+s25+$0x0] =	vst.idx.add.f32.msk $0xffff, v1  }
0x34a: {  	v25 =	vadd.s32 v18, v25;
	v35 =	vshll.u32 v26, $0x3;
	v19 =	vshll.u32 v27, $0x3;
	v37 =	vld [tilespmem:s5+$0x17A0]  }
0x34b: {  	[tilespmem:v21+s25+$0x0] =	vst.idx.add.f32.msk $0xffff, v1;
	v24 =	vor.u32 v24, v25;
	v39 =	vand.u32 $0x7F, v26;
	v36 =	vand.u32 $0xFFFFFC00, v35  }
0x34c: {  	[tilespmem:v22+s25+$0x0] =	vst.idx.add.f32.msk $0xffff, v1;
	v38 =	vor.u32 $0x200, v24;
	v19 =	vand.u32 $0xFFFFFC00, v19;
	v25 =	vadd.s32 v18, v36  }
0x34d: {  	v40 =	vld [tilespmem:s5+$0x1460];
	v41 =	vadd.s32 v12, v34;
	v19 =	vadd.s32 v18, v19;
	v24 =	vor.u32 v39, v25  }
0x34e: {  	v43 =	vshll.u32 v41, $0x3;
	v19 =	vor.u32 v32, v19;
	[tilespmem:v23+s25+$0x0] =	vst.idx.add.f32.msk $0xffff, v1;
	v42 =	vor.u32 $0x280, v24  }
0x34f: {  	v45 =	vand.u32 $0x7F, v41;
	v24 =	vand.u32 $0xFFFFFC00, v43;
	v44 =	vld [tilespmem:s5+$0x15B0];
	v46 =	vadd.s32 v12, v37  }
0x350: {  	v54 =	vld [tilespmem:s5+$0x14D0];
	v19 =	vor.u32 $0x100, v19;
	v24 =	vadd.s32 v18, v24;
	v48 =	vshll.u32 v46, $0x3  }
0x351: {  	[tilespmem:v38+s25+$0x0] =	vst.idx.add.f32.msk $0xffff, v1;
	v47 =	vor.u32 v45, v24;
	v22 =	vand.u32 $0xFFFFFC00, v48  }
0x352: {  	v49 =	vld [tilespmem:s5+$0x1630];
	v21 =	vor.u32 $0x300, v47;
	v50 =	vand.u32 $0x7F, v46;
	v22 =	vadd.s32 v18, v22  }
0x353: {  	[tilespmem:v42+s25+$0x0] =	vst.idx.add.f32.msk $0xffff, v1;
	v22 =	vor.u32 v50, v22  }
0x354: {  	v20 =	vadd.s32 v13, v44;
	v52 =	vld [tilespmem:s5+$0x16B0];
	v22 =	vor.u32 $0x380, v22  }
0x355: {  	v26 =	vadd.s32 v16, v40;
	[tilespmem:v19+s25+$0x0] =	vst.idx.add.f32.msk $0xffff, v1;
	v55 =	vshll.u32 v20, $0x3  }
0x356: {  	v51 =	vshll.u32 v26, $0x3;
	v26 =	vand.u32 $0x7F, v26;
	v59 =	vld [tilespmem:s5+$0x1540];
	v19 =	vand.u32 $0xFFFFFC00, v55  }
0x357: {  	v20 =	vand.u32 $0x7F, v20;
	v24 =	vadd.s32 v13, v49;
	[tilespmem:v21+s25+$0x0] =	vst.idx.add.f32.msk $0xffff, v1;
	v19 =	vadd.s32 v18, v19  }
0x358: {  	v53 =	vand.u32 $0xFFFFFC00, v51;
	v57 =	vshll.u32 v24, $0x3;
	v58 =	vld [tilespmem:s5+$0x1730];
	v19 =	vor.u32 v20, v19  }
0x359: {  	v20 =	vand.u32 $0xFFFFFC00, v57;
	v19 =	vor.u32 $0x180, v19;
	v27 =	vadd.s32 v13, v52;
	[tilespmem:v22+s25+$0x0] =	vst.idx.add.f32.msk $0xffff, v1  }
0x35a: {  	v24 =	vand.u32 $0x7F, v24;
	v20 =	vadd.s32 v18, v20;
	v60 =	vshll.u32 v27, $0x3;
	v63 =	vld [tilespmem:s5+$0x17B0]  }
0x35b: {  	v23 =	vadd.s32 v18, v53;
	v20 =	vor.u32 v24, v20;
	v62 =	vand.u32 $0xFFFFFC00, v60  }
0x35c: {  	v27 =	vand.u32 $0x7F, v27;
	v20 =	vor.u32 $0x200, v20;
	v24 =	vadd.s32 v18, v62  }
0x35d: {  	v56 =	vor.u32 v26, v23;
	v23 =	vadd.s32 v13, v58;
	v24 =	vor.u32 v27, v24  }
0x35e: {  	v61 =	vadd.s32 v15, v54;
	v33 =	vshll.u32 v23, $0x3;
	[tilespmem:v19+s25+$0x0] =	vst.idx.add.f32.msk $0xffff, v1;
	v19 =	vor.u32 $0x280, v24  }
0x35f: {  	v26 =	vadd.s32 v14, v59;
	v24 =	vand.u32 $0xFFFFFC00, v33;
	v25 =	vadd.s32 v13, v63  }
0x360: {  	v23 =	vand.u32 $0x7F, v23;
	v34 =	vld [tilespmem:s5+$0x15C0];
	v24 =	vadd.s32 v18, v24;
	v37 =	vshll.u32 v25, $0x3  }
0x361: {  	v38 =	vshll.u32 v26, $0x3;
	[tilespmem:v20+s25+$0x0] =	vst.idx.add.f32.msk $0xffff, v1;
	v36 =	vor.u32 v23, v24;
	v23 =	vand.u32 $0xFFFFFC00, v37  }
0x362: {  	v39 =	vld [tilespmem:s5+$0x1640];
	v20 =	vor.u32 $0x300, v36;
	v40 =	vand.u32 $0x7F, v25;
	v23 =	vadd.s32 v18, v23  }
0x363: {  	v22 =	vshll.u32 v61, $0x3;
	[tilespmem:v19+s25+$0x0] =	vst.idx.add.f32.msk $0xffff, v1;
	v19 =	vand.u32 $0xFFFFFC00, v38;
	v23 =	vor.u32 v40, v23  }
0x364: {  	v35 =	vand.u32 $0x7F, v26;
	v19 =	vadd.s32 v18, v19;
	v23 =	vor.u32 $0x380, v23  }
0x365: {  	v32 =	vand.u32 $0x7F, v61;
	v22 =	vand.u32 $0xFFFFFC00, v22;
	v43 =	vld [tilespmem:s5+$0x16C0];
	v19 =	vor.u32 v35, v19  }
0x366: {  	[tilespmem:v56+s25+$0x0] =	vst.idx.add.f32.msk $0xffff, v1;
	v44 =	vadd.s32 v18, v22;
	v41 =	vadd.s32 v14, v34;
	v19 =	vor.u32 $0x100, v19  }
0x367: {  	v48 =	vor.u32 v32, v44;
	v42 =	vshll.u32 v41, $0x3;
	v46 =	vand.u32 $0x7F, v41;
	[tilespmem:v20+s25+$0x0] =	vst.idx.add.f32.msk $0xffff, v1  }
0x368: {  	v45 =	vand.u32 $0xFFFFFC00, v42;
	v47 =	vadd.s32 v14, v39;
	v20 =	vor.u32 $0x80, v48;
	v51 =	vld [tilespmem:s5+$0x1740]  }
0x369: {  	v22 =	vadd.s32 v18, v45;
	v50 =	vshll.u32 v47, $0x3;
	v25 =	vand.u32 $0x7F, v47;
	[tilespmem:v23+s25+$0x0] =	vst.idx.add.f32.msk $0xffff, v1  }
0x36a: {  	v49 =	vor.u32 v46, v22;
	v22 =	vand.u32 $0xFFFFFC00, v50;
	v27 =	vadd.s32 v14, v43;
	v54 =	vld [tilespmem:s5+$0x17C0]  }
0x36b: {  	v21 =	vor.u32 $0x180, v49;
	v22 =	vadd.s32 v18, v22;
	v53 =	vshll.u32 v27, $0x3;
	[tilespmem:v19+s25+$0x0] =	vst.idx.add.f32.msk $0xffff, v1  }
0x36c: {  	v22 =	vor.u32 v25, v22;
	v27 =	vand.u32 $0x7F, v27;
	v55 =	vand.u32 $0xFFFFFC00, v53;
	v56 =	vld [tilespmem:s5+$0x1550]  }
0x36d: {  	v52 =	vld [tilespmem:s5+$0x1470];
	v19 =	vor.u32 $0x200, v22;
	v22 =	vadd.s32 v18, v55;
	v24 =	vadd.s32 v14, v51  }
0x36e: {  	[tilespmem:v20+s25+$0x0] =	vst.idx.add.f32.msk $0xffff, v1;
	v57 =	vor.u32 v27, v22;
	v58 =	vshll.u32 v24, $0x3  }
0x36f: {  	v61 =	vld [tilespmem:s5+$0x14E0];
	v20 =	vor.u32 $0x280, v57;
	v59 =	vand.u32 $0xFFFFFC00, v58;
	v25 =	vadd.s32 v14, v54  }
0x370: {  	v24 =	vand.u32 $0x7F, v24;
	[tilespmem:v21+s25+$0x0] =	vst.idx.add.f32.msk $0xffff, v1;
	v21 =	vadd.s32 v18, v59;
	v62 =	vshll.u32 v25, $0x3  }
0x371: {  	v60 =	vld [tilespmem:s5+$0x15D0];
	v21 =	vor.u32 v24, v21;
	v23 =	vadd.s32 v15, v56;
	v63 =	vand.u32 $0xFFFFFC00, v62  }
0x372: {  	[tilespmem:v19+s25+$0x0] =	vst.idx.add.f32.msk $0xffff, v1;
	v19 =	vor.u32 $0x300, v21;
	v25 =	vand.u32 $0x7F, v25;
	v21 =	vadd.s32 v18, v63  }
0x373: {  	v38 =	vadd.s32 v17, v52;
	v33 =	vld [tilespmem:s5+$0x1650];
	v32 =	vshll.u32 v23, $0x3;
	v34 =	vor.u32 v25, v21  }
0x374: {  	v27 =	vadd.s32 v16, v61;
	v24 =	vand.u32 $0xFFFFFC00, v32;
	[tilespmem:v20+s25+$0x0] =	vst.idx.add.f32.msk $0xffff, v1;
	v20 =	vor.u32 $0x380, v34  }
0x375: {  	v56 =	vshll.u32 v38, $0x3;
	v23 =	vand.u32 $0x7F, v23;
	v35 =	vadd.s32 v18, v24;
	v36 =	vld [tilespmem:s5+$0x16D0]  }
0x376: {  	v46 =	vand.u32 $0x7F, v27;
	v22 =	vadd.s32 v15, v60;
	v21 =	vor.u32 v23, v35  }
0x377: {  	v27 =	vshll.u32 v27, $0x3;
	v37 =	vshll.u32 v22, $0x3;
	v21 =	vor.u32 $0x100, v21;
	[tilespmem:v19+s25+$0x0] =	vst.idx.add.f32.msk $0xffff, v1  }
0x378: {  	v23 =	vand.u32 $0xFFFFFC00, v37;
	v19 =	vand.u32 $0x7F, v22;
	v40 =	vadd.s32 v15, v33;
	v41 =	vld [tilespmem:s5+$0x1750]  }
0x379: {  	v39 =	vadd.s32 v18, v23;
	v42 =	vshll.u32 v40, $0x3;
	v43 =	vand.u32 $0x7F, v40;
	[tilespmem:v20+s25+$0x0] =	vst.idx.add.f32.msk $0xffff, v1  }
0x37a: {  	v19 =	vor.u32 v19, v39;
	v22 =	vand.u32 $0xFFFFFC00, v42;
	v24 =	vadd.s32 v15, v36;
	v45 =	vld [tilespmem:s5+$0x17D0]  }
0x37b: {  	v19 =	vor.u32 $0x180, v19;
	v22 =	vadd.s32 v18, v22;
	v44 =	vshll.u32 v24, $0x3  }
0x37c: {  	v20 =	vor.u32 v43, v22;
	v24 =	vand.u32 $0x7F, v24;
	v47 =	vand.u32 $0xFFFFFC00, v44  }
0x37d: {  	[tilespmem:v21+s25+$0x0] =	vst.idx.add.f32.msk $0xffff, v1;
	v20 =	vor.u32 $0x200, v20;
	v22 =	vadd.s32 v18, v47;
	v26 =	vadd.s32 v15, v41  }
0x37e: {  	v27 =	vand.u32 $0xFFFFFC00, v27;
	v48 =	vld [tilespmem:s5+$0x1560];
	v22 =	vor.u32 v24, v22;
	v49 =	vshll.u32 v26, $0x3  }
0x37f: {  	v22 =	vor.u32 $0x280, v22;
	v24 =	vand.u32 $0xFFFFFC00, v49;
	v50 =	vadd.s32 v15, v45  }
0x380: {  	[tilespmem:v19+s25+$0x0] =	vst.idx.add.f32.msk $0xffff, v1;
	v19 =	vand.u32 $0x7F, v26;
	v24 =	vadd.s32 v18, v24;
	v52 =	vshll.u32 v50, $0x3  }
0x381: {  	v27 =	vadd.s32 v18, v27;
	v51 =	vld [tilespmem:s5+$0x15E0];
	v19 =	vor.u32 v19, v24;
	v24 =	vand.u32 $0xFFFFFC00, v52  }
0x382: {  	[tilespmem:v20+s25+$0x0] =	vst.idx.add.f32.msk $0xffff, v1;
	v19 =	vor.u32 $0x300, v19;
	v53 =	vand.u32 $0x7F, v50;
	v24 =	vadd.s32 v18, v24  }
0x383: {  	v25 =	vand.u32 $0x7F, v38;
	v23 =	vadd.s32 v16, v48;
	v55 =	vld [tilespmem:s5+$0x1660];
	v20 =	vor.u32 v53, v24  }
0x384: {  	v21 =	vor.u32 v46, v27;
	v54 =	vshll.u32 v23, $0x3;
	[tilespmem:v22+s25+$0x0] =	vst.idx.add.f32.msk $0xffff, v1;
	v20 =	vor.u32 $0x380, v20  }
0x385: {  	v21 =	vor.u32 $0x80, v21;
	v57 =	vand.u32 $0x7F, v23;
	v26 =	vand.u32 $0xFFFFFC00, v54;
	v60 =	vld [tilespmem:s5+$0x16E0]  }
0x386: {  	v58 =	vadd.s32 v18, v26;
	v59 =	vadd.s32 v16, v51;
	v24 =	vand.u32 $0xFFFFFC00, v56  }
0x387: {  	v22 =	vor.u32 v57, v58;
	v61 =	vshll.u32 v59, $0x3;
	v24 =	vadd.s32 v18, v24;
	[tilespmem:v19+s25+$0x0] =	vst.idx.add.f32.msk $0xffff, v1  }
0x388: {  	v23 =	vand.u32 $0xFFFFFC00, v61;
	v19 =	vand.u32 $0x7F, v59;
	v62 =	vadd.s32 v16, v55;
	v63 =	vld [tilespmem:s5+$0x1760]  }
0x389: {  	v22 =	vor.u32 $0x100, v22;
	v23 =	vadd.s32 v18, v23;
	v31 =	vshll.u32 v62, $0x3;
	[tilespmem:v20+s25+$0x0] =	vst.idx.add.f32.msk $0xffff, v1  }
0x38a: {  	v35 =	vand.u32 $0x7F, v62;
	v19 =	vor.u32 v19, v23;
	v33 =	vadd.s32 v16, v60;
	v34 =	vld [tilespmem:s5+$0x17E0]  }
0x38b: {  	[tilespmem:v21+s25+$0x0] =	vst.idx.add.f32.msk $0xffff, v1;
	v32 =	vand.u32 $0xFFFFFC00, v31;
	v19 =	vor.u32 $0x180, v19;
	v36 =	vshll.u32 v33, $0x3  }
0x38c: {  	v37 =	vld [tilespmem:s5+$0x14F0];
	v20 =	vadd.s32 v18, v32;
	v23 =	vand.u32 $0x7F, v33;
	v26 =	vand.u32 $0xFFFFFC00, v36  }
0x38d: {  	v20 =	vor.u32 v35, v20;
	v26 =	vadd.s32 v18, v26;
	v27 =	vadd.s32 v16, v63  }
0x38e: {  	[tilespmem:v22+s25+$0x0] =	vst.idx.add.f32.msk $0xffff, v1;
	v20 =	vor.u32 $0x200, v20;
	v38 =	vor.u32 v23, v26;
	v39 =	vshll.u32 v27, $0x3  }
0x38f: {  	v40 =	vld [tilespmem:s5+$0x1570];
	v22 =	vor.u32 $0x280, v38;
	v23 =	vand.u32 $0xFFFFFC00, v39;
	v28 =	vadd.s32 v16, v34  }
0x390: {  	[tilespmem:v19+s25+$0x0] =	vst.idx.add.f32.msk $0xffff, v1;
	v19 =	vand.u32 $0x7F, v27;
	v23 =	vadd.s32 v18, v23;
	v41 =	vshll.u32 v28, $0x3  }
0x391: {  	v21 =	vadd.s32 v17, v37;
	v42 =	vld [tilespmem:s5+$0x15F0];
	v19 =	vor.u32 v19, v23;
	v27 =	vand.u32 $0xFFFFFC00, v41  }
0x392: {  	v19 =	vor.u32 $0x300, v19;
	v28 =	vand.u32 $0x7F, v28;
	v27 =	vadd.s32 v18, v27  }
0x393: {  	v24 =	vor.u32 v25, v24;
	v43 =	vshll.u32 v21, $0x3;
	[tilespmem:v20+s25+$0x0] =	vst.idx.add.f32.msk $0xffff, v1;
	v44 =	vor.u32 v28, v27  }
0x394: {  	v25 =	vand.u32 $0xFFFFFC00, v43;
	v26 =	vadd.s32 v17, v40;
	v45 =	vld [tilespmem:s5+$0x1670];
	v20 =	vor.u32 $0x380, v44  }
0x395: {  	v21 =	vand.u32 $0x7F, v21;
	v25 =	vadd.s32 v18, v25;
	v46 =	vshll.u32 v26, $0x3;
	[tilespmem:v22+s25+$0x0] =	vst.idx.add.f32.msk $0xffff, v1  }
0x396: {  	v21 =	vor.u32 v21, v25;
	v47 =	vand.u32 $0xFFFFFC00, v46;
	v23 =	vadd.s32 v17, v42;
	v48 =	vld [tilespmem:s5+$0x16F0]  }
0x397: {  	v26 =	vand.u32 $0x7F, v26;
	v22 =	vadd.s32 v18, v47;
	v49 =	vshll.u32 v23, $0x3;
	[tilespmem:v19+s25+$0x0] =	vst.idx.add.f32.msk $0xffff, v1  }
0x398: {  	v50 =	vor.u32 v26, v22;
	v23 =	vand.u32 $0x7F, v23;
	v51 =	vand.u32 $0xFFFFFC00, v49;
	v52 =	vld [tilespmem:s5+$0x1770]  }
0x399: {  	v19 =	vor.u32 $0x80, v21;
	v22 =	vadd.s32 v18, v51;
	v27 =	vadd.s32 v17, v45;
	[tilespmem:v20+s25+$0x0] =	vst.idx.add.f32.msk $0xffff, v1  }
0x39a: {  	v53 =	vor.u32 $0x100, v50;
	v54 =	vor.u32 v23, v22;
	v55 =	vshll.u32 v27, $0x3;
	v56 =	vld [tilespmem:s5+$0x17F0]  }
0x39b: {  	v27 =	vand.u32 $0x7F, v27;
	v22 =	vand.u32 $0xFFFFFC00, v55;
	v25 =	vadd.s32 v17, v48  }
0x39c: {  	v21 =	vor.u32 $0x180, v54;
	v22 =	vadd.s32 v18, v22;
	v57 =	vshll.u32 v25, $0x3  }
0x39d: {  	v25 =	vand.u32 $0x7F, v25;
	v22 =	vor.u32 v27, v22;
	v58 =	vand.u32 $0xFFFFFC00, v57  }
0x39e: {  	v26 =	vadd.s32 v17, v52;
	v27 =	vadd.s32 v18, v58;
	v22 =	vor.u32 $0x200, v22  }
0x39f: {  	v59 =	vshll.u32 v26, $0x3;
	v25 =	vor.u32 v25, v27;
	v23 =	vadd.s32 v17, v56  }
0x3a0: {  	v26 =	vand.u32 $0x7F, v26;
	v60 =	vand.u32 $0xFFFFFC00, v59;
	v61 =	vshll.u32 v23, $0x3  }
0x3a1: {  	v63 =	vor.u32 $0x280, v25;
	v27 =	vadd.s32 v18, v60;
	v62 =	vand.u32 $0xFFFFFC00, v61  }
0x3a2: {  	[tilespmem:v24+s25+$0x0] =	vst.idx.add.f32.msk $0xffff, v1;
	v26 =	vor.u32 v26, v27;
	v23 =	vand.u32 $0x7F, v23;
	v18 =	vadd.s32 v18, v62  }
0x3a3: {  	[tilespmem:v19+s25+$0x0] =	vst.idx.add.f32.msk $0xffff, v1;
	v19 =	vor.u32 $0x300, v26;
	v18 =	vor.u32 v23, v18  }
0x3a4: {  	p2 =	por p1, p1;
	[tilespmem:v53+s25+$0x0] =	vst.idx.add.f32.msk $0xffff, v1;
	v18 =	vor.u32 $0x380, v18  }
.Ltmp7:
0x3a5: {  	[tilespmem:v21+s25+$0x0] =	vst.idx.add.f32.msk $0xffff, v1;
	(pc) =	sbr.rel @p2 .LBB2_11-.Ltmp7, $4  }
0x3a6: {  	[tilespmem:v22+s25+$0x0] =	vst.idx.add.f32.msk $0xffff, v1  }
0x3a7: {  	[tilespmem:v63+s25+$0x0] =	vst.idx.add.f32.msk $0xffff, v1  }
0x3a8: {  	[tilespmem:v19+s25+$0x0] =	vst.idx.add.f32.msk $0xffff, v1  }
0x3a9: {  	s6 =	simm.s32 $0x8;
	p1 =	por $0x0, $0x0;
	[tilespmem:v18+s25+$0x0] =	vst.idx.add.f32.msk $0xffff, v1  }
0x3aa: {  	s5 =	sadd.s32 s10, s2  }
0x3ab: {  	s6 =	sshll.u32 s5, $0x5  }
0x3ac: {  	s5 =	sshll.u32 s5, $0x4;
	s6 =	sand.u32 $0xFFFFF00, s6  }
0x3ad: {  	s5 =	sand.u32 $0x70, s5;
	s6 =	sadd.s32 s6, s11  }
0x3ae: {  	s5 =	sadd.s32 s5, s6  }
0x3af: {  	[hbm4b:s5+s19] =	stream.strided.scatter [tilespmem:s25], [sflag:$0x4], $0x400, s20, s19, $0x38;
	[tilespmem:$0x4100] =	vst v63  }
0x3b0: {  	s6 =	sadd.s32 $0x80, s5  }
0x3b1: {  	[hbm4b:s6+s19] =	stream.strided.scatter [tilespmem:s26], [sflag:$0x4], $0x400, s20, s19, $0x38;
	[tilespmem:$0x4100] =	vst v63  }
.Ltmp8:
0x3b2: {  	_ = 	snop;
	(pc) =	sbr.rel @p0 .LBB2_14-.Ltmp8, $4  }
0x3b3: {  	s5 =	sadd.s32 $0x20000, s5  }
0x3b4: {  	[hbm4b:s5+s19] =	stream.strided.scatter [tilespmem:s28], [sflag:$0x4], $0x400, s20, s19, $0x38;
	[tilespmem:$0x4100] =	vst v63  }
0x3b5: {  	s5 =	sadd.s32 $0x80, s5  }
0x3b6: {  	[hbm4b:s5+s19] =	stream.strided.scatter [tilespmem:s29], [sflag:$0x4], $0x400, s20, s19, $0x38;
	[tilespmem:$0x4100] =	vst v63  }
.Ltmp9:
0x3b7: {  	s5 =	sadd.s32 s14, s12;
	(pc) =	sbr.rel .LBB2_8-.Ltmp9, $4  }
0x3b8: {  	s5 =	sshll.u32 s5, $0x9  }
0x3b9: {  	s5 =	sand.u32 $0x1FFFFE00, s5  }
0x3ba: {  	s2 =	sadd.s32 $0x1, s2;
	s5 =	sadd.s32 s1, s5  }
0x3bb: {  	[tilespmem:s16], [sflag:$0x2] =	stream.linear.gather [hbm4b:s5+s4], $0x1000, $0x38;
	[tilespmem:$0x4100] =	vst v63  }
.LBB2_4:
.Ltmp10:
0x3bc: {  	(pc) =	sbr.rel .LBB2_7-.Ltmp10, $2  }
0x3bd: {  	_ =	sdelay $0x2  }
0x3be: {  	_ = 	snop  }
.LBB2_15:
0x3bf: {  	_ =	sfence.sel $0x180000  }
0x3c0: {  	[bflag:$0x0] =	sbarrier.arrive $0xFFFF  }
0x3c1: {  	_ =	strace $0x90000047  }
0x3c2: {  	s0 =	stileid.u32;
	[bflag:$0x2] =	sbarrier.arrive $0xFFFF  }
0x3c3: {  	p0 =	sne.s32 s0, $0x0;
	s0 =	rddreg [dreg:$0x3]  }
0x3c4: {  	s0 =	sadd.s32 @!p0 $0x100000, s0  }
0x3c5: {  	[sflag:s0] =	ssyncadd.tile.s32 @!p0 $0x1;
	_ =	shalt  }
.Lfunc_end2:
_tile_overlayer_lowered:
.L_overlay_start_2:
0x3c6: {  	(tag) =	ssettag $0x2  }
0x3c7: {  	s0 =	rddreg [dreg:$0x0];
	s2 =	stileid.u32  }
0x3c8: {  	s1 =	rddreg [dreg:$0x1];
	p0 =	sne.s32 s2, $0x0  }
0x3c9: {  	s3 =	rddreg [dreg:$0x2];
	[bflag:$0x3] =	sbarrier.arrive $0xFFFF;
	s2 =	simm.s32 @!p0 $0x1C05  }
0x3ca: {  	[timem:s3], [sflag:s2] =	dma.local @!p0 [hbm:s0], s1  }
0x3cb: {  	s0 =	simm.s32 @!p0 $0x5  }
0x3cc: {  	_ =	swait.ge @!p0 [sflag:s0], s1  }
0x3cd: {  	s1 =	ssub.s32 @!p0 $0x0, s1;
	[sflag:s0] =	ssyncset.done @!p0 $0x0  }
0x3ce: {  	[sflag:s0] =	ssyncadd.s32 @!p0 s1  }
0x3cf: {  	[bflag:$0x3] =	sbarrier.arrive $0xFFFF  }
0x3d0: {  	_ =	shalt  }

</sc_bundles>
